<compile_context>
chip_gen: v7x
topology: tpu7x:2x2x1
jax: 0.10.2.dev20260603
libtpu: 0.0.44.dev20260713+nightly
codegen_flags: <defaults>
</compile_context>

<pallas_src>
import functools

import jax
import jax.numpy as jnp
from jax import lax
from jax.experimental import pallas as pl
from jax.experimental.pallas import tpu as pltpu
from jax.experimental.pallas import tpu_sc as plsc

NC = 2
NS = 16
NW = NC * NS
LANES = 16
EBG = 128
EBS = 64
IGG = 16
ZR = 32

_mesh = plsc.VectorSubcoreMesh(core_axis_name="c", subcore_axis_name="s")


def _sc_degree(dst2d, npad, cpw):
    rpt = npad // NS

    @functools.partial(
        pl.kernel,
        mesh=_mesh,
        out_type=jax.ShapeDtypeStruct((NC * npad, LANES), jnp.float32),
        scratch_types=[
            pltpu.VMEM((cpw, EBS), jnp.int32),
            pltpu.VMEM((EBS, LANES), jnp.float32),
            pltpu.VMEM((ZR, LANES), jnp.float32),
            pltpu.VMEM_SHARED((npad, LANES), jnp.float32),
        ],
    )
    def kdeg(dst_hbm, out_hbm, dst_v, ones_v, z_v, deg_sh):
        c = lax.axis_index("c")
        s = lax.axis_index("s")
        w = s * NC + c
        base = s * rpt
        pltpu.sync_copy(dst_hbm.at[pl.ds(w * cpw, cpw)], dst_v)

        @pl.loop(0, EBS)
        def _fill_ones(i):
            ones_v[i, :] = jnp.full((LANES,), 1.0, jnp.float32)

        @pl.loop(0, ZR)
        def _fill_zero(i):
            z_v[i, :] = jnp.zeros((LANES,), jnp.float32)

        @pl.loop(0, rpt, step=ZR)
        def _zero_acc(r):
            pltpu.sync_copy(z_v, deg_sh.at[pl.ds(base + r, ZR)])

        plsc.subcore_barrier()

        @pl.loop(0, cpw)
        def _edges(t):
            pltpu.sync_copy(ones_v, deg_sh.at[dst_v.at[t]], add=True)

        plsc.subcore_barrier()
        pltpu.sync_copy(deg_sh.at[pl.ds(base, rpt)],
                        out_hbm.at[pl.ds(c * npad + base, rpt)])

    return kdeg(dst2d)


def _sc_aggregate(y, srcg, dsts, npad, gpw):
    rpt = npad // NS

    @functools.partial(
        pl.kernel,
        mesh=_mesh,
        out_type=jax.ShapeDtypeStruct((NC * npad, 128), jnp.float32),
        scratch_types=[
            pltpu.VMEM((IGG, EBG), jnp.int32),
            pltpu.VMEM((2 * IGG, EBS), jnp.int32),
            pltpu.VMEM((EBG, 128), jnp.float32),
            pltpu.VMEM((EBG, 128), jnp.float32),
            pltpu.VMEM((ZR, 128), jnp.float32),
            pltpu.VMEM_SHARED((npad, 128), jnp.float32),
            pltpu.SemaphoreType.DMA,
            pltpu.SemaphoreType.DMA,
        ],
    )
    def kagg(y_hbm, src_hbm, dst_hbm, out_hbm,
             src_v, dst_v, buf0, buf1, z_v, acc_sh, sem0, sem1):
        c = lax.axis_index("c")
        s = lax.axis_index("s")
        w = s * NC + c
        base = s * rpt

        @pl.loop(0, ZR)
        def _fill_zero(i):
            @pl.loop(0, 128, step=LANES)
            def _fz(j):
                z_v[i, pl.ds(j, LANES)] = jnp.zeros((LANES,), jnp.float32)

        @pl.loop(0, rpt, step=ZR)
        def _zero_acc(r):
            pltpu.sync_copy(z_v, acc_sh.at[pl.ds(base + r, ZR)])

        plsc.subcore_barrier()

        @pl.loop(0, gpw, step=IGG)
        def _groups(g):
            pltpu.sync_copy(src_hbm.at[pl.ds(w * gpw + g, IGG)], src_v)
            pltpu.sync_copy(
                dst_hbm.at[pl.ds(2 * (w * gpw + g), 2 * IGG)], dst_v)

            pltpu.make_async_copy(y_hbm.at[src_v.at[0]], buf0, sem0).start()

            @pl.loop(0, IGG, step=2)
            def _edges(t):
                pltpu.make_async_copy(y_hbm.at[src_v.at[t]], buf0, sem0).wait()
                pltpu.make_async_copy(
                    y_hbm.at[src_v.at[t + 1]], buf1, sem1).start()
                pltpu.sync_copy(buf0.at[pl.ds(0, EBS)],
                                acc_sh.at[dst_v.at[2 * t]], add=True)
                pltpu.sync_copy(buf0.at[pl.ds(EBS, EBS)],
                                acc_sh.at[dst_v.at[2 * t + 1]], add=True)
                pltpu.make_async_copy(
                    y_hbm.at[src_v.at[t + 1]], buf1, sem1).wait()

                @pl.when(t + 2 < IGG)
                def _next():
                    pltpu.make_async_copy(
                        y_hbm.at[src_v.at[t + 2]], buf0, sem0).start()

                pltpu.sync_copy(buf1.at[pl.ds(0, EBS)],
                                acc_sh.at[dst_v.at[2 * t + 2]], add=True)
                pltpu.sync_copy(buf1.at[pl.ds(EBS, EBS)],
                                acc_sh.at[dst_v.at[2 * t + 3]], add=True)

        plsc.subcore_barrier()
        pltpu.sync_copy(acc_sh.at[pl.ds(base, rpt)],
                        out_hbm.at[pl.ds(c * npad + base, rpt)])

    return kagg(y, srcg, dsts)


def _tc_matmul(xp, w, npad):
    bn = 1024

    def body(x_ref, w_ref, o_ref):
        o_ref[...] = lax.dot_general(
            x_ref[...], w_ref[...], (((1,), (0,)), ((), ())),
            precision=lax.Precision.HIGHEST,
            preferred_element_type=jnp.float32)

    return pl.pallas_call(
        body,
        grid=(npad // bn,),
        in_specs=[pl.BlockSpec((bn, 128), lambda i: (i, 0)),
                  pl.BlockSpec((128, 128), lambda i: (0, 0))],
        out_specs=pl.BlockSpec((bn, 128), lambda i: (i, 0)),
        out_shape=jax.ShapeDtypeStruct((npad, 128), jnp.float32),
    )(xp, w)


def _tc_scale(deg2, xw, npad):
    bn = 1024
    nb = npad // bn

    def body(d0_ref, d1_ref, xw_ref, y_ref, di_ref):
        deg = d0_ref[...][:, 0] + d1_ref[...][:, 0] + 1.0
        dinv = lax.rsqrt(deg)
        di_ref[...] = dinv
        y_ref[...] = xw_ref[...] * dinv[:, None]

    return pl.pallas_call(
        body,
        grid=(nb,),
        in_specs=[pl.BlockSpec((bn, LANES), lambda i: (i, 0)),
                  pl.BlockSpec((bn, LANES), lambda i: (i + nb, 0)),
                  pl.BlockSpec((bn, 128), lambda i: (i, 0))],
        out_specs=[pl.BlockSpec((bn, 128), lambda i: (i, 0)),
                   pl.BlockSpec((bn,), lambda i: (i,))],
        out_shape=[jax.ShapeDtypeStruct((npad, 128), jnp.float32),
                   jax.ShapeDtypeStruct((npad,), jnp.float32)],
    )(deg2, deg2, xw)


def _tc_mid(acc2, y1, dinv, b1, w2, npad):
    bn = 1024
    nb = npad // bn

    def body(a0_ref, a1_ref, y_ref, di_ref, b_ref, w_ref, o_ref):
        di = di_ref[...]
        h = (a0_ref[...] + a1_ref[...] + y_ref[...]) * di[:, None] \
            + b_ref[...][None, :]
        hw = lax.dot_general(
            h, w_ref[...], (((1,), (0,)), ((), ())),
            precision=lax.Precision.HIGHEST,
            preferred_element_type=jnp.float32)
        o_ref[...] = hw * di[:, None]

    return pl.pallas_call(
        body,
        grid=(nb,),
        in_specs=[pl.BlockSpec((bn, 128), lambda i: (i, 0)),
                  pl.BlockSpec((bn, 128), lambda i: (i + nb, 0)),
                  pl.BlockSpec((bn, 128), lambda i: (i, 0)),
                  pl.BlockSpec((bn,), lambda i: (i,)),
                  pl.BlockSpec((128,), lambda i: (0,)),
                  pl.BlockSpec((128, 128), lambda i: (0, 0))],
        out_specs=pl.BlockSpec((bn, 128), lambda i: (i, 0)),
        out_shape=jax.ShapeDtypeStruct((npad, 128), jnp.float32),
    )(acc2, acc2, y1, dinv, b1, w2)


def _tc_final(acc2, y2, dinv, b2, npad):
    bn = 1024
    nb = npad // bn

    def body(a0_ref, a1_ref, y_ref, di_ref, b_ref, o_ref):
        o_ref[...] = (a0_ref[...] + a1_ref[...] + y_ref[...]) \
            * di_ref[...][:, None] + b_ref[...][None, :]

    return pl.pallas_call(
        body,
        grid=(nb,),
        in_specs=[pl.BlockSpec((bn, 128), lambda i: (i, 0)),
                  pl.BlockSpec((bn, 128), lambda i: (i + nb, 0)),
                  pl.BlockSpec((bn, 128), lambda i: (i, 0)),
                  pl.BlockSpec((bn,), lambda i: (i,)),
                  pl.BlockSpec((128,), lambda i: (0,))],
        out_specs=pl.BlockSpec((bn, 128), lambda i: (i, 0)),
        out_shape=jax.ShapeDtypeStruct((npad, 128), jnp.float32),
    )(acc2, acc2, y2, dinv, b2)


def kernel(x, edge_index, W1, b1, W2, b2):
    n, d = x.shape
    e = edge_index.shape[1]
    npad = -(-(n + 1) // 2048) * 2048
    gpw = -(-e // (NW * EBG))
    gpw = -(-gpw // IGG) * IGG
    ep = NW * gpw * EBG
    cpw = 2 * gpw

    src = edge_index[0]
    dst = edge_index[1]
    pad = ep - e
    pad_dst = n + jnp.arange(pad, dtype=jnp.int32) % jnp.int32(npad - n)
    srcg = jnp.concatenate(
        [src, jnp.zeros((pad,), jnp.int32)]).reshape(NW * gpw, EBG)
    dsts = jnp.concatenate([dst, pad_dst]).reshape(NW * cpw, EBS)
    xp = jnp.pad(x, ((0, npad - n), (0, 0)))

    deg2 = _sc_degree(dsts, npad, cpw)
    xw1 = _tc_matmul(xp, W1, npad)
    y1, dinv = _tc_scale(deg2, xw1, npad)
    acc1 = _sc_aggregate(y1, srcg, dsts, npad, gpw)
    y2 = _tc_mid(acc1, y1, dinv, b1, W2, npad)
    acc2 = _sc_aggregate(y2, srcg, dsts, npad, gpw)
    outp = _tc_final(acc2, y2, dinv, b2, npad)
    return outp[:n]

# --- scband reference (transcript-rebuilt; emitter-appended) ---
"""Pipeline reference for scband-gnn-13675175870741 (READ-ONLY COPY).

The authoritative reference and input builder live on the scoring server;
editing this copy changes nothing except your own understanding.
"""

import jax, jax.numpy as jnp
import numpy as np

N = 10000
E = 320000
D_IN = 128
D_HID = 128
D_OUT = 128


def setup_inputs(seed: int = 0) -> dict:
    key = jax.random.key(seed)
    ks = jax.random.split(key, 6)
    x = jax.random.normal(ks[0], (N, D_IN), dtype=jnp.float32)
    edge_index = jax.random.randint(ks[1], (2, E), 0, N, dtype=jnp.int32)
    W1 = jax.random.normal(ks[2], (D_IN, D_HID), dtype=jnp.float32) * (1.0 / np.sqrt(D_IN))
    b1 = jnp.zeros((D_HID,), dtype=jnp.float32)
    W2 = jax.random.normal(ks[3], (D_HID, D_OUT), dtype=jnp.float32) * (1.0 / np.sqrt(D_HID))
    b2 = jnp.zeros((D_OUT,), dtype=jnp.float32)
    return {"x": x, "edge_index": edge_index, "W1": W1, "b1": b1, "W2": W2, "b2": b2}


def _gcn_conv(x, edge_index, W, b):
    # PyG GCNConv: out = D^{-1/2} (A + I) D^{-1/2} (x W) + b
    n = x.shape[0]
    src = edge_index[0]
    dst = edge_index[1]
    loop = jnp.arange(n, dtype=src.dtype)
    src = jnp.concatenate([src, loop])
    dst = jnp.concatenate([dst, loop])
    deg = jnp.zeros((n,), dtype=x.dtype).at[dst].add(1.0)
    dinv = jnp.where(deg > 0, 1.0 / jnp.sqrt(deg), 0.0)
    norm = dinv[src] * dinv[dst]
    xw = x @ W
    msg = xw[src] * norm[:, None]
    out = jnp.zeros((n, W.shape[1]), dtype=x.dtype).at[dst].add(msg)
    return out + b


def reference(x, edge_index, W1, b1, W2, b2):
    h = _gcn_conv(x, edge_index, W1, b1)
    out = _gcn_conv(h, edge_index, W2, b2)
    return out

if __name__ == "__main__":
    import jax
    _d = setup_inputs()
    print(jax.jit(kernel)(*tuple(_d.values())))

</pallas_src>

<mosaic_0001>
#map = affine_map<(d0, d1) -> (0, 0)>
module attributes {stable_mosaic.version = 14 : i64} {
  func.func @kagg(%arg0: i32, %arg1: i32, %arg2: memref<10240x128xf32, #tpu.memory_space<hbm>>, %arg3: memref<2560x128xi32, #tpu.memory_space<hbm>>, %arg4: memref<5120x64xi32, #tpu.memory_space<hbm>>, %arg5: memref<20480x128xf32, #tpu.memory_space<hbm>>, %arg6: memref<16x128xi32, #tpu.memory_space<vmem>>, %arg7: memref<32x64xi32, #tpu.memory_space<vmem>>, %arg8: memref<128x128xf32, #tpu.memory_space<vmem>>, %arg9: memref<128x128xf32, #tpu.memory_space<vmem>>, %arg10: memref<32x128xf32, #tpu.memory_space<vmem>>, %arg11: memref<10240x128xf32, #tpu.memory_space<vmem_shared>>, %arg12: memref<!tpu.dma_semaphore, #tpu.memory_space<semaphore_mem>>, %arg13: memref<!tpu.dma_semaphore, #tpu.memory_space<semaphore_mem>>) attributes {dimension_semantics = [#tpu.dimension_semantics<core_parallel>, #tpu.dimension_semantics<subcore_parallel>], iteration_bounds = array<i64: 2, 16>, scalar_prefetch = 0 : i64, scratch_operands = 8 : i64, tpu.core_type = #tpu.core_type<sc_vector_subcore>, window_params = [{transform_indices = #map}, {transform_indices = #map}, {transform_indices = #map}, {transform_indices = #map}]} {
    %mul3A = arith.constant 2 : i32
    %mul3A_0 = arith.muli %arg1, %mul3A : i32
    %add3A = arith.addi %mul3A_0, %arg0 : i32
    %mul3A_1 = arith.constant 640 : i32
    %mul3A_2 = arith.muli %arg1, %mul3A_1 : i32
    %scan3A = arith.constant 0 : i32
    %scan3A_3 = arith.constant 32 : i32
    %scan3A_4 = arith.addi %scan3A, %scan3A_3 : i32
    %scan3A_5 = arith.constant 1 : i32
    scf.for %scan3A_21 = %scan3A to %scan3A_4 step %scan3A_5  : i32 {
      %mul3A_22 = arith.constant 1 : i32
      %mul3A_23 = arith.muli %scan3A_21, %mul3A_22 : i32
      %add3A_24 = arith.constant 0 : i32
      %add3A_25 = arith.addi %add3A_24, %mul3A_23 : i32
      %scan3A_26 = arith.constant 0 : i32
      %scan3A_27 = arith.constant 8 : i32
      %scan3A_28 = arith.addi %scan3A_26, %scan3A_27 : i32
      %scan3A_29 = arith.constant 1 : i32
      scf.for %scan3A_31 = %scan3A_26 to %scan3A_28 step %scan3A_29  : i32 {
        %mul3A_32 = arith.constant 16 : i32
        %mul3A_33 = arith.muli %scan3A_31, %mul3A_32 : i32
        %add3A_34 = arith.constant 0 : i32
        %add3A_35 = arith.addi %add3A_34, %mul3A_33 : i32
        %broadcast_in_dim3A = arith.constant 0.000000e+00 : f32
        %broadcast_in_dim3A_36 = vector.broadcast %broadcast_in_dim3A : f32 to vector<16xf32>
        %swap3A = arith.index_cast %add3A_25 : i32 to index
        %swap3A_37 = arith.index_cast %add3A_35 : i32 to index
        %swap3A_38 = tpu.vector_load %arg10[%swap3A, %swap3A_37] {strides = array<i32>} : memref<32x128xf32, #tpu.memory_space<vmem>>, vector<1x16xf32>,
        %swap3A_39 = vector.shape_cast %swap3A_38 : vector<1x16xf32> to vector<16xf32>
        %swap3A_40 = vector.shape_cast %broadcast_in_dim3A_36 : vector<16xf32> to vector<1x16xf32>
        tpu.vector_store %arg10[%swap3A, %swap3A_37], %swap3A_40 {strides = array<i32>} : memref<32x128xf32, #tpu.memory_space<vmem>>, vector<1x16xf32>,
      }
      %scan3A_30 = arith.constant 8 : i32
    }
    %scan3A_6 = arith.constant 32 : i32
    %scan3A_7 = arith.constant 0 : i32
    %scan3A_8 = arith.constant 20 : i32
    %scan3A_9 = arith.addi %scan3A_7, %scan3A_8 : i32
    %scan3A_10 = arith.constant 1 : i32
    scf.for %scan3A_21 = %scan3A_7 to %scan3A_9 step %scan3A_10  : i32 {
      %mul3A_22 = arith.constant 32 : i32
      %mul3A_23 = arith.muli %scan3A_21, %mul3A_22 : i32
      %add3A_24 = arith.constant 0 : i32
      %add3A_25 = arith.addi %add3A_24, %mul3A_23 : i32
      %add3A_26 = arith.addi %mul3A_2, %add3A_25 : i32
      "tpu.region"() ({
        %run_scoped3A = tpu.sem_alloc : memref<!tpu.dma_semaphore, #tpu.memory_space<semaphore_mem>>
        %dma_start3A = arith.constant 0 : i32
        %dma_start3A_27 = tpu.memref_slice %arg11[%add3A_26, %dma_start3A] : memref<10240x128xf32, #tpu.memory_space<vmem_shared>> -> memref<32x128xf32, #tpu.memory_space<vmem_shared>>
        %dma_start3A_28 = arith.constant 0 : i32
        %dma_start3A_29 = tpu.memref_slice %arg11[%add3A_26, %dma_start3A_28] : memref<10240x128xf32, #tpu.memory_space<vmem_shared>> -> memref<32x128xf32, #tpu.memory_space<vmem_shared>>
        tpu.enqueue_dma source(%arg10 : memref<32x128xf32, #tpu.memory_space<vmem>>) target(%dma_start3A_29 : memref<32x128xf32, #tpu.memory_space<vmem_shared>>) target_semaphore(%run_scoped3A : memref<!tpu.dma_semaphore, #tpu.memory_space<semaphore_mem>>)
        %dma_wait3A = arith.constant 0 : i32
        %dma_wait3A_30 = tpu.memref_slice %arg11[%add3A_26, %dma_wait3A] : memref<10240x128xf32, #tpu.memory_space<vmem_shared>> -> memref<32x128xf32, #tpu.memory_space<vmem_shared>>
        %dma_wait3A_31 = arith.constant 0 : i32
        %dma_wait3A_32 = tpu.memref_slice %arg11[%add3A_26, %dma_wait3A_31] : memref<10240x128xf32, #tpu.memory_space<vmem_shared>> -> memref<32x128xf32, #tpu.memory_space<vmem_shared>>
        tpu.wait_dma2 semaphore(%run_scoped3A : memref<!tpu.dma_semaphore, #tpu.memory_space<semaphore_mem>>) src(%arg10 : memref<32x128xf32, #tpu.memory_space<vmem>>) dst(%dma_wait3A_32 : memref<32x128xf32, #tpu.memory_space<vmem_shared>>)
        tpu.yield
      }) : () -> ()
    }
    %scan3A_11 = arith.constant 20 : i32
    %barrier3A = arith.constant 0 : index
    tpu.barrier barrier_id(%barrier3A)
    %scan3A_12 = arith.constant 0 : i32
    %scan3A_13 = arith.constant 5 : i32
    %scan3A_14 = arith.addi %scan3A_12, %scan3A_13 : i32
    %scan3A_15 = arith.constant 1 : i32
    scf.for %scan3A_21 = %scan3A_12 to %scan3A_14 step %scan3A_15  : i32 {
      %mul3A_22 = arith.constant 16 : i32
      %mul3A_23 = arith.muli %scan3A_21, %mul3A_22 : i32
      %add3A_24 = arith.constant 0 : i32
      %add3A_25 = arith.addi %add3A_24, %mul3A_23 : i32
      %mul3A_26 = arith.constant 80 : i32
      %mul3A_27 = arith.muli %add3A, %mul3A_26 : i32
      %add3A_28 = arith.addi %mul3A_27, %add3A_25 : i32
      "tpu.region"() ({
        %run_scoped3A = tpu.sem_alloc : memref<!tpu.dma_semaphore, #tpu.memory_space<semaphore_mem>>
        %dma_start3A_45 = arith.constant 0 : i32
        %dma_start3A_46 = tpu.memref_slice %arg3[%add3A_28, %dma_start3A_45] : memref<2560x128xi32, #tpu.memory_space<hbm>> -> memref<16x128xi32, #tpu.memory_space<hbm>>
        %dma_start3A_47 = arith.constant 0 : i32
        %dma_start3A_48 = tpu.memref_slice %arg3[%add3A_28, %dma_start3A_47] : memref<2560x128xi32, #tpu.memory_space<hbm>> -> memref<16x128xi32, #tpu.memory_space<hbm>>
        tpu.enqueue_dma source(%dma_start3A_48 : memref<16x128xi32, #tpu.memory_space<hbm>>) target(%arg6 : memref<16x128xi32, #tpu.memory_space<vmem>>) target_semaphore(%run_scoped3A : memref<!tpu.dma_semaphore, #tpu.memory_space<semaphore_mem>>)
        %dma_wait3A = arith.constant 0 : i32
        %dma_wait3A_49 = tpu.memref_slice %arg3[%add3A_28, %dma_wait3A] : memref<2560x128xi32, #tpu.memory_space<hbm>> -> memref<16x128xi32, #tpu.memory_space<hbm>>
        %dma_wait3A_50 = arith.constant 0 : i32
        %dma_wait3A_51 = tpu.memref_slice %arg3[%add3A_28, %dma_wait3A_50] : memref<2560x128xi32, #tpu.memory_space<hbm>> -> memref<16x128xi32, #tpu.memory_space<hbm>>
        tpu.wait_dma2 semaphore(%run_scoped3A : memref<!tpu.dma_semaphore, #tpu.memory_space<semaphore_mem>>) src(%dma_wait3A_51 : memref<16x128xi32, #tpu.memory_space<hbm>>) dst(%arg6 : memref<16x128xi32, #tpu.memory_space<vmem>>)
        tpu.yield
      }) : () -> ()
      %mul3A_29 = arith.constant 80 : i32
      %mul3A_30 = arith.muli %add3A, %mul3A_29 : i32
      %add3A_31 = arith.addi %mul3A_30, %add3A_25 : i32
      %mul3A_32 = arith.constant 2 : i32
      %mul3A_33 = arith.muli %mul3A_32, %add3A_31 : i32
      "tpu.region"() ({
        %run_scoped3A = tpu.sem_alloc : memref<!tpu.dma_semaphore, #tpu.memory_space<semaphore_mem>>
        %dma_start3A_45 = arith.constant 0 : i32
        %dma_start3A_46 = tpu.memref_slice %arg4[%mul3A_33, %dma_start3A_45] : memref<5120x64xi32, #tpu.memory_space<hbm>> -> memref<32x64xi32, #tpu.memory_space<hbm>>
        %dma_start3A_47 = arith.constant 0 : i32
        %dma_start3A_48 = tpu.memref_slice %arg4[%mul3A_33, %dma_start3A_47] : memref<5120x64xi32, #tpu.memory_space<hbm>> -> memref<32x64xi32, #tpu.memory_space<hbm>>
        tpu.enqueue_dma source(%dma_start3A_48 : memref<32x64xi32, #tpu.memory_space<hbm>>) target(%arg7 : memref<32x64xi32, #tpu.memory_space<vmem>>) target_semaphore(%run_scoped3A : memref<!tpu.dma_semaphore, #tpu.memory_space<semaphore_mem>>)
        %dma_wait3A = arith.constant 0 : i32
        %dma_wait3A_49 = tpu.memref_slice %arg4[%mul3A_33, %dma_wait3A] : memref<5120x64xi32, #tpu.memory_space<hbm>> -> memref<32x64xi32, #tpu.memory_space<hbm>>
        %dma_wait3A_50 = arith.constant 0 : i32
        %dma_wait3A_51 = tpu.memref_slice %arg4[%mul3A_33, %dma_wait3A_50] : memref<5120x64xi32, #tpu.memory_space<hbm>> -> memref<32x64xi32, #tpu.memory_space<hbm>>
        tpu.wait_dma2 semaphore(%run_scoped3A : memref<!tpu.dma_semaphore, #tpu.memory_space<semaphore_mem>>) src(%dma_wait3A_51 : memref<32x64xi32, #tpu.memory_space<hbm>>) dst(%arg7 : memref<32x64xi32, #tpu.memory_space<vmem>>)
        tpu.yield
      }) : () -> ()
      %dma_start3A = arith.constant 0 : i32
      %dma_start3A_34 = arith.constant 0 : i32
      %dma_start3A_35 = tpu.memref_slice %arg6[%dma_start3A, %dma_start3A_34] : memref<16x128xi32, #tpu.memory_space<vmem>> -> memref<1x128xi32, #tpu.memory_space<vmem>>
      %dma_start3A_36 = tpu.memref_squeeze %dma_start3A_35 : memref<1x128xi32, #tpu.memory_space<vmem>> -> memref<128xi32, #tpu.memory_space<vmem>>
      %dma_start3A_37 = arith.constant 0 : i32
      %dma_start3A_38 = arith.constant 0 : i32
      %dma_start3A_39 = tpu.memref_slice %arg2[%dma_start3A_37, %dma_start3A_38] : memref<10240x128xf32, #tpu.memory_space<hbm>> -> memref<10240x128xf32, #tpu.memory_space<hbm>>
      tpu.enqueue_indirect_dma source(%dma_start3A_39 : memref<10240x128xf32, #tpu.memory_space<hbm>>) target(%arg8 : memref<128x128xf32, #tpu.memory_space<vmem>>) offsets(%dma_start3A_36 : memref<128xi32, #tpu.memory_space<vmem>>) semaphore(%arg12 : memref<!tpu.dma_semaphore, #tpu.memory_space<semaphore_mem>>)
      %scan3A_40 = arith.constant 0 : i32
      %scan3A_41 = arith.constant 8 : i32
      %scan3A_42 = arith.addi %scan3A_40, %scan3A_41 : i32
      %scan3A_43 = arith.constant 1 : i32
      scf.for %scan3A_45 = %scan3A_40 to %scan3A_42 step %scan3A_43  : i32 {
        %mul3A_46 = arith.constant 2 : i32
        %mul3A_47 = arith.muli %scan3A_45, %mul3A_46 : i32
        %add3A_48 = arith.constant 0 : i32
        %add3A_49 = arith.addi %add3A_48, %mul3A_47 : i32
        %dma_wait3A = arith.constant 0 : i32
        %dma_wait3A_50 = tpu.memref_slice %arg6[%add3A_49, %dma_wait3A] : memref<16x128xi32, #tpu.memory_space<vmem>> -> memref<1x128xi32, #tpu.memory_space<vmem>>
        %dma_wait3A_51 = tpu.memref_squeeze %dma_wait3A_50 : memref<1x128xi32, #tpu.memory_space<vmem>> -> memref<128xi32, #tpu.memory_space<vmem>>
        %dma_wait3A_52 = arith.constant 0 : i32
        %dma_wait3A_53 = arith.constant 0 : i32
        %dma_wait3A_54 = tpu.memref_slice %arg2[%dma_wait3A_52, %dma_wait3A_53] : memref<10240x128xf32, #tpu.memory_space<hbm>> -> memref<10240x128xf32, #tpu.memory_space<hbm>>
        tpu.wait_indirect_dma semaphore(%arg12 : memref<!tpu.dma_semaphore, #tpu.memory_space<semaphore_mem>>) src(%dma_wait3A_54 : memref<10240x128xf32, #tpu.memory_space<hbm>>) dst(%arg8 : memref<128x128xf32, #tpu.memory_space<vmem>>)
        %add3A_55 = arith.constant 1 : i32
        %add3A_56 = arith.addi %add3A_49, %add3A_55 : i32
        %dma_start3A_57 = arith.constant 0 : i32
        %dma_start3A_58 = tpu.memref_slice %arg6[%add3A_56, %dma_start3A_57] : memref<16x128xi32, #tpu.memory_space<vmem>> -> memref<1x128xi32, #tpu.memory_space<vmem>>
        %dma_start3A_59 = tpu.memref_squeeze %dma_start3A_58 : memref<1x128xi32, #tpu.memory_space<vmem>> -> memref<128xi32, #tpu.memory_space<vmem>>
        %dma_start3A_60 = arith.constant 0 : i32
        %dma_start3A_61 = arith.constant 0 : i32
        %dma_start3A_62 = tpu.memref_slice %arg2[%dma_start3A_60, %dma_start3A_61] : memref<10240x128xf32, #tpu.memory_space<hbm>> -> memref<10240x128xf32, #tpu.memory_space<hbm>>
        tpu.enqueue_indirect_dma source(%dma_start3A_62 : memref<10240x128xf32, #tpu.memory_space<hbm>>) target(%arg9 : memref<128x128xf32, #tpu.memory_space<vmem>>) offsets(%dma_start3A_59 : memref<128xi32, #tpu.memory_space<vmem>>) semaphore(%arg13 : memref<!tpu.dma_semaphore, #tpu.memory_space<semaphore_mem>>)
        %mul3A_63 = arith.constant 2 : i32
        %mul3A_64 = arith.muli %mul3A_63, %add3A_49 : i32
        "tpu.region"() ({
          %run_scoped3A = tpu.sem_alloc : memref<!tpu.dma_semaphore, #tpu.memory_space<semaphore_mem>>
          %dma_start3A_89 = arith.constant 0 : i32
          %dma_start3A_90 = arith.constant 0 : i32
          %dma_start3A_91 = tpu.memref_slice %arg8[%dma_start3A_89, %dma_start3A_90] : memref<128x128xf32, #tpu.memory_space<vmem>> -> memref<64x128xf32, #tpu.memory_space<vmem>>
          %dma_start3A_92 = arith.constant 0 : i32
          %dma_start3A_93 = tpu.memref_slice %arg7[%mul3A_64, %dma_start3A_92] : memref<32x64xi32, #tpu.memory_space<vmem>> -> memref<1x64xi32, #tpu.memory_space<vmem>>
          %dma_start3A_94 = tpu.memref_squeeze %dma_start3A_93 : memref<1x64xi32, #tpu.memory_space<vmem>> -> memref<64xi32, #tpu.memory_space<vmem>>
          %dma_start3A_95 = arith.constant 0 : i32
          %dma_start3A_96 = arith.constant 0 : i32
          %dma_start3A_97 = tpu.memref_slice %arg11[%dma_start3A_95, %dma_start3A_96] : memref<10240x128xf32, #tpu.memory_space<vmem_shared>> -> memref<10240x128xf32, #tpu.memory_space<vmem_shared>>
          tpu.enqueue_indirect_dma source(%dma_start3A_91 : memref<64x128xf32, #tpu.memory_space<vmem>>) target(%dma_start3A_97 : memref<10240x128xf32, #tpu.memory_space<vmem_shared>>) offsets(%dma_start3A_94 : memref<64xi32, #tpu.memory_space<vmem>>) semaphore(%run_scoped3A : memref<!tpu.dma_semaphore, #tpu.memory_space<semaphore_mem>>) {add = true}
          %dma_wait3A_98 = arith.constant 0 : i32
          %dma_wait3A_99 = arith.constant 0 : i32
          %dma_wait3A_100 = tpu.memref_slice %arg8[%dma_wait3A_98, %dma_wait3A_99] : memref<128x128xf32, #tpu.memory_space<vmem>> -> memref<64x128xf32, #tpu.memory_space<vmem>>
          %dma_wait3A_101 = arith.constant 0 : i32
          %dma_wait3A_102 = tpu.memref_slice %arg7[%mul3A_64, %dma_wait3A_101] : memref<32x64xi32, #tpu.memory_space<vmem>> -> memref<1x64xi32, #tpu.memory_space<vmem>>
          %dma_wait3A_103 = tpu.memref_squeeze %dma_wait3A_102 : memref<1x64xi32, #tpu.memory_space<vmem>> -> memref<64xi32, #tpu.memory_space<vmem>>
          %dma_wait3A_104 = arith.constant 0 : i32
          %dma_wait3A_105 = arith.constant 0 : i32
          %dma_wait3A_106 = tpu.memref_slice %arg11[%dma_wait3A_104, %dma_wait3A_105] : memref<10240x128xf32, #tpu.memory_space<vmem_shared>> -> memref<10240x128xf32, #tpu.memory_space<vmem_shared>>
          tpu.wait_indirect_dma semaphore(%run_scoped3A : memref<!tpu.dma_semaphore, #tpu.memory_space<semaphore_mem>>) src(%dma_wait3A_100 : memref<64x128xf32, #tpu.memory_space<vmem>>) dst(%dma_wait3A_106 : memref<10240x128xf32, #tpu.memory_space<vmem_shared>>)
          tpu.yield
        }) : () -> ()
        %mul3A_65 = arith.constant 2 : i32
        %mul3A_66 = arith.muli %mul3A_65, %add3A_49 : i32
        %add3A_67 = arith.constant 1 : i32
        %add3A_68 = arith.addi %mul3A_66, %add3A_67 : i32
        "tpu.region"() ({
          %run_scoped3A = tpu.sem_alloc : memref<!tpu.dma_semaphore, #tpu.memory_space<semaphore_mem>>
          %dma_start3A_89 = arith.constant 64 : i32
          %dma_start3A_90 = arith.constant 0 : i32
          %dma_start3A_91 = tpu.memref_slice %arg8[%dma_start3A_89, %dma_start3A_90] : memref<128x128xf32, #tpu.memory_space<vmem>> -> memref<64x128xf32, #tpu.memory_space<vmem>>
          %dma_start3A_92 = arith.constant 0 : i32
          %dma_start3A_93 = tpu.memref_slice %arg7[%add3A_68, %dma_start3A_92] : memref<32x64xi32, #tpu.memory_space<vmem>> -> memref<1x64xi32, #tpu.memory_space<vmem>>
          %dma_start3A_94 = tpu.memref_squeeze %dma_start3A_93 : memref<1x64xi32, #tpu.memory_space<vmem>> -> memref<64xi32, #tpu.memory_space<vmem>>
          %dma_start3A_95 = arith.constant 0 : i32
          %dma_start3A_96 = arith.constant 0 : i32
          %dma_start3A_97 = tpu.memref_slice %arg11[%dma_start3A_95, %dma_start3A_96] : memref<10240x128xf32, #tpu.memory_space<vmem_shared>> -> memref<10240x128xf32, #tpu.memory_space<vmem_shared>>
          tpu.enqueue_indirect_dma source(%dma_start3A_91 : memref<64x128xf32, #tpu.memory_space<vmem>>) target(%dma_start3A_97 : memref<10240x128xf32, #tpu.memory_space<vmem_shared>>) offsets(%dma_start3A_94 : memref<64xi32, #tpu.memory_space<vmem>>) semaphore(%run_scoped3A : memref<!tpu.dma_semaphore, #tpu.memory_space<semaphore_mem>>) {add = true}
          %dma_wait3A_98 = arith.constant 64 : i32
          %dma_wait3A_99 = arith.constant 0 : i32
          %dma_wait3A_100 = tpu.memref_slice %arg8[%dma_wait3A_98, %dma_wait3A_99] : memref<128x128xf32, #tpu.memory_space<vmem>> -> memref<64x128xf32, #tpu.memory_space<vmem>>
          %dma_wait3A_101 = arith.constant 0 : i32
          %dma_wait3A_102 = tpu.memref_slice %arg7[%add3A_68, %dma_wait3A_101] : memref<32x64xi32, #tpu.memory_space<vmem>> -> memref<1x64xi32, #tpu.memory_space<vmem>>
          %dma_wait3A_103 = tpu.memref_squeeze %dma_wait3A_102 : memref<1x64xi32, #tpu.memory_space<vmem>> -> memref<64xi32, #tpu.memory_space<vmem>>
          %dma_wait3A_104 = arith.constant 0 : i32
          %dma_wait3A_105 = arith.constant 0 : i32
          %dma_wait3A_106 = tpu.memref_slice %arg11[%dma_wait3A_104, %dma_wait3A_105] : memref<10240x128xf32, #tpu.memory_space<vmem_shared>> -> memref<10240x128xf32, #tpu.memory_space<vmem_shared>>
          tpu.wait_indirect_dma semaphore(%run_scoped3A : memref<!tpu.dma_semaphore, #tpu.memory_space<semaphore_mem>>) src(%dma_wait3A_100 : memref<64x128xf32, #tpu.memory_space<vmem>>) dst(%dma_wait3A_106 : memref<10240x128xf32, #tpu.memory_space<vmem_shared>>)
          tpu.yield
        }) : () -> ()
        %add3A_69 = arith.constant 1 : i32
        %add3A_70 = arith.addi %add3A_49, %add3A_69 : i32
        %dma_wait3A_71 = arith.constant 0 : i32
        %dma_wait3A_72 = tpu.memref_slice %arg6[%add3A_70, %dma_wait3A_71] : memref<16x128xi32, #tpu.memory_space<vmem>> -> memref<1x128xi32, #tpu.memory_space<vmem>>
        %dma_wait3A_73 = tpu.memref_squeeze %dma_wait3A_72 : memref<1x128xi32, #tpu.memory_space<vmem>> -> memref<128xi32, #tpu.memory_space<vmem>>
        %dma_wait3A_74 = arith.constant 0 : i32
        %dma_wait3A_75 = arith.constant 0 : i32
        %dma_wait3A_76 = tpu.memref_slice %arg2[%dma_wait3A_74, %dma_wait3A_75] : memref<10240x128xf32, #tpu.memory_space<hbm>> -> memref<10240x128xf32, #tpu.memory_space<hbm>>
        tpu.wait_indirect_dma semaphore(%arg13 : memref<!tpu.dma_semaphore, #tpu.memory_space<semaphore_mem>>) src(%dma_wait3A_76 : memref<10240x128xf32, #tpu.memory_space<hbm>>) dst(%arg9 : memref<128x128xf32, #tpu.memory_space<vmem>>)
        %add3A_77 = arith.constant 2 : i32
        %add3A_78 = arith.addi %add3A_49, %add3A_77 : i32
        %lt3A = arith.constant 16 : i32
        %lt3A_79 = arith.cmpi slt, %add3A_78, %lt3A : i32
        %convert_element_type3A = arith.extui %lt3A_79 : i1 to i32
        %cond3A = arith.constant 0 : i32
        %cond3A_80 = arith.cmpi ne, %convert_element_type3A, %cond3A : i32
        scf.if %cond3A_80 {
          %add3A_89 = arith.constant 2 : i32
          %add3A_90 = arith.addi %add3A_49, %add3A_89 : i32
          %dma_start3A_91 = arith.constant 0 : i32
          %dma_start3A_92 = tpu.memref_slice %arg6[%add3A_90, %dma_start3A_91] : memref<16x128xi32, #tpu.memory_space<vmem>> -> memref<1x128xi32, #tpu.memory_space<vmem>>
          %dma_start3A_93 = tpu.memref_squeeze %dma_start3A_92 : memref<1x128xi32, #tpu.memory_space<vmem>> -> memref<128xi32, #tpu.memory_space<vmem>>
          %dma_start3A_94 = arith.constant 0 : i32
          %dma_start3A_95 = arith.constant 0 : i32
          %dma_start3A_96 = tpu.memref_slice %arg2[%dma_start3A_94, %dma_start3A_95] : memref<10240x128xf32, #tpu.memory_space<hbm>> -> memref<10240x128xf32, #tpu.memory_space<hbm>>
          tpu.enqueue_indirect_dma source(%dma_start3A_96 : memref<10240x128xf32, #tpu.memory_space<hbm>>) target(%arg8 : memref<128x128xf32, #tpu.memory_space<vmem>>) offsets(%dma_start3A_93 : memref<128xi32, #tpu.memory_space<vmem>>) semaphore(%arg12 : memref<!tpu.dma_semaphore, #tpu.memory_space<semaphore_mem>>)
        } else {
        }
        %mul3A_81 = arith.constant 2 : i32
        %mul3A_82 = arith.muli %mul3A_81, %add3A_49 : i32
        %add3A_83 = arith.constant 2 : i32
        %add3A_84 = arith.addi %mul3A_82, %add3A_83 : i32
        "tpu.region"() ({
          %run_scoped3A = tpu.sem_alloc : memref<!tpu.dma_semaphore, #tpu.memory_space<semaphore_mem>>
          %dma_start3A_89 = arith.constant 0 : i32
          %dma_start3A_90 = arith.constant 0 : i32
          %dma_start3A_91 = tpu.memref_slice %arg9[%dma_start3A_89, %dma_start3A_90] : memref<128x128xf32, #tpu.memory_space<vmem>> -> memref<64x128xf32, #tpu.memory_space<vmem>>
          %dma_start3A_92 = arith.constant 0 : i32
          %dma_start3A_93 = tpu.memref_slice %arg7[%add3A_84, %dma_start3A_92] : memref<32x64xi32, #tpu.memory_space<vmem>> -> memref<1x64xi32, #tpu.memory_space<vmem>>
          %dma_start3A_94 = tpu.memref_squeeze %dma_start3A_93 : memref<1x64xi32, #tpu.memory_space<vmem>> -> memref<64xi32, #tpu.memory_space<vmem>>
          %dma_start3A_95 = arith.constant 0 : i32
          %dma_start3A_96 = arith.constant 0 : i32
          %dma_start3A_97 = tpu.memref_slice %arg11[%dma_start3A_95, %dma_start3A_96] : memref<10240x128xf32, #tpu.memory_space<vmem_shared>> -> memref<10240x128xf32, #tpu.memory_space<vmem_shared>>
          tpu.enqueue_indirect_dma source(%dma_start3A_91 : memref<64x128xf32, #tpu.memory_space<vmem>>) target(%dma_start3A_97 : memref<10240x128xf32, #tpu.memory_space<vmem_shared>>) offsets(%dma_start3A_94 : memref<64xi32, #tpu.memory_space<vmem>>) semaphore(%run_scoped3A : memref<!tpu.dma_semaphore, #tpu.memory_space<semaphore_mem>>) {add = true}
          %dma_wait3A_98 = arith.constant 0 : i32
          %dma_wait3A_99 = arith.constant 0 : i32
          %dma_wait3A_100 = tpu.memref_slice %arg9[%dma_wait3A_98, %dma_wait3A_99] : memref<128x128xf32, #tpu.memory_space<vmem>> -> memref<64x128xf32, #tpu.memory_space<vmem>>
          %dma_wait3A_101 = arith.constant 0 : i32
          %dma_wait3A_102 = tpu.memref_slice %arg7[%add3A_84, %dma_wait3A_101] : memref<32x64xi32, #tpu.memory_space<vmem>> -> memref<1x64xi32, #tpu.memory_space<vmem>>
          %dma_wait3A_103 = tpu.memref_squeeze %dma_wait3A_102 : memref<1x64xi32, #tpu.memory_space<vmem>> -> memref<64xi32, #tpu.memory_space<vmem>>
          %dma_wait3A_104 = arith.constant 0 : i32
          %dma_wait3A_105 = arith.constant 0 : i32
          %dma_wait3A_106 = tpu.memref_slice %arg11[%dma_wait3A_104, %dma_wait3A_105] : memref<10240x128xf32, #tpu.memory_space<vmem_shared>> -> memref<10240x128xf32, #tpu.memory_space<vmem_shared>>
          tpu.wait_indirect_dma semaphore(%run_scoped3A : memref<!tpu.dma_semaphore, #tpu.memory_space<semaphore_mem>>) src(%dma_wait3A_100 : memref<64x128xf32, #tpu.memory_space<vmem>>) dst(%dma_wait3A_106 : memref<10240x128xf32, #tpu.memory_space<vmem_shared>>)
          tpu.yield
        }) : () -> ()
        %mul3A_85 = arith.constant 2 : i32
        %mul3A_86 = arith.muli %mul3A_85, %add3A_49 : i32
        %add3A_87 = arith.constant 3 : i32
        %add3A_88 = arith.addi %mul3A_86, %add3A_87 : i32
        "tpu.region"() ({
          %run_scoped3A = tpu.sem_alloc : memref<!tpu.dma_semaphore, #tpu.memory_space<semaphore_mem>>
          %dma_start3A_89 = arith.constant 64 : i32
          %dma_start3A_90 = arith.constant 0 : i32
          %dma_start3A_91 = tpu.memref_slice %arg9[%dma_start3A_89, %dma_start3A_90] : memref<128x128xf32, #tpu.memory_space<vmem>> -> memref<64x128xf32, #tpu.memory_space<vmem>>
          %dma_start3A_92 = arith.constant 0 : i32
          %dma_start3A_93 = tpu.memref_slice %arg7[%add3A_88, %dma_start3A_92] : memref<32x64xi32, #tpu.memory_space<vmem>> -> memref<1x64xi32, #tpu.memory_space<vmem>>
          %dma_start3A_94 = tpu.memref_squeeze %dma_start3A_93 : memref<1x64xi32, #tpu.memory_space<vmem>> -> memref<64xi32, #tpu.memory_space<vmem>>
          %dma_start3A_95 = arith.constant 0 : i32
          %dma_start3A_96 = arith.constant 0 : i32
          %dma_start3A_97 = tpu.memref_slice %arg11[%dma_start3A_95, %dma_start3A_96] : memref<10240x128xf32, #tpu.memory_space<vmem_shared>> -> memref<10240x128xf32, #tpu.memory_space<vmem_shared>>
          tpu.enqueue_indirect_dma source(%dma_start3A_91 : memref<64x128xf32, #tpu.memory_space<vmem>>) target(%dma_start3A_97 : memref<10240x128xf32, #tpu.memory_space<vmem_shared>>) offsets(%dma_start3A_94 : memref<64xi32, #tpu.memory_space<vmem>>) semaphore(%run_scoped3A : memref<!tpu.dma_semaphore, #tpu.memory_space<semaphore_mem>>) {add = true}
          %dma_wait3A_98 = arith.constant 64 : i32
          %dma_wait3A_99 = arith.constant 0 : i32
          %dma_wait3A_100 = tpu.memref_slice %arg9[%dma_wait3A_98, %dma_wait3A_99] : memref<128x128xf32, #tpu.memory_space<vmem>> -> memref<64x128xf32, #tpu.memory_space<vmem>>
          %dma_wait3A_101 = arith.constant 0 : i32
          %dma_wait3A_102 = tpu.memref_slice %arg7[%add3A_88, %dma_wait3A_101] : memref<32x64xi32, #tpu.memory_space<vmem>> -> memref<1x64xi32, #tpu.memory_space<vmem>>
          %dma_wait3A_103 = tpu.memref_squeeze %dma_wait3A_102 : memref<1x64xi32, #tpu.memory_space<vmem>> -> memref<64xi32, #tpu.memory_space<vmem>>
          %dma_wait3A_104 = arith.constant 0 : i32
          %dma_wait3A_105 = arith.constant 0 : i32
          %dma_wait3A_106 = tpu.memref_slice %arg11[%dma_wait3A_104, %dma_wait3A_105] : memref<10240x128xf32, #tpu.memory_space<vmem_shared>> -> memref<10240x128xf32, #tpu.memory_space<vmem_shared>>
          tpu.wait_indirect_dma semaphore(%run_scoped3A : memref<!tpu.dma_semaphore, #tpu.memory_space<semaphore_mem>>) src(%dma_wait3A_100 : memref<64x128xf32, #tpu.memory_space<vmem>>) dst(%dma_wait3A_106 : memref<10240x128xf32, #tpu.memory_space<vmem_shared>>)
          tpu.yield
        }) : () -> ()
      }
      %scan3A_44 = arith.constant 8 : i32
    }
    %scan3A_16 = arith.constant 5 : i32
    %barrier3A_17 = arith.constant 0 : index
    tpu.barrier barrier_id(%barrier3A_17)
    %mul3A_18 = arith.constant 10240 : i32
    %mul3A_19 = arith.muli %arg0, %mul3A_18 : i32
    %add3A_20 = arith.addi %mul3A_19, %mul3A_2 : i32
    "tpu.region"() ({
      %run_scoped3A = tpu.sem_alloc : memref<!tpu.dma_semaphore, #tpu.memory_space<semaphore_mem>>
      %dma_start3A = arith.constant 0 : i32
      %dma_start3A_21 = tpu.memref_slice %arg5[%add3A_20, %dma_start3A] : memref<20480x128xf32, #tpu.memory_space<hbm>> -> memref<640x128xf32, #tpu.memory_space<hbm>>
      %dma_start3A_22 = arith.constant 0 : i32
      %dma_start3A_23 = tpu.memref_slice %arg11[%mul3A_2, %dma_start3A_22] : memref<10240x128xf32, #tpu.memory_space<vmem_shared>> -> memref<640x128xf32, #tpu.memory_space<vmem_shared>>
      tpu.enqueue_dma source(%dma_start3A_23 : memref<640x128xf32, #tpu.memory_space<vmem_shared>>) target(%dma_start3A_21 : memref<640x128xf32, #tpu.memory_space<hbm>>) target_semaphore(%run_scoped3A : memref<!tpu.dma_semaphore, #tpu.memory_space<semaphore_mem>>)
      %dma_wait3A = arith.constant 0 : i32
      %dma_wait3A_24 = tpu.memref_slice %arg5[%add3A_20, %dma_wait3A] : memref<20480x128xf32, #tpu.memory_space<hbm>> -> memref<640x128xf32, #tpu.memory_space<hbm>>
      %dma_wait3A_25 = arith.constant 0 : i32
      %dma_wait3A_26 = tpu.memref_slice %arg11[%mul3A_2, %dma_wait3A_25] : memref<10240x128xf32, #tpu.memory_space<vmem_shared>> -> memref<640x128xf32, #tpu.memory_space<vmem_shared>>
      tpu.wait_dma2 semaphore(%run_scoped3A : memref<!tpu.dma_semaphore, #tpu.memory_space<semaphore_mem>>) src(%dma_wait3A_26 : memref<640x128xf32, #tpu.memory_space<vmem_shared>>) dst(%dma_wait3A_24 : memref<640x128xf32, #tpu.memory_space<hbm>>)
      tpu.yield
    }) : () -> ()
    return
  }
}

#map = affine_map<(d0, d1) -> (0, 0)>
module attributes {stable_mosaic.version = 14 : i64} {
  func.func @kdeg(%arg0: i32, %arg1: i32, %arg2: memref<5120x64xi32, #tpu.memory_space<hbm>>, %arg3: memref<20480x16xf32, #tpu.memory_space<hbm>>, %arg4: memref<160x64xi32, #tpu.memory_space<vmem>>, %arg5: memref<64x16xf32, #tpu.memory_space<vmem>>, %arg6: memref<32x16xf32, #tpu.memory_space<vmem>>, %arg7: memref<10240x16xf32, #tpu.memory_space<vmem_shared>>) attributes {dimension_semantics = [#tpu.dimension_semantics<core_parallel>, #tpu.dimension_semantics<subcore_parallel>], iteration_bounds = array<i64: 2, 16>, scalar_prefetch = 0 : i64, scratch_operands = 4 : i64, tpu.core_type = #tpu.core_type<sc_vector_subcore>, window_params = [{transform_indices = #map}, {transform_indices = #map}]} {
    %mul3A = arith.constant 2 : i32
    %mul3A_0 = arith.muli %arg1, %mul3A : i32
    %add3A = arith.addi %mul3A_0, %arg0 : i32
    %mul3A_1 = arith.constant 640 : i32
    %mul3A_2 = arith.muli %arg1, %mul3A_1 : i32
    %mul3A_3 = arith.constant 160 : i32
    %mul3A_4 = arith.muli %add3A, %mul3A_3 : i32
    "tpu.region"() ({
      %run_scoped3A = tpu.sem_alloc : memref<!tpu.dma_semaphore, #tpu.memory_space<semaphore_mem>>
      %dma_start3A = arith.constant 0 : i32
      %dma_start3A_28 = tpu.memref_slice %arg2[%mul3A_4, %dma_start3A] : memref<5120x64xi32, #tpu.memory_space<hbm>> -> memref<160x64xi32, #tpu.memory_space<hbm>>
      %dma_start3A_29 = arith.constant 0 : i32
      %dma_start3A_30 = tpu.memref_slice %arg2[%mul3A_4, %dma_start3A_29] : memref<5120x64xi32, #tpu.memory_space<hbm>> -> memref<160x64xi32, #tpu.memory_space<hbm>>
      tpu.enqueue_dma source(%dma_start3A_30 : memref<160x64xi32, #tpu.memory_space<hbm>>) target(%arg4 : memref<160x64xi32, #tpu.memory_space<vmem>>) target_semaphore(%run_scoped3A : memref<!tpu.dma_semaphore, #tpu.memory_space<semaphore_mem>>)
      %dma_wait3A = arith.constant 0 : i32
      %dma_wait3A_31 = tpu.memref_slice %arg2[%mul3A_4, %dma_wait3A] : memref<5120x64xi32, #tpu.memory_space<hbm>> -> memref<160x64xi32, #tpu.memory_space<hbm>>
      %dma_wait3A_32 = arith.constant 0 : i32
      %dma_wait3A_33 = tpu.memref_slice %arg2[%mul3A_4, %dma_wait3A_32] : memref<5120x64xi32, #tpu.memory_space<hbm>> -> memref<160x64xi32, #tpu.memory_space<hbm>>
      tpu.wait_dma2 semaphore(%run_scoped3A : memref<!tpu.dma_semaphore, #tpu.memory_space<semaphore_mem>>) src(%dma_wait3A_33 : memref<160x64xi32, #tpu.memory_space<hbm>>) dst(%arg4 : memref<160x64xi32, #tpu.memory_space<vmem>>)
      tpu.yield
    }) : () -> ()
    %scan3A = arith.constant 0 : i32
    %scan3A_5 = arith.constant 64 : i32
    %scan3A_6 = arith.addi %scan3A, %scan3A_5 : i32
    %scan3A_7 = arith.constant 1 : i32
    scf.for %scan3A_28 = %scan3A to %scan3A_6 step %scan3A_7  : i32 {
      %mul3A_29 = arith.constant 1 : i32
      %mul3A_30 = arith.muli %scan3A_28, %mul3A_29 : i32
      %add3A_31 = arith.constant 0 : i32
      %add3A_32 = arith.addi %add3A_31, %mul3A_30 : i32
      %broadcast_in_dim3A = arith.constant 1.000000e+00 : f32
      %broadcast_in_dim3A_33 = vector.broadcast %broadcast_in_dim3A : f32 to vector<16xf32>
      %swap3A = arith.index_cast %add3A_32 : i32 to index
      %swap3A_34 = arith.constant 0 : index
      %swap3A_35 = tpu.vector_load %arg5[%swap3A, %swap3A_34] {strides = array<i32>} : memref<64x16xf32, #tpu.memory_space<vmem>>, vector<1x16xf32>,
      %swap3A_36 = vector.shape_cast %swap3A_35 : vector<1x16xf32> to vector<16xf32>
      %swap3A_37 = vector.shape_cast %broadcast_in_dim3A_33 : vector<16xf32> to vector<1x16xf32>
      tpu.vector_store %arg5[%swap3A, %swap3A_34], %swap3A_37 {strides = array<i32>} : memref<64x16xf32, #tpu.memory_space<vmem>>, vector<1x16xf32>,
    }
    %scan3A_8 = arith.constant 64 : i32
    %scan3A_9 = arith.constant 0 : i32
    %scan3A_10 = arith.constant 32 : i32
    %scan3A_11 = arith.addi %scan3A_9, %scan3A_10 : i32
    %scan3A_12 = arith.constant 1 : i32
    scf.for %scan3A_28 = %scan3A_9 to %scan3A_11 step %scan3A_12  : i32 {
      %mul3A_29 = arith.constant 1 : i32
      %mul3A_30 = arith.muli %scan3A_28, %mul3A_29 : i32
      %add3A_31 = arith.constant 0 : i32
      %add3A_32 = arith.addi %add3A_31, %mul3A_30 : i32
      %broadcast_in_dim3A = arith.constant 0.000000e+00 : f32
      %broadcast_in_dim3A_33 = vector.broadcast %broadcast_in_dim3A : f32 to vector<16xf32>
      %swap3A = arith.index_cast %add3A_32 : i32 to index
      %swap3A_34 = arith.constant 0 : index
      %swap3A_35 = tpu.vector_load %arg6[%swap3A, %swap3A_34] {strides = array<i32>} : memref<32x16xf32, #tpu.memory_space<vmem>>, vector<1x16xf32>,
      %swap3A_36 = vector.shape_cast %swap3A_35 : vector<1x16xf32> to vector<16xf32>
      %swap3A_37 = vector.shape_cast %broadcast_in_dim3A_33 : vector<16xf32> to vector<1x16xf32>
      tpu.vector_store %arg6[%swap3A, %swap3A_34], %swap3A_37 {strides = array<i32>} : memref<32x16xf32, #tpu.memory_space<vmem>>, vector<1x16xf32>,
    }
    %scan3A_13 = arith.constant 32 : i32
    %scan3A_14 = arith.constant 0 : i32
    %scan3A_15 = arith.constant 20 : i32
    %scan3A_16 = arith.addi %scan3A_14, %scan3A_15 : i32
    %scan3A_17 = arith.constant 1 : i32
    scf.for %scan3A_28 = %scan3A_14 to %scan3A_16 step %scan3A_17  : i32 {
      %mul3A_29 = arith.constant 32 : i32
      %mul3A_30 = arith.muli %scan3A_28, %mul3A_29 : i32
      %add3A_31 = arith.constant 0 : i32
      %add3A_32 = arith.addi %add3A_31, %mul3A_30 : i32
      %add3A_33 = arith.addi %mul3A_2, %add3A_32 : i32
      "tpu.region"() ({
        %run_scoped3A = tpu.sem_alloc : memref<!tpu.dma_semaphore, #tpu.memory_space<semaphore_mem>>
        %dma_start3A = arith.constant 0 : i32
        %dma_start3A_34 = tpu.memref_slice %arg7[%add3A_33, %dma_start3A] : memref<10240x16xf32, #tpu.memory_space<vmem_shared>> -> memref<32x16xf32, #tpu.memory_space<vmem_shared>>
        %dma_start3A_35 = arith.constant 0 : i32
        %dma_start3A_36 = tpu.memref_slice %arg7[%add3A_33, %dma_start3A_35] : memref<10240x16xf32, #tpu.memory_space<vmem_shared>> -> memref<32x16xf32, #tpu.memory_space<vmem_shared>>
        tpu.enqueue_dma source(%arg6 : memref<32x16xf32, #tpu.memory_space<vmem>>) target(%dma_start3A_36 : memref<32x16xf32, #tpu.memory_space<vmem_shared>>) target_semaphore(%run_scoped3A : memref<!tpu.dma_semaphore, #tpu.memory_space<semaphore_mem>>)
        %dma_wait3A = arith.constant 0 : i32
        %dma_wait3A_37 = tpu.memref_slice %arg7[%add3A_33, %dma_wait3A] : memref<10240x16xf32, #tpu.memory_space<vmem_shared>> -> memref<32x16xf32, #tpu.memory_space<vmem_shared>>
        %dma_wait3A_38 = arith.constant 0 : i32
        %dma_wait3A_39 = tpu.memref_slice %arg7[%add3A_33, %dma_wait3A_38] : memref<10240x16xf32, #tpu.memory_space<vmem_shared>> -> memref<32x16xf32, #tpu.memory_space<vmem_shared>>
        tpu.wait_dma2 semaphore(%run_scoped3A : memref<!tpu.dma_semaphore, #tpu.memory_space<semaphore_mem>>) src(%arg6 : memref<32x16xf32, #tpu.memory_space<vmem>>) dst(%dma_wait3A_39 : memref<32x16xf32, #tpu.memory_space<vmem_shared>>)
        tpu.yield
      }) : () -> ()
    }
    %scan3A_18 = arith.constant 20 : i32
    %barrier3A = arith.constant 0 : index
    tpu.barrier barrier_id(%barrier3A)
    %scan3A_19 = arith.constant 0 : i32
    %scan3A_20 = arith.constant 160 : i32
    %scan3A_21 = arith.addi %scan3A_19, %scan3A_20 : i32
    %scan3A_22 = arith.constant 1 : i32
    scf.for %scan3A_28 = %scan3A_19 to %scan3A_21 step %scan3A_22  : i32 {
      %mul3A_29 = arith.constant 1 : i32
      %mul3A_30 = arith.muli %scan3A_28, %mul3A_29 : i32
      %add3A_31 = arith.constant 0 : i32
      %add3A_32 = arith.addi %add3A_31, %mul3A_30 : i32
      "tpu.region"() ({
        %run_scoped3A = tpu.sem_alloc : memref<!tpu.dma_semaphore, #tpu.memory_space<semaphore_mem>>
        %dma_start3A = arith.constant 0 : i32
        %dma_start3A_33 = tpu.memref_slice %arg4[%add3A_32, %dma_start3A] : memref<160x64xi32, #tpu.memory_space<vmem>> -> memref<1x64xi32, #tpu.memory_space<vmem>>
        %dma_start3A_34 = tpu.memref_squeeze %dma_start3A_33 : memref<1x64xi32, #tpu.memory_space<vmem>> -> memref<64xi32, #tpu.memory_space<vmem>>
        %dma_start3A_35 = arith.constant 0 : i32
        %dma_start3A_36 = arith.constant 0 : i32
        %dma_start3A_37 = tpu.memref_slice %arg7[%dma_start3A_35, %dma_start3A_36] : memref<10240x16xf32, #tpu.memory_space<vmem_shared>> -> memref<10240x16xf32, #tpu.memory_space<vmem_shared>>
        tpu.enqueue_indirect_dma source(%arg5 : memref<64x16xf32, #tpu.memory_space<vmem>>) target(%dma_start3A_37 : memref<10240x16xf32, #tpu.memory_space<vmem_shared>>) offsets(%dma_start3A_34 : memref<64xi32, #tpu.memory_space<vmem>>) semaphore(%run_scoped3A : memref<!tpu.dma_semaphore, #tpu.memory_space<semaphore_mem>>) {add = true}
        %dma_wait3A = arith.constant 0 : i32
        %dma_wait3A_38 = tpu.memref_slice %arg4[%add3A_32, %dma_wait3A] : memref<160x64xi32, #tpu.memory_space<vmem>> -> memref<1x64xi32, #tpu.memory_space<vmem>>
        %dma_wait3A_39 = tpu.memref_squeeze %dma_wait3A_38 : memref<1x64xi32, #tpu.memory_space<vmem>> -> memref<64xi32, #tpu.memory_space<vmem>>
        %dma_wait3A_40 = arith.constant 0 : i32
        %dma_wait3A_41 = arith.constant 0 : i32
        %dma_wait3A_42 = tpu.memref_slice %arg7[%dma_wait3A_40, %dma_wait3A_41] : memref<10240x16xf32, #tpu.memory_space<vmem_shared>> -> memref<10240x16xf32, #tpu.memory_space<vmem_shared>>
        tpu.wait_indirect_dma semaphore(%run_scoped3A : memref<!tpu.dma_semaphore, #tpu.memory_space<semaphore_mem>>) src(%arg5 : memref<64x16xf32, #tpu.memory_space<vmem>>) dst(%dma_wait3A_42 : memref<10240x16xf32, #tpu.memory_space<vmem_shared>>)
        tpu.yield
      }) : () -> ()
    }
    %scan3A_23 = arith.constant 160 : i32
    %barrier3A_24 = arith.constant 0 : index
    tpu.barrier barrier_id(%barrier3A_24)
    %mul3A_25 = arith.constant 10240 : i32
    %mul3A_26 = arith.muli %arg0, %mul3A_25 : i32
    %add3A_27 = arith.addi %mul3A_26, %mul3A_2 : i32
    "tpu.region"() ({
      %run_scoped3A = tpu.sem_alloc : memref<!tpu.dma_semaphore, #tpu.memory_space<semaphore_mem>>
      %dma_start3A = arith.constant 0 : i32
      %dma_start3A_28 = tpu.memref_slice %arg3[%add3A_27, %dma_start3A] : memref<20480x16xf32, #tpu.memory_space<hbm>> -> memref<640x16xf32, #tpu.memory_space<hbm>>
      %dma_start3A_29 = arith.constant 0 : i32
      %dma_start3A_30 = tpu.memref_slice %arg7[%mul3A_2, %dma_start3A_29] : memref<10240x16xf32, #tpu.memory_space<vmem_shared>> -> memref<640x16xf32, #tpu.memory_space<vmem_shared>>
      tpu.enqueue_dma source(%dma_start3A_30 : memref<640x16xf32, #tpu.memory_space<vmem_shared>>) target(%dma_start3A_28 : memref<640x16xf32, #tpu.memory_space<hbm>>) target_semaphore(%run_scoped3A : memref<!tpu.dma_semaphore, #tpu.memory_space<semaphore_mem>>)
      %dma_wait3A = arith.constant 0 : i32
      %dma_wait3A_31 = tpu.memref_slice %arg3[%add3A_27, %dma_wait3A] : memref<20480x16xf32, #tpu.memory_space<hbm>> -> memref<640x16xf32, #tpu.memory_space<hbm>>
      %dma_wait3A_32 = arith.constant 0 : i32
      %dma_wait3A_33 = tpu.memref_slice %arg7[%mul3A_2, %dma_wait3A_32] : memref<10240x16xf32, #tpu.memory_space<vmem_shared>> -> memref<640x16xf32, #tpu.memory_space<vmem_shared>>
      tpu.wait_dma2 semaphore(%run_scoped3A : memref<!tpu.dma_semaphore, #tpu.memory_space<semaphore_mem>>) src(%dma_wait3A_33 : memref<640x16xf32, #tpu.memory_space<vmem_shared>>) dst(%dma_wait3A_31 : memref<640x16xf32, #tpu.memory_space<hbm>>)
      tpu.yield
    }) : () -> ()
    return
  }
}

#map = affine_map<(d0, d1) -> (0, 0)>
module attributes {stable_mosaic.version = 14 : i64} {
  func.func @kagg(%arg0: i32, %arg1: i32, %arg2: memref<10240x128xf32, #tpu.memory_space<hbm>>, %arg3: memref<2560x128xi32, #tpu.memory_space<hbm>>, %arg4: memref<5120x64xi32, #tpu.memory_space<hbm>>, %arg5: memref<20480x128xf32, #tpu.memory_space<hbm>>, %arg6: memref<16x128xi32, #tpu.memory_space<vmem>>, %arg7: memref<32x64xi32, #tpu.memory_space<vmem>>, %arg8: memref<128x128xf32, #tpu.memory_space<vmem>>, %arg9: memref<128x128xf32, #tpu.memory_space<vmem>>, %arg10: memref<32x128xf32, #tpu.memory_space<vmem>>, %arg11: memref<10240x128xf32, #tpu.memory_space<vmem_shared>>, %arg12: memref<!tpu.dma_semaphore, #tpu.memory_space<semaphore_mem>>, %arg13: memref<!tpu.dma_semaphore, #tpu.memory_space<semaphore_mem>>) attributes {dimension_semantics = [#tpu.dimension_semantics<core_parallel>, #tpu.dimension_semantics<subcore_parallel>], iteration_bounds = array<i64: 2, 16>, scalar_prefetch = 0 : i64, scratch_operands = 8 : i64, tpu.core_type = #tpu.core_type<sc_vector_subcore>, window_params = [{transform_indices = #map}, {transform_indices = #map}, {transform_indices = #map}, {transform_indices = #map}]} {
    %mul3A = arith.constant 2 : i32
    %mul3A_0 = arith.muli %arg1, %mul3A : i32
    %add3A = arith.addi %mul3A_0, %arg0 : i32
    %mul3A_1 = arith.constant 640 : i32
    %mul3A_2 = arith.muli %arg1, %mul3A_1 : i32
    %scan3A = arith.constant 0 : i32
    %scan3A_3 = arith.constant 32 : i32
    %scan3A_4 = arith.addi %scan3A, %scan3A_3 : i32
    %scan3A_5 = arith.constant 1 : i32
    scf.for %scan3A_21 = %scan3A to %scan3A_4 step %scan3A_5  : i32 {
      %mul3A_22 = arith.constant 1 : i32
      %mul3A_23 = arith.muli %scan3A_21, %mul3A_22 : i32
      %add3A_24 = arith.constant 0 : i32
      %add3A_25 = arith.addi %add3A_24, %mul3A_23 : i32
      %scan3A_26 = arith.constant 0 : i32
      %scan3A_27 = arith.constant 8 : i32
      %scan3A_28 = arith.addi %scan3A_26, %scan3A_27 : i32
      %scan3A_29 = arith.constant 1 : i32
      scf.for %scan3A_31 = %scan3A_26 to %scan3A_28 step %scan3A_29  : i32 {
        %mul3A_32 = arith.constant 16 : i32
        %mul3A_33 = arith.muli %scan3A_31, %mul3A_32 : i32
        %add3A_34 = arith.constant 0 : i32
        %add3A_35 = arith.addi %add3A_34, %mul3A_33 : i32
        %broadcast_in_dim3A = arith.constant 0.000000e+00 : f32
        %broadcast_in_dim3A_36 = vector.broadcast %broadcast_in_dim3A : f32 to vector<16xf32>
        %swap3A = arith.index_cast %add3A_25 : i32 to index
        %swap3A_37 = arith.index_cast %add3A_35 : i32 to index
        %swap3A_38 = tpu.vector_load %arg10[%swap3A, %swap3A_37] {strides = array<i32>} : memref<32x128xf32, #tpu.memory_space<vmem>>, vector<1x16xf32>,
        %swap3A_39 = vector.shape_cast %swap3A_38 : vector<1x16xf32> to vector<16xf32>
        %swap3A_40 = vector.shape_cast %broadcast_in_dim3A_36 : vector<16xf32> to vector<1x16xf32>
        tpu.vector_store %arg10[%swap3A, %swap3A_37], %swap3A_40 {strides = array<i32>} : memref<32x128xf32, #tpu.memory_space<vmem>>, vector<1x16xf32>,
      }
      %scan3A_30 = arith.constant 8 : i32
    }
    %scan3A_6 = arith.constant 32 : i32
    %scan3A_7 = arith.constant 0 : i32
    %scan3A_8 = arith.constant 20 : i32
    %scan3A_9 = arith.addi %scan3A_7, %scan3A_8 : i32
    %scan3A_10 = arith.constant 1 : i32
    scf.for %scan3A_21 = %scan3A_7 to %scan3A_9 step %scan3A_10  : i32 {
      %mul3A_22 = arith.constant 32 : i32
      %mul3A_23 = arith.muli %scan3A_21, %mul3A_22 : i32
      %add3A_24 = arith.constant 0 : i32
      %add3A_25 = arith.addi %add3A_24, %mul3A_23 : i32
      %add3A_26 = arith.addi %mul3A_2, %add3A_25 : i32
      "tpu.region"() ({
        %run_scoped3A = tpu.sem_alloc : memref<!tpu.dma_semaphore, #tpu.memory_space<semaphore_mem>>
        %dma_start3A = arith.constant 0 : i32
        %dma_start3A_27 = tpu.memref_slice %arg11[%add3A_26, %dma_start3A] : memref<10240x128xf32, #tpu.memory_space<vmem_shared>> -> memref<32x128xf32, #tpu.memory_space<vmem_shared>>
        %dma_start3A_28 = arith.constant 0 : i32
        %dma_start3A_29 = tpu.memref_slice %arg11[%add3A_26, %dma_start3A_28] : memref<10240x128xf32, #tpu.memory_space<vmem_shared>> -> memref<32x128xf32, #tpu.memory_space<vmem_shared>>
        tpu.enqueue_dma source(%arg10 : memref<32x128xf32, #tpu.memory_space<vmem>>) target(%dma_start3A_29 : memref<32x128xf32, #tpu.memory_space<vmem_shared>>) target_semaphore(%run_scoped3A : memref<!tpu.dma_semaphore, #tpu.memory_space<semaphore_mem>>)
        %dma_wait3A = arith.constant 0 : i32
        %dma_wait3A_30 = tpu.memref_slice %arg11[%add3A_26, %dma_wait3A] : memref<10240x128xf32, #tpu.memory_space<vmem_shared>> -> memref<32x128xf32, #tpu.memory_space<vmem_shared>>
        %dma_wait3A_31 = arith.constant 0 : i32
        %dma_wait3A_32 = tpu.memref_slice %arg11[%add3A_26, %dma_wait3A_31] : memref<10240x128xf32, #tpu.memory_space<vmem_shared>> -> memref<32x128xf32, #tpu.memory_space<vmem_shared>>
        tpu.wait_dma2 semaphore(%run_scoped3A : memref<!tpu.dma_semaphore, #tpu.memory_space<semaphore_mem>>) src(%arg10 : memref<32x128xf32, #tpu.memory_space<vmem>>) dst(%dma_wait3A_32 : memref<32x128xf32, #tpu.memory_space<vmem_shared>>)
        tpu.yield
      }) : () -> ()
    }
    %scan3A_11 = arith.constant 20 : i32
    %barrier3A = arith.constant 0 : index
    tpu.barrier barrier_id(%barrier3A)
    %scan3A_12 = arith.constant 0 : i32
    %scan3A_13 = arith.constant 5 : i32
    %scan3A_14 = arith.addi %scan3A_12, %scan3A_13 : i32
    %scan3A_15 = arith.constant 1 : i32
    scf.for %scan3A_21 = %scan3A_12 to %scan3A_14 step %scan3A_15  : i32 {
      %mul3A_22 = arith.constant 16 : i32
      %mul3A_23 = arith.muli %scan3A_21, %mul3A_22 : i32
      %add3A_24 = arith.constant 0 : i32
      %add3A_25 = arith.addi %add3A_24, %mul3A_23 : i32
      %mul3A_26 = arith.constant 80 : i32
      %mul3A_27 = arith.muli %add3A, %mul3A_26 : i32
      %add3A_28 = arith.addi %mul3A_27, %add3A_25 : i32
      "tpu.region"() ({
        %run_scoped3A = tpu.sem_alloc : memref<!tpu.dma_semaphore, #tpu.memory_space<semaphore_mem>>
        %dma_start3A_45 = arith.constant 0 : i32
        %dma_start3A_46 = tpu.memref_slice %arg3[%add3A_28, %dma_start3A_45] : memref<2560x128xi32, #tpu.memory_space<hbm>> -> memref<16x128xi32, #tpu.memory_space<hbm>>
        %dma_start3A_47 = arith.constant 0 : i32
        %dma_start3A_48 = tpu.memref_slice %arg3[%add3A_28, %dma_start3A_47] : memref<2560x128xi32, #tpu.memory_space<hbm>> -> memref<16x128xi32, #tpu.memory_space<hbm>>
        tpu.enqueue_dma source(%dma_start3A_48 : memref<16x128xi32, #tpu.memory_space<hbm>>) target(%arg6 : memref<16x128xi32, #tpu.memory_space<vmem>>) target_semaphore(%run_scoped3A : memref<!tpu.dma_semaphore, #tpu.memory_space<semaphore_mem>>)
        %dma_wait3A = arith.constant 0 : i32
        %dma_wait3A_49 = tpu.memref_slice %arg3[%add3A_28, %dma_wait3A] : memref<2560x128xi32, #tpu.memory_space<hbm>> -> memref<16x128xi32, #tpu.memory_space<hbm>>
        %dma_wait3A_50 = arith.constant 0 : i32
        %dma_wait3A_51 = tpu.memref_slice %arg3[%add3A_28, %dma_wait3A_50] : memref<2560x128xi32, #tpu.memory_space<hbm>> -> memref<16x128xi32, #tpu.memory_space<hbm>>
        tpu.wait_dma2 semaphore(%run_scoped3A : memref<!tpu.dma_semaphore, #tpu.memory_space<semaphore_mem>>) src(%dma_wait3A_51 : memref<16x128xi32, #tpu.memory_space<hbm>>) dst(%arg6 : memref<16x128xi32, #tpu.memory_space<vmem>>)
        tpu.yield
      }) : () -> ()
      %mul3A_29 = arith.constant 80 : i32
      %mul3A_30 = arith.muli %add3A, %mul3A_29 : i32
      %add3A_31 = arith.addi %mul3A_30, %add3A_25 : i32
      %mul3A_32 = arith.constant 2 : i32
      %mul3A_33 = arith.muli %mul3A_32, %add3A_31 : i32
      "tpu.region"() ({
        %run_scoped3A = tpu.sem_alloc : memref<!tpu.dma_semaphore, #tpu.memory_space<semaphore_mem>>
        %dma_start3A_45 = arith.constant 0 : i32
        %dma_start3A_46 = tpu.memref_slice %arg4[%mul3A_33, %dma_start3A_45] : memref<5120x64xi32, #tpu.memory_space<hbm>> -> memref<32x64xi32, #tpu.memory_space<hbm>>
        %dma_start3A_47 = arith.constant 0 : i32
        %dma_start3A_48 = tpu.memref_slice %arg4[%mul3A_33, %dma_start3A_47] : memref<5120x64xi32, #tpu.memory_space<hbm>> -> memref<32x64xi32, #tpu.memory_space<hbm>>
        tpu.enqueue_dma source(%dma_start3A_48 : memref<32x64xi32, #tpu.memory_space<hbm>>) target(%arg7 : memref<32x64xi32, #tpu.memory_space<vmem>>) target_semaphore(%run_scoped3A : memref<!tpu.dma_semaphore, #tpu.memory_space<semaphore_mem>>)
        %dma_wait3A = arith.constant 0 : i32
        %dma_wait3A_49 = tpu.memref_slice %arg4[%mul3A_33, %dma_wait3A] : memref<5120x64xi32, #tpu.memory_space<hbm>> -> memref<32x64xi32, #tpu.memory_space<hbm>>
        %dma_wait3A_50 = arith.constant 0 : i32
        %dma_wait3A_51 = tpu.memref_slice %arg4[%mul3A_33, %dma_wait3A_50] : memref<5120x64xi32, #tpu.memory_space<hbm>> -> memref<32x64xi32, #tpu.memory_space<hbm>>
        tpu.wait_dma2 semaphore(%run_scoped3A : memref<!tpu.dma_semaphore, #tpu.memory_space<semaphore_mem>>) src(%dma_wait3A_51 : memref<32x64xi32, #tpu.memory_space<hbm>>) dst(%arg7 : memref<32x64xi32, #tpu.memory_space<vmem>>)
        tpu.yield
      }) : () -> ()
      %dma_start3A = arith.constant 0 : i32
      %dma_start3A_34 = arith.constant 0 : i32
      %dma_start3A_35 = tpu.memref_slice %arg6[%dma_start3A, %dma_start3A_34] : memref<16x128xi32, #tpu.memory_space<vmem>> -> memref<1x128xi32, #tpu.memory_space<vmem>>
      %dma_start3A_36 = tpu.memref_squeeze %dma_start3A_35 : memref<1x128xi32, #tpu.memory_space<vmem>> -> memref<128xi32, #tpu.memory_space<vmem>>
      %dma_start3A_37 = arith.constant 0 : i32
      %dma_start3A_38 = arith.constant 0 : i32
      %dma_start3A_39 = tpu.memref_slice %arg2[%dma_start3A_37, %dma_start3A_38] : memref<10240x128xf32, #tpu.memory_space<hbm>> -> memref<10240x128xf32, #tpu.memory_space<hbm>>
      tpu.enqueue_indirect_dma source(%dma_start3A_39 : memref<10240x128xf32, #tpu.memory_space<hbm>>) target(%arg8 : memref<128x128xf32, #tpu.memory_space<vmem>>) offsets(%dma_start3A_36 : memref<128xi32, #tpu.memory_space<vmem>>) semaphore(%arg12 : memref<!tpu.dma_semaphore, #tpu.memory_space<semaphore_mem>>)
      %scan3A_40 = arith.constant 0 : i32
      %scan3A_41 = arith.constant 8 : i32
      %scan3A_42 = arith.addi %scan3A_40, %scan3A_41 : i32
      %scan3A_43 = arith.constant 1 : i32
      scf.for %scan3A_45 = %scan3A_40 to %scan3A_42 step %scan3A_43  : i32 {
        %mul3A_46 = arith.constant 2 : i32
        %mul3A_47 = arith.muli %scan3A_45, %mul3A_46 : i32
        %add3A_48 = arith.constant 0 : i32
        %add3A_49 = arith.addi %add3A_48, %mul3A_47 : i32
        %dma_wait3A = arith.constant 0 : i32
        %dma_wait3A_50 = tpu.memref_slice %arg6[%add3A_49, %dma_wait3A] : memref<16x128xi32, #tpu.memory_space<vmem>> -> memref<1x128xi32, #tpu.memory_space<vmem>>
        %dma_wait3A_51 = tpu.memref_squeeze %dma_wait3A_50 : memref<1x128xi32, #tpu.memory_space<vmem>> -> memref<128xi32, #tpu.memory_space<vmem>>
        %dma_wait3A_52 = arith.constant 0 : i32
        %dma_wait3A_53 = arith.constant 0 : i32
        %dma_wait3A_54 = tpu.memref_slice %arg2[%dma_wait3A_52, %dma_wait3A_53] : memref<10240x128xf32, #tpu.memory_space<hbm>> -> memref<10240x128xf32, #tpu.memory_space<hbm>>
        tpu.wait_indirect_dma semaphore(%arg12 : memref<!tpu.dma_semaphore, #tpu.memory_space<semaphore_mem>>) src(%dma_wait3A_54 : memref<10240x128xf32, #tpu.memory_space<hbm>>) dst(%arg8 : memref<128x128xf32, #tpu.memory_space<vmem>>)
        %add3A_55 = arith.constant 1 : i32
        %add3A_56 = arith.addi %add3A_49, %add3A_55 : i32
        %dma_start3A_57 = arith.constant 0 : i32
        %dma_start3A_58 = tpu.memref_slice %arg6[%add3A_56, %dma_start3A_57] : memref<16x128xi32, #tpu.memory_space<vmem>> -> memref<1x128xi32, #tpu.memory_space<vmem>>
        %dma_start3A_59 = tpu.memref_squeeze %dma_start3A_58 : memref<1x128xi32, #tpu.memory_space<vmem>> -> memref<128xi32, #tpu.memory_space<vmem>>
        %dma_start3A_60 = arith.constant 0 : i32
        %dma_start3A_61 = arith.constant 0 : i32
        %dma_start3A_62 = tpu.memref_slice %arg2[%dma_start3A_60, %dma_start3A_61] : memref<10240x128xf32, #tpu.memory_space<hbm>> -> memref<10240x128xf32, #tpu.memory_space<hbm>>
        tpu.enqueue_indirect_dma source(%dma_start3A_62 : memref<10240x128xf32, #tpu.memory_space<hbm>>) target(%arg9 : memref<128x128xf32, #tpu.memory_space<vmem>>) offsets(%dma_start3A_59 : memref<128xi32, #tpu.memory_space<vmem>>) semaphore(%arg13 : memref<!tpu.dma_semaphore, #tpu.memory_space<semaphore_mem>>)
        %mul3A_63 = arith.constant 2 : i32
        %mul3A_64 = arith.muli %mul3A_63, %add3A_49 : i32
        "tpu.region"() ({
          %run_scoped3A = tpu.sem_alloc : memref<!tpu.dma_semaphore, #tpu.memory_space<semaphore_mem>>
          %dma_start3A_89 = arith.constant 0 : i32
          %dma_start3A_90 = arith.constant 0 : i32
          %dma_start3A_91 = tpu.memref_slice %arg8[%dma_start3A_89, %dma_start3A_90] : memref<128x128xf32, #tpu.memory_space<vmem>> -> memref<64x128xf32, #tpu.memory_space<vmem>>
          %dma_start3A_92 = arith.constant 0 : i32
          %dma_start3A_93 = tpu.memref_slice %arg7[%mul3A_64, %dma_start3A_92] : memref<32x64xi32, #tpu.memory_space<vmem>> -> memref<1x64xi32, #tpu.memory_space<vmem>>
          %dma_start3A_94 = tpu.memref_squeeze %dma_start3A_93 : memref<1x64xi32, #tpu.memory_space<vmem>> -> memref<64xi32, #tpu.memory_space<vmem>>
          %dma_start3A_95 = arith.constant 0 : i32
          %dma_start3A_96 = arith.constant 0 : i32
          %dma_start3A_97 = tpu.memref_slice %arg11[%dma_start3A_95, %dma_start3A_96] : memref<10240x128xf32, #tpu.memory_space<vmem_shared>> -> memref<10240x128xf32, #tpu.memory_space<vmem_shared>>
          tpu.enqueue_indirect_dma source(%dma_start3A_91 : memref<64x128xf32, #tpu.memory_space<vmem>>) target(%dma_start3A_97 : memref<10240x128xf32, #tpu.memory_space<vmem_shared>>) offsets(%dma_start3A_94 : memref<64xi32, #tpu.memory_space<vmem>>) semaphore(%run_scoped3A : memref<!tpu.dma_semaphore, #tpu.memory_space<semaphore_mem>>) {add = true}
          %dma_wait3A_98 = arith.constant 0 : i32
          %dma_wait3A_99 = arith.constant 0 : i32
          %dma_wait3A_100 = tpu.memref_slice %arg8[%dma_wait3A_98, %dma_wait3A_99] : memref<128x128xf32, #tpu.memory_space<vmem>> -> memref<64x128xf32, #tpu.memory_space<vmem>>
          %dma_wait3A_101 = arith.constant 0 : i32
          %dma_wait3A_102 = tpu.memref_slice %arg7[%mul3A_64, %dma_wait3A_101] : memref<32x64xi32, #tpu.memory_space<vmem>> -> memref<1x64xi32, #tpu.memory_space<vmem>>
          %dma_wait3A_103 = tpu.memref_squeeze %dma_wait3A_102 : memref<1x64xi32, #tpu.memory_space<vmem>> -> memref<64xi32, #tpu.memory_space<vmem>>
          %dma_wait3A_104 = arith.constant 0 : i32
          %dma_wait3A_105 = arith.constant 0 : i32
          %dma_wait3A_106 = tpu.memref_slice %arg11[%dma_wait3A_104, %dma_wait3A_105] : memref<10240x128xf32, #tpu.memory_space<vmem_shared>> -> memref<10240x128xf32, #tpu.memory_space<vmem_shared>>
          tpu.wait_indirect_dma semaphore(%run_scoped3A : memref<!tpu.dma_semaphore, #tpu.memory_space<semaphore_mem>>) src(%dma_wait3A_100 : memref<64x128xf32, #tpu.memory_space<vmem>>) dst(%dma_wait3A_106 : memref<10240x128xf32, #tpu.memory_space<vmem_shared>>)
          tpu.yield
        }) : () -> ()
        %mul3A_65 = arith.constant 2 : i32
        %mul3A_66 = arith.muli %mul3A_65, %add3A_49 : i32
        %add3A_67 = arith.constant 1 : i32
        %add3A_68 = arith.addi %mul3A_66, %add3A_67 : i32
        "tpu.region"() ({
          %run_scoped3A = tpu.sem_alloc : memref<!tpu.dma_semaphore, #tpu.memory_space<semaphore_mem>>
          %dma_start3A_89 = arith.constant 64 : i32
          %dma_start3A_90 = arith.constant 0 : i32
          %dma_start3A_91 = tpu.memref_slice %arg8[%dma_start3A_89, %dma_start3A_90] : memref<128x128xf32, #tpu.memory_space<vmem>> -> memref<64x128xf32, #tpu.memory_space<vmem>>
          %dma_start3A_92 = arith.constant 0 : i32
          %dma_start3A_93 = tpu.memref_slice %arg7[%add3A_68, %dma_start3A_92] : memref<32x64xi32, #tpu.memory_space<vmem>> -> memref<1x64xi32, #tpu.memory_space<vmem>>
          %dma_start3A_94 = tpu.memref_squeeze %dma_start3A_93 : memref<1x64xi32, #tpu.memory_space<vmem>> -> memref<64xi32, #tpu.memory_space<vmem>>
          %dma_start3A_95 = arith.constant 0 : i32
          %dma_start3A_96 = arith.constant 0 : i32
          %dma_start3A_97 = tpu.memref_slice %arg11[%dma_start3A_95, %dma_start3A_96] : memref<10240x128xf32, #tpu.memory_space<vmem_shared>> -> memref<10240x128xf32, #tpu.memory_space<vmem_shared>>
          tpu.enqueue_indirect_dma source(%dma_start3A_91 : memref<64x128xf32, #tpu.memory_space<vmem>>) target(%dma_start3A_97 : memref<10240x128xf32, #tpu.memory_space<vmem_shared>>) offsets(%dma_start3A_94 : memref<64xi32, #tpu.memory_space<vmem>>) semaphore(%run_scoped3A : memref<!tpu.dma_semaphore, #tpu.memory_space<semaphore_mem>>) {add = true}
          %dma_wait3A_98 = arith.constant 64 : i32
          %dma_wait3A_99 = arith.constant 0 : i32
          %dma_wait3A_100 = tpu.memref_slice %arg8[%dma_wait3A_98, %dma_wait3A_99] : memref<128x128xf32, #tpu.memory_space<vmem>> -> memref<64x128xf32, #tpu.memory_space<vmem>>
          %dma_wait3A_101 = arith.constant 0 : i32
          %dma_wait3A_102 = tpu.memref_slice %arg7[%add3A_68, %dma_wait3A_101] : memref<32x64xi32, #tpu.memory_space<vmem>> -> memref<1x64xi32, #tpu.memory_space<vmem>>
          %dma_wait3A_103 = tpu.memref_squeeze %dma_wait3A_102 : memref<1x64xi32, #tpu.memory_space<vmem>> -> memref<64xi32, #tpu.memory_space<vmem>>
          %dma_wait3A_104 = arith.constant 0 : i32
          %dma_wait3A_105 = arith.constant 0 : i32
          %dma_wait3A_106 = tpu.memref_slice %arg11[%dma_wait3A_104, %dma_wait3A_105] : memref<10240x128xf32, #tpu.memory_space<vmem_shared>> -> memref<10240x128xf32, #tpu.memory_space<vmem_shared>>
          tpu.wait_indirect_dma semaphore(%run_scoped3A : memref<!tpu.dma_semaphore, #tpu.memory_space<semaphore_mem>>) src(%dma_wait3A_100 : memref<64x128xf32, #tpu.memory_space<vmem>>) dst(%dma_wait3A_106 : memref<10240x128xf32, #tpu.memory_space<vmem_shared>>)
          tpu.yield
        }) : () -> ()
        %add3A_69 = arith.constant 1 : i32
        %add3A_70 = arith.addi %add3A_49, %add3A_69 : i32
        %dma_wait3A_71 = arith.constant 0 : i32
        %dma_wait3A_72 = tpu.memref_slice %arg6[%add3A_70, %dma_wait3A_71] : memref<16x128xi32, #tpu.memory_space<vmem>> -> memref<1x128xi32, #tpu.memory_space<vmem>>
        %dma_wait3A_73 = tpu.memref_squeeze %dma_wait3A_72 : memref<1x128xi32, #tpu.memory_space<vmem>> -> memref<128xi32, #tpu.memory_space<vmem>>
        %dma_wait3A_74 = arith.constant 0 : i32
        %dma_wait3A_75 = arith.constant 0 : i32
        %dma_wait3A_76 = tpu.memref_slice %arg2[%dma_wait3A_74, %dma_wait3A_75] : memref<10240x128xf32, #tpu.memory_space<hbm>> -> memref<10240x128xf32, #tpu.memory_space<hbm>>
        tpu.wait_indirect_dma semaphore(%arg13 : memref<!tpu.dma_semaphore, #tpu.memory_space<semaphore_mem>>) src(%dma_wait3A_76 : memref<10240x128xf32, #tpu.memory_space<hbm>>) dst(%arg9 : memref<128x128xf32, #tpu.memory_space<vmem>>)
        %add3A_77 = arith.constant 2 : i32
        %add3A_78 = arith.addi %add3A_49, %add3A_77 : i32
        %lt3A = arith.constant 16 : i32
        %lt3A_79 = arith.cmpi slt, %add3A_78, %lt3A : i32
        %convert_element_type3A = arith.extui %lt3A_79 : i1 to i32
        %cond3A = arith.constant 0 : i32
        %cond3A_80 = arith.cmpi ne, %convert_element_type3A, %cond3A : i32
        scf.if %cond3A_80 {
          %add3A_89 = arith.constant 2 : i32
          %add3A_90 = arith.addi %add3A_49, %add3A_89 : i32
          %dma_start3A_91 = arith.constant 0 : i32
          %dma_start3A_92 = tpu.memref_slice %arg6[%add3A_90, %dma_start3A_91] : memref<16x128xi32, #tpu.memory_space<vmem>> -> memref<1x128xi32, #tpu.memory_space<vmem>>
          %dma_start3A_93 = tpu.memref_squeeze %dma_start3A_92 : memref<1x128xi32, #tpu.memory_space<vmem>> -> memref<128xi32, #tpu.memory_space<vmem>>
          %dma_start3A_94 = arith.constant 0 : i32
          %dma_start3A_95 = arith.constant 0 : i32
          %dma_start3A_96 = tpu.memref_slice %arg2[%dma_start3A_94, %dma_start3A_95] : memref<10240x128xf32, #tpu.memory_space<hbm>> -> memref<10240x128xf32, #tpu.memory_space<hbm>>
          tpu.enqueue_indirect_dma source(%dma_start3A_96 : memref<10240x128xf32, #tpu.memory_space<hbm>>) target(%arg8 : memref<128x128xf32, #tpu.memory_space<vmem>>) offsets(%dma_start3A_93 : memref<128xi32, #tpu.memory_space<vmem>>) semaphore(%arg12 : memref<!tpu.dma_semaphore, #tpu.memory_space<semaphore_mem>>)
        } else {
        }
        %mul3A_81 = arith.constant 2 : i32
        %mul3A_82 = arith.muli %mul3A_81, %add3A_49 : i32
        %add3A_83 = arith.constant 2 : i32
        %add3A_84 = arith.addi %mul3A_82, %add3A_83 : i32
        "tpu.region"() ({
          %run_scoped3A = tpu.sem_alloc : memref<!tpu.dma_semaphore, #tpu.memory_space<semaphore_mem>>
          %dma_start3A_89 = arith.constant 0 : i32
          %dma_start3A_90 = arith.constant 0 : i32
          %dma_start3A_91 = tpu.memref_slice %arg9[%dma_start3A_89, %dma_start3A_90] : memref<128x128xf32, #tpu.memory_space<vmem>> -> memref<64x128xf32, #tpu.memory_space<vmem>>
          %dma_start3A_92 = arith.constant 0 : i32
          %dma_start3A_93 = tpu.memref_slice %arg7[%add3A_84, %dma_start3A_92] : memref<32x64xi32, #tpu.memory_space<vmem>> -> memref<1x64xi32, #tpu.memory_space<vmem>>
          %dma_start3A_94 = tpu.memref_squeeze %dma_start3A_93 : memref<1x64xi32, #tpu.memory_space<vmem>> -> memref<64xi32, #tpu.memory_space<vmem>>
          %dma_start3A_95 = arith.constant 0 : i32
          %dma_start3A_96 = arith.constant 0 : i32
          %dma_start3A_97 = tpu.memref_slice %arg11[%dma_start3A_95, %dma_start3A_96] : memref<10240x128xf32, #tpu.memory_space<vmem_shared>> -> memref<10240x128xf32, #tpu.memory_space<vmem_shared>>
          tpu.enqueue_indirect_dma source(%dma_start3A_91 : memref<64x128xf32, #tpu.memory_space<vmem>>) target(%dma_start3A_97 : memref<10240x128xf32, #tpu.memory_space<vmem_shared>>) offsets(%dma_start3A_94 : memref<64xi32, #tpu.memory_space<vmem>>) semaphore(%run_scoped3A : memref<!tpu.dma_semaphore, #tpu.memory_space<semaphore_mem>>) {add = true}
          %dma_wait3A_98 = arith.constant 0 : i32
          %dma_wait3A_99 = arith.constant 0 : i32
          %dma_wait3A_100 = tpu.memref_slice %arg9[%dma_wait3A_98, %dma_wait3A_99] : memref<128x128xf32, #tpu.memory_space<vmem>> -> memref<64x128xf32, #tpu.memory_space<vmem>>
          %dma_wait3A_101 = arith.constant 0 : i32
          %dma_wait3A_102 = tpu.memref_slice %arg7[%add3A_84, %dma_wait3A_101] : memref<32x64xi32, #tpu.memory_space<vmem>> -> memref<1x64xi32, #tpu.memory_space<vmem>>
          %dma_wait3A_103 = tpu.memref_squeeze %dma_wait3A_102 : memref<1x64xi32, #tpu.memory_space<vmem>> -> memref<64xi32, #tpu.memory_space<vmem>>
          %dma_wait3A_104 = arith.constant 0 : i32
          %dma_wait3A_105 = arith.constant 0 : i32
          %dma_wait3A_106 = tpu.memref_slice %arg11[%dma_wait3A_104, %dma_wait3A_105] : memref<10240x128xf32, #tpu.memory_space<vmem_shared>> -> memref<10240x128xf32, #tpu.memory_space<vmem_shared>>
          tpu.wait_indirect_dma semaphore(%run_scoped3A : memref<!tpu.dma_semaphore, #tpu.memory_space<semaphore_mem>>) src(%dma_wait3A_100 : memref<64x128xf32, #tpu.memory_space<vmem>>) dst(%dma_wait3A_106 : memref<10240x128xf32, #tpu.memory_space<vmem_shared>>)
          tpu.yield
        }) : () -> ()
        %mul3A_85 = arith.constant 2 : i32
        %mul3A_86 = arith.muli %mul3A_85, %add3A_49 : i32
        %add3A_87 = arith.constant 3 : i32
        %add3A_88 = arith.addi %mul3A_86, %add3A_87 : i32
        "tpu.region"() ({
          %run_scoped3A = tpu.sem_alloc : memref<!tpu.dma_semaphore, #tpu.memory_space<semaphore_mem>>
          %dma_start3A_89 = arith.constant 64 : i32
          %dma_start3A_90 = arith.constant 0 : i32
          %dma_start3A_91 = tpu.memref_slice %arg9[%dma_start3A_89, %dma_start3A_90] : memref<128x128xf32, #tpu.memory_space<vmem>> -> memref<64x128xf32, #tpu.memory_space<vmem>>
          %dma_start3A_92 = arith.constant 0 : i32
          %dma_start3A_93 = tpu.memref_slice %arg7[%add3A_88, %dma_start3A_92] : memref<32x64xi32, #tpu.memory_space<vmem>> -> memref<1x64xi32, #tpu.memory_space<vmem>>
          %dma_start3A_94 = tpu.memref_squeeze %dma_start3A_93 : memref<1x64xi32, #tpu.memory_space<vmem>> -> memref<64xi32, #tpu.memory_space<vmem>>
          %dma_start3A_95 = arith.constant 0 : i32
          %dma_start3A_96 = arith.constant 0 : i32
          %dma_start3A_97 = tpu.memref_slice %arg11[%dma_start3A_95, %dma_start3A_96] : memref<10240x128xf32, #tpu.memory_space<vmem_shared>> -> memref<10240x128xf32, #tpu.memory_space<vmem_shared>>
          tpu.enqueue_indirect_dma source(%dma_start3A_91 : memref<64x128xf32, #tpu.memory_space<vmem>>) target(%dma_start3A_97 : memref<10240x128xf32, #tpu.memory_space<vmem_shared>>) offsets(%dma_start3A_94 : memref<64xi32, #tpu.memory_space<vmem>>) semaphore(%run_scoped3A : memref<!tpu.dma_semaphore, #tpu.memory_space<semaphore_mem>>) {add = true}
          %dma_wait3A_98 = arith.constant 64 : i32
          %dma_wait3A_99 = arith.constant 0 : i32
          %dma_wait3A_100 = tpu.memref_slice %arg9[%dma_wait3A_98, %dma_wait3A_99] : memref<128x128xf32, #tpu.memory_space<vmem>> -> memref<64x128xf32, #tpu.memory_space<vmem>>
          %dma_wait3A_101 = arith.constant 0 : i32
          %dma_wait3A_102 = tpu.memref_slice %arg7[%add3A_88, %dma_wait3A_101] : memref<32x64xi32, #tpu.memory_space<vmem>> -> memref<1x64xi32, #tpu.memory_space<vmem>>
          %dma_wait3A_103 = tpu.memref_squeeze %dma_wait3A_102 : memref<1x64xi32, #tpu.memory_space<vmem>> -> memref<64xi32, #tpu.memory_space<vmem>>
          %dma_wait3A_104 = arith.constant 0 : i32
          %dma_wait3A_105 = arith.constant 0 : i32
          %dma_wait3A_106 = tpu.memref_slice %arg11[%dma_wait3A_104, %dma_wait3A_105] : memref<10240x128xf32, #tpu.memory_space<vmem_shared>> -> memref<10240x128xf32, #tpu.memory_space<vmem_shared>>
          tpu.wait_indirect_dma semaphore(%run_scoped3A : memref<!tpu.dma_semaphore, #tpu.memory_space<semaphore_mem>>) src(%dma_wait3A_100 : memref<64x128xf32, #tpu.memory_space<vmem>>) dst(%dma_wait3A_106 : memref<10240x128xf32, #tpu.memory_space<vmem_shared>>)
          tpu.yield
        }) : () -> ()
      }
      %scan3A_44 = arith.constant 8 : i32
    }
    %scan3A_16 = arith.constant 5 : i32
    %barrier3A_17 = arith.constant 0 : index
    tpu.barrier barrier_id(%barrier3A_17)
    %mul3A_18 = arith.constant 10240 : i32
    %mul3A_19 = arith.muli %arg0, %mul3A_18 : i32
    %add3A_20 = arith.addi %mul3A_19, %mul3A_2 : i32
    "tpu.region"() ({
      %run_scoped3A = tpu.sem_alloc : memref<!tpu.dma_semaphore, #tpu.memory_space<semaphore_mem>>
      %dma_start3A = arith.constant 0 : i32
      %dma_start3A_21 = tpu.memref_slice %arg5[%add3A_20, %dma_start3A] : memref<20480x128xf32, #tpu.memory_space<hbm>> -> memref<640x128xf32, #tpu.memory_space<hbm>>
      %dma_start3A_22 = arith.constant 0 : i32
      %dma_start3A_23 = tpu.memref_slice %arg11[%mul3A_2, %dma_start3A_22] : memref<10240x128xf32, #tpu.memory_space<vmem_shared>> -> memref<640x128xf32, #tpu.memory_space<vmem_shared>>
      tpu.enqueue_dma source(%dma_start3A_23 : memref<640x128xf32, #tpu.memory_space<vmem_shared>>) target(%dma_start3A_21 : memref<640x128xf32, #tpu.memory_space<hbm>>) target_semaphore(%run_scoped3A : memref<!tpu.dma_semaphore, #tpu.memory_space<semaphore_mem>>)
      %dma_wait3A = arith.constant 0 : i32
      %dma_wait3A_24 = tpu.memref_slice %arg5[%add3A_20, %dma_wait3A] : memref<20480x128xf32, #tpu.memory_space<hbm>> -> memref<640x128xf32, #tpu.memory_space<hbm>>
      %dma_wait3A_25 = arith.constant 0 : i32
      %dma_wait3A_26 = tpu.memref_slice %arg11[%mul3A_2, %dma_wait3A_25] : memref<10240x128xf32, #tpu.memory_space<vmem_shared>> -> memref<640x128xf32, #tpu.memory_space<vmem_shared>>
      tpu.wait_dma2 semaphore(%run_scoped3A : memref<!tpu.dma_semaphore, #tpu.memory_space<semaphore_mem>>) src(%dma_wait3A_26 : memref<640x128xf32, #tpu.memory_space<vmem_shared>>) dst(%dma_wait3A_24 : memref<640x128xf32, #tpu.memory_space<hbm>>)
      tpu.yield
    }) : () -> ()
    return
  }
}

module attributes {stable_mosaic.version = 14 : i64} {
  func.func @body(%arg0: i32, %arg1: memref<1024x128xf32, #tpu.memory_space<vmem>>, %arg2: memref<128x128xf32, #tpu.memory_space<vmem>>, %arg3: memref<1024x128xf32, #tpu.memory_space<vmem>>) attributes {dimension_semantics = [#tpu.dimension_semantics<arbitrary>], iteration_bounds = array<i64: 10>, scalar_prefetch = 0 : i64, scratch_operands = 0 : i64, tpu.core_type = #tpu.core_type<tc>, window_params = [{transform_indices = @transform_0, window_bounds = array<i64: 1024, 128>}, {pipeline_mode = #tpu.pipeline_mode<synchronous>, transform_indices = @transform_1, window_bounds = array<i64: 128, 128>}, {transform_indices = @transform_2, window_bounds = array<i64: 1024, 128>}]} {
    %get3A = arith.constant 0 : index
    %get3A_0 = arith.constant 0 : index
    %get3A_1 = vector.load %arg1[%get3A, %get3A_0] : memref<1024x128xf32, #tpu.memory_space<vmem>>, vector<1024x128xf32>
    %get3A_2 = arith.constant 0 : index
    %get3A_3 = arith.constant 0 : index
    %get3A_4 = vector.load %arg2[%get3A_2, %get3A_3] : memref<128x128xf32, #tpu.memory_space<vmem>>, vector<128x128xf32>
    %dot_general3A = arith.constant dense<0.000000e+00> : vector<1024x128xf32>
    %dot_general3A_5 = tpu.matmul %get3A_1, %get3A_4, %dot_general3A {dimension_numbers = #tpu.dot_dimension_numbers<[1], [0], [0], [1], [0, 0, 1, 1], [], []>, precision = #tpu.contract_precision<fp32>, transpose_lhs_hint = false} : vector<1024x128xf32>, vector<128x128xf32>, vector<1024x128xf32> -> vector<1024x128xf32>
    %swap3A = arith.constant 0 : index
    %swap3A_6 = arith.constant 0 : index
    %swap3A_7 = vector.load %arg3[%swap3A, %swap3A_6] : memref<1024x128xf32, #tpu.memory_space<vmem>>, vector<1024x128xf32>
    tpu.vector_store %arg3[%swap3A, %swap3A_6], %dot_general3A_5 {strides = array<i32>} : memref<1024x128xf32, #tpu.memory_space<vmem>>, vector<1024x128xf32>,
    return
  }
  func.func @transform_0(%arg0: i32) -> (i32, i32) {
    %c0_i32 = arith.constant 0 : i32
    %c0_i32_0 = arith.constant 0 : i32
    return %arg0, %c0_i32 : i32, i32
  }
  func.func @transform_1(%arg0: i32) -> (i32, i32) {
    %c0_i32 = arith.constant 0 : i32
    %c0_i32_0 = arith.constant 0 : i32
    %c0_i32_1 = arith.constant 0 : i32
    return %c0_i32, %c0_i32_0 : i32, i32
  }
  func.func @transform_2(%arg0: i32) -> (i32, i32) {
    %c0_i32 = arith.constant 0 : i32
    %c0_i32_0 = arith.constant 0 : i32
    return %arg0, %c0_i32 : i32, i32
  }
}

module attributes {stable_mosaic.version = 14 : i64} {
  func.func @body(%arg0: i32, %arg1: memref<1024x16xf32, #tpu.memory_space<vmem>>, %arg2: memref<1024x16xf32, #tpu.memory_space<vmem>>, %arg3: memref<1024x128xf32, #tpu.memory_space<vmem>>, %arg4: memref<1024x128xf32, #tpu.memory_space<vmem>>, %arg5: memref<1024xf32, #tpu.memory_space<vmem>>) attributes {dimension_semantics = [#tpu.dimension_semantics<arbitrary>], iteration_bounds = array<i64: 10>, scalar_prefetch = 0 : i64, scratch_operands = 0 : i64, tpu.core_type = #tpu.core_type<tc>, window_params = [{transform_indices = @transform_0, window_bounds = array<i64: 1024, 16>}, {transform_indices = @transform_1, window_bounds = array<i64: 1024, 16>}, {transform_indices = @transform_2, window_bounds = array<i64: 1024, 128>}, {transform_indices = @transform_3, window_bounds = array<i64: 1024, 128>}, {transform_indices = @transform_4, window_bounds = array<i64: 1024>}]} {
    %get3A = arith.constant 0 : index
    %get3A_0 = arith.constant 0 : index
    %get3A_1 = vector.load %arg1[%get3A, %get3A_0] : memref<1024x16xf32, #tpu.memory_space<vmem>>, vector<1024x16xf32>
    %slice3A = vector.extract_strided_slice %get3A_1 {offsets = [0, 0], sizes = [1024, 1], strides = [1, 1]} : vector<1024x16xf32> to vector<1024x1xf32>
    %squeeze3A = vector.shape_cast %slice3A : vector<1024x1xf32> to vector<1024xf32>
    %get3A_2 = arith.constant 0 : index
    %get3A_3 = arith.constant 0 : index
    %get3A_4 = vector.load %arg2[%get3A_2, %get3A_3] : memref<1024x16xf32, #tpu.memory_space<vmem>>, vector<1024x16xf32>
    %slice3A_5 = vector.extract_strided_slice %get3A_4 {offsets = [0, 0], sizes = [1024, 1], strides = [1, 1]} : vector<1024x16xf32> to vector<1024x1xf32>
    %squeeze3A_6 = vector.shape_cast %slice3A_5 : vector<1024x1xf32> to vector<1024xf32>
    %add3A = arith.addf %squeeze3A, %squeeze3A_6 : vector<1024xf32>
    %add3A_7 = arith.constant 1.000000e+00 : f32
    %add3A_8 = vector.broadcast %add3A_7 : f32 to vector<1024xf32>
    %add3A_9 = arith.addf %add3A, %add3A_8 : vector<1024xf32>
    %rsqrt3A = math.rsqrt %add3A_9 : vector<1024xf32>
    %swap3A = arith.constant 0 : index
    %swap3A_10 = vector.load %arg5[%swap3A] : memref<1024xf32, #tpu.memory_space<vmem>>, vector<1024xf32>
    tpu.vector_store %arg5[%swap3A], %rsqrt3A {strides = array<i32>} : memref<1024xf32, #tpu.memory_space<vmem>>, vector<1024xf32>,
    %get3A_11 = arith.constant 0 : index
    %get3A_12 = arith.constant 0 : index
    %get3A_13 = vector.load %arg3[%get3A_11, %get3A_12] : memref<1024x128xf32, #tpu.memory_space<vmem>>, vector<1024x128xf32>
    %broadcast_in_dim3A = vector.shape_cast %rsqrt3A : vector<1024xf32> to vector<1024x1xf32>
    %mul3A = vector.broadcast %broadcast_in_dim3A : vector<1024x1xf32> to vector<1024x128xf32>
    %mul3A_14 = arith.mulf %get3A_13, %mul3A : vector<1024x128xf32>
    %swap3A_15 = arith.constant 0 : index
    %swap3A_16 = arith.constant 0 : index
    %swap3A_17 = vector.load %arg4[%swap3A_15, %swap3A_16] : memref<1024x128xf32, #tpu.memory_space<vmem>>, vector<1024x128xf32>
    tpu.vector_store %arg4[%swap3A_15, %swap3A_16], %mul3A_14 {strides = array<i32>} : memref<1024x128xf32, #tpu.memory_space<vmem>>, vector<1024x128xf32>,
    return
  }
  func.func @transform_0(%arg0: i32) -> (i32, i32) {
    %c0_i32 = arith.constant 0 : i32
    %c0_i32_0 = arith.constant 0 : i32
    return %arg0, %c0_i32 : i32, i32
  }
  func.func @transform_1(%arg0: i32) -> (i32, i32) {
    %add3A = arith.constant 10 : i32
    %add3A_0 = arith.addi %arg0, %add3A : i32
    %c0_i32 = arith.constant 0 : i32
    %c0_i32_1 = arith.constant 0 : i32
    return %add3A_0, %c0_i32 : i32, i32
  }
  func.func @transform_2(%arg0: i32) -> (i32, i32) {
    %c0_i32 = arith.constant 0 : i32
    %c0_i32_0 = arith.constant 0 : i32
    return %arg0, %c0_i32 : i32, i32
  }
  func.func @transform_3(%arg0: i32) -> (i32, i32) {
    %c0_i32 = arith.constant 0 : i32
    %c0_i32_0 = arith.constant 0 : i32
    return %arg0, %c0_i32 : i32, i32
  }
  func.func @transform_4(%arg0: i32) -> i32 {
    %c0_i32 = arith.constant 0 : i32
    return %arg0 : i32
  }
}

module attributes {stable_mosaic.version = 14 : i64} {
  func.func @body(%arg0: i32, %arg1: memref<1024x128xf32, #tpu.memory_space<vmem>>, %arg2: memref<1024x128xf32, #tpu.memory_space<vmem>>, %arg3: memref<1024x128xf32, #tpu.memory_space<vmem>>, %arg4: memref<1024xf32, #tpu.memory_space<vmem>>, %arg5: memref<128xf32, #tpu.memory_space<vmem>>, %arg6: memref<128x128xf32, #tpu.memory_space<vmem>>, %arg7: memref<1024x128xf32, #tpu.memory_space<vmem>>) attributes {dimension_semantics = [#tpu.dimension_semantics<arbitrary>], iteration_bounds = array<i64: 10>, scalar_prefetch = 0 : i64, scratch_operands = 0 : i64, tpu.core_type = #tpu.core_type<tc>, window_params = [{transform_indices = @transform_0, window_bounds = array<i64: 1024, 128>}, {transform_indices = @transform_1, window_bounds = array<i64: 1024, 128>}, {transform_indices = @transform_2, window_bounds = array<i64: 1024, 128>}, {transform_indices = @transform_3, window_bounds = array<i64: 1024>}, {pipeline_mode = #tpu.pipeline_mode<synchronous>, transform_indices = @transform_4, window_bounds = array<i64: 128>}, {pipeline_mode = #tpu.pipeline_mode<synchronous>, transform_indices = @transform_5, window_bounds = array<i64: 128, 128>}, {transform_indices = @transform_6, window_bounds = array<i64: 1024, 128>}]} {
    %get3A = arith.constant 0 : index
    %get3A_0 = vector.load %arg4[%get3A] : memref<1024xf32, #tpu.memory_space<vmem>>, vector<1024xf32>
    %get3A_1 = arith.constant 0 : index
    %get3A_2 = arith.constant 0 : index
    %get3A_3 = vector.load %arg1[%get3A_1, %get3A_2] : memref<1024x128xf32, #tpu.memory_space<vmem>>, vector<1024x128xf32>
    %get3A_4 = arith.constant 0 : index
    %get3A_5 = arith.constant 0 : index
    %get3A_6 = vector.load %arg2[%get3A_4, %get3A_5] : memref<1024x128xf32, #tpu.memory_space<vmem>>, vector<1024x128xf32>
    %add3A = arith.addf %get3A_3, %get3A_6 : vector<1024x128xf32>
    %get3A_7 = arith.constant 0 : index
    %get3A_8 = arith.constant 0 : index
    %get3A_9 = vector.load %arg3[%get3A_7, %get3A_8] : memref<1024x128xf32, #tpu.memory_space<vmem>>, vector<1024x128xf32>
    %add3A_10 = arith.addf %add3A, %get3A_9 : vector<1024x128xf32>
    %broadcast_in_dim3A = vector.shape_cast %get3A_0 : vector<1024xf32> to vector<1024x1xf32>
    %mul3A = vector.broadcast %broadcast_in_dim3A : vector<1024x1xf32> to vector<1024x128xf32>
    %mul3A_11 = arith.mulf %add3A_10, %mul3A : vector<1024x128xf32>
    %get3A_12 = arith.constant 0 : index
    %get3A_13 = vector.load %arg5[%get3A_12] : memref<128xf32, #tpu.memory_space<vmem>>, vector<128xf32>
    %broadcast_in_dim3A_14 = vector.shape_cast %get3A_13 : vector<128xf32> to vector<1x128xf32>
    %add3A_15 = vector.broadcast %broadcast_in_dim3A_14 : vector<1x128xf32> to vector<1024x128xf32>
    %add3A_16 = arith.addf %mul3A_11, %add3A_15 : vector<1024x128xf32>
    %get3A_17 = arith.constant 0 : index
    %get3A_18 = arith.constant 0 : index
    %get3A_19 = vector.load %arg6[%get3A_17, %get3A_18] : memref<128x128xf32, #tpu.memory_space<vmem>>, vector<128x128xf32>
    %dot_general3A = arith.constant dense<0.000000e+00> : vector<1024x128xf32>
    %dot_general3A_20 = tpu.matmul %add3A_16, %get3A_19, %dot_general3A {dimension_numbers = #tpu.dot_dimension_numbers<[1], [0], [0], [1], [0, 0, 1, 1], [], []>, precision = #tpu.contract_precision<fp32>, transpose_lhs_hint = false} : vector<1024x128xf32>, vector<128x128xf32>, vector<1024x128xf32> -> vector<1024x128xf32>
    %broadcast_in_dim3A_21 = vector.shape_cast %get3A_0 : vector<1024xf32> to vector<1024x1xf32>
    %mul3A_22 = vector.broadcast %broadcast_in_dim3A_21 : vector<1024x1xf32> to vector<1024x128xf32>
    %mul3A_23 = arith.mulf %dot_general3A_20, %mul3A_22 : vector<1024x128xf32>
    %swap3A = arith.constant 0 : index
    %swap3A_24 = arith.constant 0 : index
    %swap3A_25 = vector.load %arg7[%swap3A, %swap3A_24] : memref<1024x128xf32, #tpu.memory_space<vmem>>, vector<1024x128xf32>
    tpu.vector_store %arg7[%swap3A, %swap3A_24], %mul3A_23 {strides = array<i32>} : memref<1024x128xf32, #tpu.memory_space<vmem>>, vector<1024x128xf32>,
    return
  }
  func.func @transform_0(%arg0: i32) -> (i32, i32) {
    %c0_i32 = arith.constant 0 : i32
    %c0_i32_0 = arith.constant 0 : i32
    return %arg0, %c0_i32 : i32, i32
  }
  func.func @transform_1(%arg0: i32) -> (i32, i32) {
    %add3A = arith.constant 10 : i32
    %add3A_0 = arith.addi %arg0, %add3A : i32
    %c0_i32 = arith.constant 0 : i32
    %c0_i32_1 = arith.constant 0 : i32
    return %add3A_0, %c0_i32 : i32, i32
  }
  func.func @transform_2(%arg0: i32) -> (i32, i32) {
    %c0_i32 = arith.constant 0 : i32
    %c0_i32_0 = arith.constant 0 : i32
    return %arg0, %c0_i32 : i32, i32
  }
  func.func @transform_3(%arg0: i32) -> i32 {
    %c0_i32 = arith.constant 0 : i32
    return %arg0 : i32
  }
  func.func @transform_4(%arg0: i32) -> i32 {
    %c0_i32 = arith.constant 0 : i32
    %c0_i32_0 = arith.constant 0 : i32
    return %c0_i32 : i32
  }
  func.func @transform_5(%arg0: i32) -> (i32, i32) {
    %c0_i32 = arith.constant 0 : i32
    %c0_i32_0 = arith.constant 0 : i32
    %c0_i32_1 = arith.constant 0 : i32
    return %c0_i32, %c0_i32_0 : i32, i32
  }
  func.func @transform_6(%arg0: i32) -> (i32, i32) {
    %c0_i32 = arith.constant 0 : i32
    %c0_i32_0 = arith.constant 0 : i32
    return %arg0, %c0_i32 : i32, i32
  }
}

module attributes {stable_mosaic.version = 14 : i64} {
  func.func @body(%arg0: i32, %arg1: memref<1024x128xf32, #tpu.memory_space<vmem>>, %arg2: memref<1024x128xf32, #tpu.memory_space<vmem>>, %arg3: memref<1024x128xf32, #tpu.memory_space<vmem>>, %arg4: memref<1024xf32, #tpu.memory_space<vmem>>, %arg5: memref<128xf32, #tpu.memory_space<vmem>>, %arg6: memref<1024x128xf32, #tpu.memory_space<vmem>>) attributes {dimension_semantics = [#tpu.dimension_semantics<arbitrary>], iteration_bounds = array<i64: 10>, scalar_prefetch = 0 : i64, scratch_operands = 0 : i64, tpu.core_type = #tpu.core_type<tc>, window_params = [{transform_indices = @transform_0, window_bounds = array<i64: 1024, 128>}, {transform_indices = @transform_1, window_bounds = array<i64: 1024, 128>}, {transform_indices = @transform_2, window_bounds = array<i64: 1024, 128>}, {transform_indices = @transform_3, window_bounds = array<i64: 1024>}, {pipeline_mode = #tpu.pipeline_mode<synchronous>, transform_indices = @transform_4, window_bounds = array<i64: 128>}, {transform_indices = @transform_5, window_bounds = array<i64: 1024, 128>}]} {
    %get3A = arith.constant 0 : index
    %get3A_0 = arith.constant 0 : index
    %get3A_1 = vector.load %arg1[%get3A, %get3A_0] : memref<1024x128xf32, #tpu.memory_space<vmem>>, vector<1024x128xf32>
    %get3A_2 = arith.constant 0 : index
    %get3A_3 = arith.constant 0 : index
    %get3A_4 = vector.load %arg2[%get3A_2, %get3A_3] : memref<1024x128xf32, #tpu.memory_space<vmem>>, vector<1024x128xf32>
    %add3A = arith.addf %get3A_1, %get3A_4 : vector<1024x128xf32>
    %get3A_5 = arith.constant 0 : index
    %get3A_6 = arith.constant 0 : index
    %get3A_7 = vector.load %arg3[%get3A_5, %get3A_6] : memref<1024x128xf32, #tpu.memory_space<vmem>>, vector<1024x128xf32>
    %add3A_8 = arith.addf %add3A, %get3A_7 : vector<1024x128xf32>
    %get3A_9 = arith.constant 0 : index
    %get3A_10 = vector.load %arg4[%get3A_9] : memref<1024xf32, #tpu.memory_space<vmem>>, vector<1024xf32>
    %broadcast_in_dim3A = vector.shape_cast %get3A_10 : vector<1024xf32> to vector<1024x1xf32>
    %mul3A = vector.broadcast %broadcast_in_dim3A : vector<1024x1xf32> to vector<1024x128xf32>
    %mul3A_11 = arith.mulf %add3A_8, %mul3A : vector<1024x128xf32>
    %get3A_12 = arith.constant 0 : index
    %get3A_13 = vector.load %arg5[%get3A_12] : memref<128xf32, #tpu.memory_space<vmem>>, vector<128xf32>
    %broadcast_in_dim3A_14 = vector.shape_cast %get3A_13 : vector<128xf32> to vector<1x128xf32>
    %add3A_15 = vector.broadcast %broadcast_in_dim3A_14 : vector<1x128xf32> to vector<1024x128xf32>
    %add3A_16 = arith.addf %mul3A_11, %add3A_15 : vector<1024x128xf32>
    %swap3A = arith.constant 0 : index
    %swap3A_17 = arith.constant 0 : index
    %swap3A_18 = vector.load %arg6[%swap3A, %swap3A_17] : memref<1024x128xf32, #tpu.memory_space<vmem>>, vector<1024x128xf32>
    tpu.vector_store %arg6[%swap3A, %swap3A_17], %add3A_16 {strides = array<i32>} : memref<1024x128xf32, #tpu.memory_space<vmem>>, vector<1024x128xf32>,
    return
  }
  func.func @transform_0(%arg0: i32) -> (i32, i32) {
    %c0_i32 = arith.constant 0 : i32
    %c0_i32_0 = arith.constant 0 : i32
    return %arg0, %c0_i32 : i32, i32
  }
  func.func @transform_1(%arg0: i32) -> (i32, i32) {
    %add3A = arith.constant 10 : i32
    %add3A_0 = arith.addi %arg0, %add3A : i32
    %c0_i32 = arith.constant 0 : i32
    %c0_i32_1 = arith.constant 0 : i32
    return %add3A_0, %c0_i32 : i32, i32
  }
  func.func @transform_2(%arg0: i32) -> (i32, i32) {
    %c0_i32 = arith.constant 0 : i32
    %c0_i32_0 = arith.constant 0 : i32
    return %arg0, %c0_i32 : i32, i32
  }
  func.func @transform_3(%arg0: i32) -> i32 {
    %c0_i32 = arith.constant 0 : i32
    return %arg0 : i32
  }
  func.func @transform_4(%arg0: i32) -> i32 {
    %c0_i32 = arith.constant 0 : i32
    %c0_i32_0 = arith.constant 0 : i32
    return %c0_i32 : i32
  }
  func.func @transform_5(%arg0: i32) -> (i32, i32) {
    %c0_i32 = arith.constant 0 : i32
    %c0_i32_0 = arith.constant 0 : i32
    return %arg0, %c0_i32 : i32, i32
  }
}

</mosaic_0001>

<sc_bundles>
// kernel: kernel.12.cloned.1.call-start
scs
__scs_entry_jumppad:
0x0: {  	(pc) =	sbr.rel $0x88, $3  }
0x1: {  	(tag) =	ssettag $0x0;
	lr =	simm.s32 $0x1  }
0x2: {  	[smem:$0x3F9B] =	sst lr;
	_ =	strace $0xD0000000  }
0x3: {  	_ = 	snop  }
0x4: {  	_ = 	snop  }
0x5: {  	_ = 	snop  }
0x6: {  	_ = 	snop  }
0x7: {  	_ = 	snop  }
__scs_overlays_trampoline_lowered:
0x8: {  	[smem:$0x3FAA] =	sst s0  }
0x9: {  	[smem:$0x3FAB] =	sst s1  }
0xa: {  	[smem:$0x3FAC] =	sst s2  }
0xb: {  	[smem:$0x3FAD] =	sst s3  }
0xc: {  	[smem:$0x3FAE] =	sst s4  }
0xd: {  	[smem:$0x3FAF] =	sst s5  }
0xe: {  	[smem:$0x3FB0] =	sst s6  }
0xf: {  	[smem:$0x3FB1] =	sst s7  }
0x10: {  	[smem:$0x3FB2] =	sst s8  }
0x11: {  	[smem:$0x3FB3] =	sst s9;
	s0 =	simm.s32 @!p0 $0x0  }
0x12: {  	s1 =	sld [smem:$0x3F99];
	s0 =	simm.s32 @p0 $0x1  }
0x13: {  	[smem:$0x3FB4] =	sst s0;
	s0 =	simm.s32 @!p1 $0x0  }
0x14: {  	s2 =	sld [smem:$0x3F98];
	s0 =	simm.s32 @p1 $0x1  }
0x15: {  	[smem:$0x3FB5] =	sst s0;
	s0 =	simm.s32 @!p2 $0x0  }
0x16: {  	s3 =	sld [smem:$0x3FDB];
	s0 =	simm.s32 @p2 $0x1  }
0x17: {  	s4 =	simm.s32 $0x1BF5;
	[smem:$0x3FB7] =	sst s0  }
0x18: {  	s0 =	sld [smem:$0x3F9A];
	_ =	swait.ge [sflag:s4], $0x0  }
0x19: {  	s7 =	sld [smem:$0x3F9B]  }
0x1a: {  	s8 =	sadd.s32 $0xFFFFE003, lr  }
0x1b: {  	s9 =	sadd.s32 $0xFFFFFEF7, lr;
	s5 =	simm.s32 $0xFFFFFFFF;
	p2 =	slt.u32 s8, $0xFFFFF086  }
0x1c: {  	p1 =	slt.u32 s9, $0xF7A;
	s5 =	simm.s32 @!p2 $0x0  }
0x1d: {  	s5 =	simm.s32 @p1 $0x1;
	p0 =	seq.s32 s7, s2  }
0x1e: {  	s7 =	smul.u32 @!p0 $0xF7A, s2;
	p2 =	seq.s32 @!p0 s5, $0x0  }
0x1f: {  	s9 =	smul.u32 $0xF7A, s1;
	s8 =	simm.s32 @!p0 $0x1BF5;
	p2 =	por !p2, p0  }
0x20: {  	[sflag:s8] =	ssyncset.s32 @!p0 $0xFFFFF086;
	s6 =	sadd.s32 @!p0 s3, s7;
	s7 =	simm.s32 @!p0 $0x108  }
0x21: {  	s3 =	sadd.s32 s3, s9;
	s6 =	sadd.s32 @!p0 $0x88, s6;
	s7 =	simm.s32 @p2 $0x1082  }
0x22: {  	[simem:s7], [sflag:s8] =	dma.local @!p0 [hbm:s6], $0xF7A  }
0x23: {  	s9 =	sor.u32 $0xD0000000, s2;
	s6 =	simm.s32 $0x108;
	_ =	swait.ge @!p0 [sflag:s8], $0x0  }
0x24: {  	s3 =	sadd.s32 $0x88, s3;
	s6 =	simm.s32 @!p1 $0x1082;
	[sflag:s4] =	ssyncset.s32 $0xFFFFF086  }
0x25: {  	[simem:s6], [sflag:s4] =	dma.local [hbm:s3], $0xF7A  }
0x26: {  	[smem:$0x3F9B] =	sst s1;
	(tag) =	ssettag s2;
	_ =	strace s9  }
0x27: {  	s1 =	sld [smem:$0x3FAB]  }
0x28: {  	s2 =	sld [smem:$0x3FAC]  }
0x29: {  	s4 =	sld [smem:$0x3FAE]  }
0x2a: {  	p0 =	seq.s32 s5, $0x0;
	s5 =	sld [smem:$0x3FAF]  }
0x2b: {  	s6 =	sld [smem:$0x3FB0]  }
0x2c: {  	s7 =	sld [smem:$0x3FB1]  }
0x2d: {  	s3 =	simm.s32 $0x108;
	s8 =	sld [smem:$0x3FB2]  }
0x2e: {  	s3 =	simm.s32 @!p0 $0x1082;
	s9 =	sld [smem:$0x3FB3]  }
0x2f: {  	lr =	sadd.s32 s0, s3;
	s0 =	sld [smem:$0x3FAA]  }
0x30: {  	s3 =	sld [smem:$0x3FAD]  }
0x31: {  	[smem:$0x3FB6] =	sst s10  }
0x32: {  	s10 =	sld [smem:$0x3FB4];
	_ =	sdelay $0x3  }
0x33: {  	p0 =	seq.s32 s10, $0x1;
	s10 =	sld [smem:$0x3FB6];
	_ =	sdelay $0x3  }
0x34: {  	[smem:$0x3FB6] =	sst s10  }
0x35: {  	s10 =	sld [smem:$0x3FB5];
	_ =	sdelay $0x3  }
0x36: {  	p1 =	seq.s32 s10, $0x1;
	s10 =	sld [smem:$0x3FB6];
	_ =	sdelay $0x3  }
0x37: {  	[smem:$0x3FB6] =	sst s10  }
0x38: {  	s10 =	sld [smem:$0x3FB7]  }
0x39: {  	_ = 	snop;
	(pc) =	sbr.ind lr, $3  }
0x3a: {  	_ = 	snop  }
0x3b: {  	_ = 	snop  }
0x3c: {  	p2 =	seq.s32 s10, $0x1;
	s10 =	sld [smem:$0x3FB6]  }
0x3d: {  	_ =	shalt  }
0x3e: {  	_ =	shalt  }
0x3f: {  	_ =	shalt  }
0x40: {  	_ =	shalt  }
0x41: {  	_ =	shalt  }
0x42: {  	_ =	shalt  }
0x43: {  	_ =	shalt  }
0x44: {  	_ =	shalt  }
0x45: {  	_ =	shalt  }
0x46: {  	_ =	shalt  }
0x47: {  	_ =	shalt  }
0x48: {  	_ =	shalt  }
0x49: {  	_ =	shalt  }
0x4a: {  	_ =	shalt  }
0x4b: {  	_ =	shalt  }
0x4c: {  	_ =	shalt  }
0x4d: {  	_ =	shalt  }
0x4e: {  	_ =	shalt  }
0x4f: {  	_ =	shalt  }
0x50: {  	_ =	shalt  }
0x51: {  	_ =	shalt  }
0x52: {  	_ =	shalt  }
0x53: {  	_ =	shalt  }
0x54: {  	_ =	shalt  }
0x55: {  	_ =	shalt  }
0x56: {  	_ =	shalt  }
0x57: {  	_ =	shalt  }
0x58: {  	_ =	shalt  }
0x59: {  	_ =	shalt  }
0x5a: {  	_ =	shalt  }
0x5b: {  	_ =	shalt  }
0x5c: {  	_ =	shalt  }
0x5d: {  	_ =	shalt  }
0x5e: {  	_ =	shalt  }
0x5f: {  	_ =	shalt  }
0x60: {  	_ =	shalt  }
0x61: {  	_ =	shalt  }
0x62: {  	_ =	shalt  }
0x63: {  	_ =	shalt  }
0x64: {  	_ =	shalt  }
0x65: {  	_ =	shalt  }
0x66: {  	_ =	shalt  }
0x67: {  	_ =	shalt  }
0x68: {  	_ =	shalt  }
0x69: {  	_ =	shalt  }
0x6a: {  	_ =	shalt  }
0x6b: {  	_ =	shalt  }
0x6c: {  	_ =	shalt  }
0x6d: {  	_ =	shalt  }
0x6e: {  	_ =	shalt  }
0x6f: {  	_ =	shalt  }
0x70: {  	_ =	shalt  }
0x71: {  	_ =	shalt  }
0x72: {  	_ =	shalt  }
0x73: {  	_ =	shalt  }
0x74: {  	_ =	shalt  }
0x75: {  	_ =	shalt  }
0x76: {  	_ =	shalt  }
0x77: {  	_ =	shalt  }
0x78: {  	_ =	shalt  }
0x79: {  	_ =	shalt  }
0x7a: {  	_ =	shalt  }
0x7b: {  	_ =	shalt  }
0x7c: {  	_ =	shalt  }
0x7d: {  	_ =	shalt  }
0x7e: {  	_ =	shalt  }
0x7f: {  	_ =	shalt  }
0x80: {  	_ =	shalt  }
0x81: {  	_ =	shalt  }
0x82: {  	_ =	shalt  }
0x83: {  	_ =	shalt  }
0x84: {  	_ =	shalt  }
0x85: {  	_ =	shalt  }
0x86: {  	_ =	shalt  }
0x87: {  	_ =	shalt  }
.Lfunc_end0:
.L_simem_size_0:
called_computation.1_lowered:
.L_overlay_start_0:
0x88: {  	s2 =	sld [smem:$0x3FD9]  }
0x89: {  	s3 =	sld [smem:$0x3FFE];
	_ =	sdelay $0x1  }
0x8a: {  	s1 =	srdreg.scid  }
0x8b: {  	s0 =	sand.u32 $0x1, s1  }
0x8c: {  	s17 =	sshll.u32 s0, $0xA;
	s2 =	sadd.s32 s3, s2  }
0x8d: {  	s2 =	sadd.s32 s2, s17  }
0x8e: {  	[smem:$0x3FC2] =	sst s2  }
0x8f: {  	_ = 	snop  }
0x90: {  	s2 =	sld [smem:$0x3FD0];
	(tm) =	ssettm $0x1  }
0x91: {  	s18 =	sld [smem:$0x3FFB];
	_ =	sdelay $0x3  }
0x92: {  	_ =	strace s18  }
0x93: {  	s3 =	sld [smem:$0x3FFC];
	_ =	sdelay $0x3  }
0x94: {  	_ =	strace s3  }
0x95: {  	s3 =	sld [smem:$0x3FFD];
	_ =	sdelay $0x3  }
0x96: {  	_ =	strace s3  }
0x97: {  	_ =	strace $0x8FFFFFFF  }
0x98: {  	s19 =	sld [smem:$0x3FDB];
	_ =	sdelay $0x1  }
0x99: {  	s4 =	simm.s32 $_scs_section_size  }
0x9a: {  	s5 =	simm.s32 $_size__tile_overlayer_lowered;
	s6 =	simm.s32 $_tile_overlayer_lowered  }
0x9b: {  	s22 =	simm.s32 $0x1BFF;
	s21 =	sshll.u32 s6, $0x1;
	s3 =	sadd.s32 s4, s19  }
0x9c: {  	s7 =	simm.s32 $0x0;
	s20 =	sshll.u32 s5, $0x1;
	s5 =	sadd.s32 s21, s3  }
0x9d: {  	[timem:s7], [sflag:s22] =	dma.local [hbm:s5], s20  }
0x9e: {  	_ =	swait.ge [sflag:s22], s20  }
0x9f: {  	s4 =	ssub.s32 $0x0, s20;
	[sflag:s22] =	ssyncset.done $0x0  }
0xa0: {  	[sflag:s22] =	ssyncadd.s32 s4;
	_ =	sdelay $0x1  }
0xa1: {  	s23 =	simm.s32 $0x1B8B  }
0xa2: {  	_ =	swait.ge [sflag:s23], $0x1  }
0xa3: {  	[sflag:s23] =	ssyncset.done $0x0  }
0xa4: {  	s25 =	simm.s32 $0x1B8E;
	s24 =	sld [smem:$0x3FFE];
	[sflag:s23] =	ssyncadd.s32 $0xFFFFFFFF  }
0xa5: {  	s26 =	simm.s32 $execute0_lowered;
	[smem:$0x3FD2] =	sst s25  }
0xa6: {  	s5 =	sshll.u32 s26, $0x1;
	_ =	strace $0x80000049;
	[dreg:$0x1] =	wrdreg $0xFFFFFFFF  }
0xa7: {  	s28 =	simm.s32 $_size_execute0_lowered;
	s3 =	sadd.s32 s3, s5;
	[dreg:$0x0] =	wrdreg $0x0  }
0xa8: {  	s5 =	sshll.u32 s28, $0x1;
	[dreg:$0x2] =	wrdreg s3  }
0xa9: {  	[dreg:$0x3] =	wrdreg s5  }
0xaa: {  	[dreg:$0x4] =	wrdreg $0xC0  }
0xab: {  	_ =	task [dreg:s7], $0x5FFFF  }
0xac: {  	[dreg:$0x1] =	wrdreg $0xFFFFFFFF  }
0xad: {  	[dreg:$0x0] =	wrdreg $0x60  }
0xae: {  	[dreg:$0x2] =	wrdreg s24  }
0xaf: {  	[dreg:$0x3] =	wrdreg s2  }
0xb0: {  	[dreg:$0x4] =	wrdreg $0xA8000  }
0xb1: {  	[dreg:$0x5] =	wrdreg $0x9  }
0xb2: {  	_ =	task.clear_ibuf [dreg:s7], $0x6FFFF;
	_ =	strace $0x90000049  }
0xb3: {  	s29 =	simm.s32 $0x9;
	_ =	strace $0x8000004B  }
0xb4: {  	_ =	swait.ge [sflag:s29], $0x1  }
0xb5: {  	[sflag:s29] =	ssyncadd.s32 $0xFFFFFFFF  }
0xb6: {  	_ =	strace $0x9000004B  }
0xb7: {  	_ =	sfence  }
0xb8: {  	s30 =	sld [smem:$0x0];
	_ =	sdelay $0x2  }
0xb9: {  	s31 =	sshll.u32 s1, $0xD;
	s1 =	sshrl.u32 s1, $0x2  }
0xba: {  	s3 =	sand.u32 $0x4000, s31;
	s1 =	sadd.s32 s1, s30  }
0xbb: {  	s0 =	sor.u32 s3, s0;
	s1 =	sshll.u32 s1, $0x11  }
0xbc: {  	s0 =	sor.u32 s1, s0  }
0xbd: {  	s0 =	sadd.s32 $0x8F2B, s0  }
0xbe: {  	[sflag:s0] =	ssyncadd.remote.s32 $0x1  }
0xbf: {  	_ =	sfence.sel $0xFFFF  }
0xc0: {  	[dreg:$0x0] =	wrdreg $0xFFFFFFFF;
	(pc) =	sbr.abs _section_cstart, $3  }
0xc1: {  	[dreg:$0x1] =	wrdreg $0xFFFFFFFF  }
0xc2: {  	_ =	task.clear_ibuf [dreg:s7], $0x2FFFF;
	_ =	strace $0x9FFFFFFF  }
0xc3: {  	(tm) =	ssettm $0x7FFFFFFF  }
tec
execute0_lowered:
.L_overlay_start_1:
0x0: {  	(tag) =	ssettag $0x1  }
0x1: {  	s5 =	rddreg [dreg:$0x0]  }
0x2: {  	s1 =	rddreg [dreg:$0x1]  }
0x3: {  	s2 =	rddreg [dreg:$0x2];
	s3 =	simm.s32 $0x0  }
0x4: {  	s13 =	simm.s32 $0x880;
	[smem:$0x7FF] =	sst s3  }
0x5: {  	s8 =	simm.s32 $0x100;
	_ =	strace $0x8000004A;
	[dreg:$0x5] =	wrdreg s13  }
0x6: {  	s14 =	simm.s32 $0x900;
	[dreg:$0x6] =	wrdreg s8  }
0x7: {  	s15 =	simm.s32 $0x980;
	[dreg:$0x7] =	wrdreg s14  }
0x8: {  	s16 =	simm.s32 $0x180;
	[dreg:$0x8] =	wrdreg s15  }
0x9: {  	s18 =	simm.s32 $0xA00;
	[dreg:$0x9] =	wrdreg s16  }
0xa: {  	s20 =	simm.s32 $0xA80;
	[dreg:$0xa] =	wrdreg s18  }
0xb: {  	s21 =	simm.s32 $0x200;
	[dreg:$0xb] =	wrdreg s20  }
0xc: {  	s22 =	simm.s32 $0xB00;
	[dreg:$0xc] =	wrdreg s21  }
0xd: {  	s24 =	simm.s32 $0xB80;
	[dreg:$0xd] =	wrdreg s22  }
0xe: {  	s25 =	simm.s32 $0x280;
	[dreg:$0xe] =	wrdreg s24  }
0xf: {  	s28 =	simm.s32 $0xC00;
	[dreg:$0xf] =	wrdreg s25  }
0x10: {  	[dreg:$0x10] =	wrdreg s28;
	s14 =	simm.s32 $0xD80  }
0x11: {  	s16 =	simm.s32 $0x380;
	[dreg:$0x14] =	wrdreg s14  }
0x12: {  	s10 =	stileid.u32;
	s18 =	simm.s32 $0xE00;
	[dreg:$0x15] =	wrdreg s16  }
0x13: {  	s0 =	srdreg.scid;
	s20 =	simm.s32 $0xE80;
	[dreg:$0x16] =	wrdreg s18  }
0x14: {  	s4 =	smul.u32 $0xA00, s10;
	s22 =	simm.s32 $0x400;
	[dreg:$0x17] =	wrdreg s20  }
0x15: {  	s9 =	smul.u32 $0x50000, s10;
	s24 =	simm.s32 $0xF00;
	[dreg:$0x18] =	wrdreg s22  }
0x16: {  	s0 =	sand.u32 $0x1, s0;
	s28 =	simm.s32 $0xF80;
	[dreg:$0x19] =	wrdreg s24  }
0x17: {  	s23 =	sshrl.u32 s9, $0x2;
	s9 =	simm.s32 $0x300;
	[dreg:$0x1a] =	wrdreg s28  }
0x18: {  	s12 =	smul.u32 $0x2800, s10;
	s14 =	simm.s32 $0x500;
	[dreg:$0x12] =	wrdreg s9  }
0x19: {  	s6 =	smul.u32 $0x500, s0;
	s16 =	simm.s32 $0x1100;
	[dreg:$0x1e] =	wrdreg s14  }
0x1a: {  	s7 =	smul.u32 $0x28000, s0;
	s18 =	simm.s32 $0x1180;
	[dreg:$0x1f] =	wrdreg s16  }
0x1b: {  	s4 =	sadd.s32 s4, s5;
	s20 =	simm.s32 $0x1200;
	[smem:$0x7F2] =	sst s18  }
0x1c: {  	s22 =	simm.s32 $0x1280;
	s4 =	sadd.s32 s6, s4;
	[smem:$0x7F5] =	sst s20  }
0x1d: {  	s6 =	sadd.s32 s12, s7;
	s12 =	simm.s32 $0xD00;
	[smem:$0x7F7] =	sst s22  }
0x1e: {  	s17 =	ssub.s32 $0x2, s0;
	s9 =	simm.s32 $0x1000;
	[dreg:$0x13] =	wrdreg s12  }
0x1f: {  	s19 =	sshrl.u32 s17, $0x1;
	s26 =	sadd.s32 s23, s2;
	[dreg:$0x1c] =	wrdreg s9  }
0x20: {  	s7 =	ssub.s32 s17, s19;
	s4 =	sadd.s32 $0x52A00, s4;
	[smem:$0x7FD] =	sst s26  }
0x21: {  	s29 =	smax.u32 s7, $0x1;
	[dreg:$0x4] =	wrdreg s4  }
0x22: {  	s8 =	sadd.s32 $0x1000, s26;
	[smem:$0x7E3] =	sst s29  }
0x23: {  	s7 =	simm.s32 $0xC80;
	[smem:$0x7E4] =	sst s8  }
0x24: {  	s11 =	sadd.s32 $0x2000, s26;
	[dreg:$0x11] =	wrdreg s7  }
0x25: {  	s13 =	sadd.s32 $0x3000, s26;
	[smem:$0x7E5] =	sst s11  }
0x26: {  	s15 =	sadd.s32 $0x4000, s26;
	[smem:$0x7E6] =	sst s13  }
0x27: {  	s17 =	sadd.s32 $0x5000, s26;
	[smem:$0x7E7] =	sst s15  }
0x28: {  	s19 =	sadd.s32 $0x6000, s26;
	[smem:$0x7E8] =	sst s17  }
0x29: {  	s21 =	sadd.s32 $0x7000, s26;
	[smem:$0x7E9] =	sst s19  }
0x2a: {  	s30 =	simm.s32 $0x3;
	s23 =	sadd.s32 $0x8000, s26;
	[smem:$0x7EA] =	sst s21  }
0x2b: {  	s31 =	simm.s32 $0x800;
	s25 =	sadd.s32 $0x9000, s26;
	[smem:$0x7EB] =	sst s23  }
0x2c: {  	s0 =	smul.u32 $0xA00, s0;
	s12 =	simm.s32 $0x1080;
	[smem:$0x7EC] =	sst s25  }
0x2d: {  	s14 =	simm.s32 $0x680;
	s24 =	sadd.s32 $0x10000, s26;
	[dreg:$0x1d] =	wrdreg s12  }
0x2e: {  	s16 =	simm.s32 $0x1480;
	s28 =	sadd.s32 $0x12000, s26;
	[smem:$0x7F8] =	sst s24  }
0x2f: {  	s18 =	simm.s32 $0x1500;
	s29 =	sadd.s32 $0xA000, s26;
	[smem:$0x7FB] =	sst s28  }
0x30: {  	s20 =	simm.s32 $0x780;
	s8 =	sadd.s32 $0xB000, s26;
	[smem:$0x7ED] =	sst s29  }
0x31: {  	s22 =	simm.s32 $0x1680;
	s7 =	simm.s32 $0x480;
	[smem:$0x7EE] =	sst s8  }
0x32: {  	s9 =	simm.s32 $0x3800;
	s11 =	sadd.s32 $0xC000, s26;
	[dreg:$0x1b] =	wrdreg s7  }
0x33: {  	s4 =	sadd.s32 $0x2A00, s5;
	s13 =	sadd.s32 $0xD000, s26;
	[smem:$0x7EF] =	sst s11  }
0x34: {  	s5 =	sadd.s32 s6, s5;
	s17 =	sadd.s32 $0xE000, s26;
	[smem:$0x7F0] =	sst s13  }
0x35: {  	s15 =	smul.u32 $0x1400, s10;
	s19 =	simm.s32 $0x580;
	[smem:$0x7F1] =	sst s17  }
0x36: {  	s21 =	sadd.s32 $0xF000, s26;
	s23 =	simm.s32 $0x600;
	[smem:$0x7F3] =	sst s19  }
0x37: {  	s25 =	sadd.s32 $0x11000, s26;
	s6 =	simm.s32 $0x1;
	[smem:$0x7F4] =	sst s21  }
0x38: {  	s10 =	simm.s32 $0x2;
	s12 =	simm.s32 $0x1300;
	[smem:$0x7F9] =	sst s23  }
0x39: {  	s24 =	simm.s32 $0x1700;
	s5 =	sadd.s32 $0x5CA00, s5;
	[smem:$0x7FA] =	sst s25  }
0x3a: {  	s29 =	sadd.s32 $0x13000, s26;
	s7 =	simm.s32 $0x5800;
	s8 =	simm.s32 $0x40  }
0x3b: {  	s11 =	simm.s32 $0x7800;
	s13 =	simm.s32 $0x1380;
	s17 =	simm.s32 $0x700  }
0x3c: {  	s19 =	simm.s32 $0x1580;
	s21 =	simm.s32 $0x1600;
	s25 =	simm.s32 $0x1780  }
0x3d: {  	s23 =	simm.s32 $0x0;
	[smem:$0x7E2] =	sst s5;
	s1 =	sadd.s32 s15, s1  }
0x3e: {  	[smem:$0x7FC] =	sst s29;
	s15 =	simm.s32 $0x1400;
	s0 =	sadd.s32 s0, s1  }
0x3f: {  	v0 =	vimm.f32 $0.0e+00;
	s1 =	simm.s32 $0x80;
	[smem:$0x7F6] =	sst s0;
	s0 =	simm.s32 $0x1800  }
.LBB2_1:
0x40: {  	[smem:$0x7E1] =	sst s23;
	s5 =	simm.s32 $0x0;
	s23 =	simm.s32 $0x200  }
.LBB2_2:
0x41: {  	p0 =	sne.s32 s23, $0x3E00;
	[tilespmem:s5+$0x9870] =	vst v0  }
0x42: {  	[tilespmem:s5+$0x9800] =	vst v0  }
0x43: {  	[tilespmem:s5+$0x9810] =	vst v0  }
.Ltmp0:
0x44: {  	[tilespmem:s5+$0x9820] =	vst v0;
	(pc) =	sbr.rel @p0 .LBB2_2-.Ltmp0, $4  }
0x45: {  	[tilespmem:s5+$0x9830] =	vst v0  }
0x46: {  	[tilespmem:s5+$0x9840] =	vst v0  }
0x47: {  	[tilespmem:s5+$0x9850] =	vst v0  }
0x48: {  	[tilespmem:s5+$0x9860] =	vst v0;
	s5 =	sshra.s32 s23, $0x2;
	s23 =	sadd.s32 $0x200, s23  }
0x49: {  	[tilespmem:s5+$0x9870] =	vst v0  }
0x4a: {  	[tilespmem:s5+$0x9800] =	vst v0  }
0x4b: {  	[tilespmem:s5+$0x9810] =	vst v0  }
0x4c: {  	[tilespmem:s5+$0x9820] =	vst v0  }
0x4d: {  	[tilespmem:s5+$0x9830] =	vst v0  }
0x4e: {  	[tilespmem:s5+$0x9840] =	vst v0  }
0x4f: {  	[tilespmem:s5+$0x9850] =	vst v0  }
0x50: {  	[tilespmem:s5+$0x9860] =	vst v0;
	s23 =	simm.s32 $0x9800  }
0x51: {  	[spmem:s26] =	stream.linear.scatter [tilespmem:s23], [sflag:$0x3], $0x1000, $0x38;
	[tilespmem:$0x1E800] =	vst v63  }
0x52: {  	_ =	swait.ge [sflag:s30], $0x1000  }
0x53: {  	s29 =	sld [smem:$0x7E4]  }
0x54: {  	[sflag:s30] =	ssyncset.done $0x0  }
0x55: {  	[sflag:s30] =	ssyncadd.s32 $0xFFFFF000  }
0x56: {  	[spmem:s29] =	stream.linear.scatter [tilespmem:s23], [sflag:$0x3], $0x1000, $0x38;
	[tilespmem:$0x1E800] =	vst v63  }
0x57: {  	_ =	swait.ge [sflag:s30], $0x1000  }
0x58: {  	s26 =	sld [smem:$0x7E5]  }
0x59: {  	[sflag:s30] =	ssyncset.done $0x0  }
0x5a: {  	[sflag:s30] =	ssyncadd.s32 $0xFFFFF000  }
0x5b: {  	[spmem:s26] =	stream.linear.scatter [tilespmem:s23], [sflag:$0x3], $0x1000, $0x38;
	[tilespmem:$0x1E800] =	vst v63  }
0x5c: {  	_ =	swait.ge [sflag:s30], $0x1000  }
0x5d: {  	s29 =	sld [smem:$0x7E6]  }
0x5e: {  	[sflag:s30] =	ssyncset.done $0x0  }
0x5f: {  	[sflag:s30] =	ssyncadd.s32 $0xFFFFF000  }
0x60: {  	[spmem:s29] =	stream.linear.scatter [tilespmem:s23], [sflag:$0x3], $0x1000, $0x38;
	[tilespmem:$0x1E800] =	vst v63  }
0x61: {  	_ =	swait.ge [sflag:s30], $0x1000  }
0x62: {  	s26 =	sld [smem:$0x7E7]  }
0x63: {  	[sflag:s30] =	ssyncset.done $0x0  }
0x64: {  	[sflag:s30] =	ssyncadd.s32 $0xFFFFF000  }
0x65: {  	[spmem:s26] =	stream.linear.scatter [tilespmem:s23], [sflag:$0x3], $0x1000, $0x38;
	[tilespmem:$0x1E800] =	vst v63  }
0x66: {  	_ =	swait.ge [sflag:s30], $0x1000  }
0x67: {  	s29 =	sld [smem:$0x7E8]  }
0x68: {  	[sflag:s30] =	ssyncset.done $0x0  }
0x69: {  	[sflag:s30] =	ssyncadd.s32 $0xFFFFF000  }
0x6a: {  	[spmem:s29] =	stream.linear.scatter [tilespmem:s23], [sflag:$0x3], $0x1000, $0x38;
	[tilespmem:$0x1E800] =	vst v63  }
0x6b: {  	_ =	swait.ge [sflag:s30], $0x1000  }
0x6c: {  	s26 =	sld [smem:$0x7E9]  }
0x6d: {  	[sflag:s30] =	ssyncset.done $0x0  }
0x6e: {  	[sflag:s30] =	ssyncadd.s32 $0xFFFFF000  }
0x6f: {  	[spmem:s26] =	stream.linear.scatter [tilespmem:s23], [sflag:$0x3], $0x1000, $0x38;
	[tilespmem:$0x1E800] =	vst v63  }
0x70: {  	_ =	swait.ge [sflag:s30], $0x1000  }
0x71: {  	s29 =	sld [smem:$0x7EA]  }
0x72: {  	[sflag:s30] =	ssyncset.done $0x0  }
0x73: {  	[sflag:s30] =	ssyncadd.s32 $0xFFFFF000  }
0x74: {  	[spmem:s29] =	stream.linear.scatter [tilespmem:s23], [sflag:$0x3], $0x1000, $0x38;
	[tilespmem:$0x1E800] =	vst v63  }
0x75: {  	_ =	swait.ge [sflag:s30], $0x1000  }
0x76: {  	s26 =	sld [smem:$0x7EB]  }
0x77: {  	[sflag:s30] =	ssyncset.done $0x0  }
0x78: {  	[sflag:s30] =	ssyncadd.s32 $0xFFFFF000  }
0x79: {  	[spmem:s26] =	stream.linear.scatter [tilespmem:s23], [sflag:$0x3], $0x1000, $0x38;
	[tilespmem:$0x1E800] =	vst v63  }
0x7a: {  	_ =	swait.ge [sflag:s30], $0x1000  }
0x7b: {  	s29 =	sld [smem:$0x7EC]  }
0x7c: {  	[sflag:s30] =	ssyncset.done $0x0  }
0x7d: {  	[sflag:s30] =	ssyncadd.s32 $0xFFFFF000  }
0x7e: {  	[spmem:s29] =	stream.linear.scatter [tilespmem:s23], [sflag:$0x3], $0x1000, $0x38;
	[tilespmem:$0x1E800] =	vst v63  }
0x7f: {  	_ =	swait.ge [sflag:s30], $0x1000  }
0x80: {  	s26 =	sld [smem:$0x7ED]  }
0x81: {  	[sflag:s30] =	ssyncset.done $0x0  }
0x82: {  	[sflag:s30] =	ssyncadd.s32 $0xFFFFF000  }
0x83: {  	[spmem:s26] =	stream.linear.scatter [tilespmem:s23], [sflag:$0x3], $0x1000, $0x38;
	[tilespmem:$0x1E800] =	vst v63  }
0x84: {  	_ =	swait.ge [sflag:s30], $0x1000  }
0x85: {  	s29 =	sld [smem:$0x7EE]  }
0x86: {  	[sflag:s30] =	ssyncset.done $0x0  }
0x87: {  	[sflag:s30] =	ssyncadd.s32 $0xFFFFF000  }
0x88: {  	[spmem:s29] =	stream.linear.scatter [tilespmem:s23], [sflag:$0x3], $0x1000, $0x38;
	[tilespmem:$0x1E800] =	vst v63  }
0x89: {  	_ =	swait.ge [sflag:s30], $0x1000  }
0x8a: {  	s26 =	sld [smem:$0x7EF]  }
0x8b: {  	[sflag:s30] =	ssyncset.done $0x0  }
0x8c: {  	[sflag:s30] =	ssyncadd.s32 $0xFFFFF000  }
0x8d: {  	[spmem:s26] =	stream.linear.scatter [tilespmem:s23], [sflag:$0x3], $0x1000, $0x38;
	[tilespmem:$0x1E800] =	vst v63  }
0x8e: {  	_ =	swait.ge [sflag:s30], $0x1000  }
0x8f: {  	s29 =	sld [smem:$0x7F0]  }
0x90: {  	[sflag:s30] =	ssyncset.done $0x0  }
0x91: {  	[sflag:s30] =	ssyncadd.s32 $0xFFFFF000  }
0x92: {  	[spmem:s29] =	stream.linear.scatter [tilespmem:s23], [sflag:$0x3], $0x1000, $0x38;
	[tilespmem:$0x1E800] =	vst v63  }
0x93: {  	_ =	swait.ge [sflag:s30], $0x1000  }
0x94: {  	s26 =	sld [smem:$0x7F1]  }
0x95: {  	[sflag:s30] =	ssyncset.done $0x0  }
0x96: {  	[sflag:s30] =	ssyncadd.s32 $0xFFFFF000  }
0x97: {  	[spmem:s26] =	stream.linear.scatter [tilespmem:s23], [sflag:$0x3], $0x1000, $0x38;
	[tilespmem:$0x1E800] =	vst v63  }
0x98: {  	_ =	swait.ge [sflag:s30], $0x1000  }
0x99: {  	s29 =	sld [smem:$0x7F4]  }
0x9a: {  	[sflag:s30] =	ssyncset.done $0x0  }
0x9b: {  	[sflag:s30] =	ssyncadd.s32 $0xFFFFF000  }
0x9c: {  	[spmem:s29] =	stream.linear.scatter [tilespmem:s23], [sflag:$0x3], $0x1000, $0x38;
	[tilespmem:$0x1E800] =	vst v63  }
0x9d: {  	_ =	swait.ge [sflag:s30], $0x1000  }
0x9e: {  	s26 =	sld [smem:$0x7F8]  }
0x9f: {  	[sflag:s30] =	ssyncset.done $0x0  }
0xa0: {  	[sflag:s30] =	ssyncadd.s32 $0xFFFFF000  }
0xa1: {  	[spmem:s26] =	stream.linear.scatter [tilespmem:s23], [sflag:$0x3], $0x1000, $0x38;
	[tilespmem:$0x1E800] =	vst v63  }
0xa2: {  	_ =	swait.ge [sflag:s30], $0x1000  }
0xa3: {  	s29 =	sld [smem:$0x7FA]  }
0xa4: {  	[sflag:s30] =	ssyncset.done $0x0  }
0xa5: {  	[sflag:s30] =	ssyncadd.s32 $0xFFFFF000  }
0xa6: {  	[spmem:s29] =	stream.linear.scatter [tilespmem:s23], [sflag:$0x3], $0x1000, $0x38;
	[tilespmem:$0x1E800] =	vst v63  }
0xa7: {  	_ =	swait.ge [sflag:s30], $0x1000  }
0xa8: {  	s26 =	sld [smem:$0x7FB]  }
0xa9: {  	[sflag:s30] =	ssyncset.done $0x0  }
0xaa: {  	[sflag:s30] =	ssyncadd.s32 $0xFFFFF000  }
0xab: {  	[spmem:s26] =	stream.linear.scatter [tilespmem:s23], [sflag:$0x3], $0x1000, $0x38;
	[tilespmem:$0x1E800] =	vst v63  }
0xac: {  	_ =	swait.ge [sflag:s30], $0x1000  }
0xad: {  	s29 =	sld [smem:$0x7FC]  }
0xae: {  	[sflag:s30] =	ssyncset.done $0x0  }
0xaf: {  	[sflag:s30] =	ssyncadd.s32 $0xFFFFF000  }
0xb0: {  	[spmem:s29] =	stream.linear.scatter [tilespmem:s23], [sflag:$0x3], $0x1000, $0x38;
	[tilespmem:$0x1E800] =	vst v63  }
0xb1: {  	_ =	swait.ge [sflag:s30], $0x1000  }
0xb2: {  	[sflag:s30] =	ssyncset.done $0x0  }
0xb3: {  	[sflag:s30] =	ssyncadd.s32 $0xFFFFF000  }
0xb4: {  	[bflag:$0x0] =	sbarrier.arrive $0xFFFF  }
0xb5: {  	s23 =	rddreg [dreg:$0x4]  }
0xb6: {  	s5 =	sadd.s32 $0x0, s23  }
0xb7: {  	[tilespmem:s3], [sflag:$0x3] =	stream.linear.gather [hbm4b:s5+s3], $0x800, $0x38;
	[tilespmem:$0x1E800] =	vst v63  }
0xb8: {  	_ =	swait.ge [sflag:s30], $0x800  }
0xb9: {  	s29 =	sld [smem:$0x7F6]  }
0xba: {  	[sflag:s30] =	ssyncset.done $0x0  }
0xbb: {  	[sflag:s30] =	ssyncadd.s32 $0xFFFFF800  }
0xbc: {  	[tilespmem:s31], [sflag:$0x3] =	stream.linear.gather [hbm4b:s29+s3], $0x1000, $0x38;
	[tilespmem:$0x1E800] =	vst v63  }
0xbd: {  	_ =	swait.ge [sflag:s30], $0x1000  }
0xbe: {  	[sflag:s30] =	ssyncset.done $0x0  }
0xbf: {  	[sflag:s30] =	ssyncadd.s32 $0xFFFFF000  }
0xc0: {  	[tilespmem:s0], [sflag:$0x1] =	stream.indirect.gather [hbm4b:s4+s1], $0x80, s3, s1, $0xb8;
	[tilespmem:$0x1E800] =	vst v63  }
0xc1: {  	_ =	swait.ge [sflag:s6], $0x4000  }
0xc2: {  	[sflag:s6] =	ssyncset.done $0x0  }
0xc3: {  	[sflag:s6] =	ssyncadd.s32 $0xFFFFC000  }
0xc4: {  	[tilespmem:s7], [sflag:$0x2] =	stream.indirect.gather [hbm4b:s4+s1], $0x80, s1, s1, $0xb8;
	[tilespmem:$0x1E800] =	vst v63  }
0xc5: {  	_ = 	snop  }
0xc6: {  	[spmem:s2] =	stream.indirect.scatter.add.f32 [tilespmem:s0], [sflag:$0x3], $0x80, s31, s8, $0xb8;
	[tilespmem:$0x1E800] =	vst v63  }
0xc7: {  	_ =	swait.ge [sflag:s30], $0x2000  }
0xc8: {  	[sflag:s30] =	ssyncset.done $0x0  }
0xc9: {  	s26 =	rddreg [dreg:$0x5];
	[sflag:s30] =	ssyncadd.s32 $0xFFFFE000  }
0xca: {  	[spmem:s2] =	stream.indirect.scatter.add.f32 [tilespmem:s9], [sflag:$0x3], $0x80, s26, s8, $0xb8;
	[tilespmem:$0x1E800] =	vst v63  }
0xcb: {  	_ =	swait.ge [sflag:s30], $0x2000  }
0xcc: {  	[sflag:s30] =	ssyncset.done $0x0  }
0xcd: {  	[sflag:s30] =	ssyncadd.s32 $0xFFFFE000  }
0xce: {  	_ =	swait.ge [sflag:s10], $0x4000  }
0xcf: {  	[sflag:s10] =	ssyncset.done $0x0  }
0xd0: {  	s23 =	rddreg [dreg:$0x6];
	[sflag:s10] =	ssyncadd.s32 $0xFFFFC000  }
0xd1: {  	[tilespmem:s0], [sflag:$0x1] =	stream.indirect.gather [hbm4b:s4+s1], $0x80, s23, s1, $0xb8;
	[tilespmem:$0x1E800] =	vst v63  }
0xd2: {  	s26 =	rddreg [dreg:$0x7]  }
0xd3: {  	[spmem:s2] =	stream.indirect.scatter.add.f32 [tilespmem:s7], [sflag:$0x3], $0x80, s26, s8, $0xb8;
	[tilespmem:$0x1E800] =	vst v63  }
0xd4: {  	_ =	swait.ge [sflag:s30], $0x2000  }
0xd5: {  	[sflag:s30] =	ssyncset.done $0x0  }
0xd6: {  	s26 =	rddreg [dreg:$0x8];
	[sflag:s30] =	ssyncadd.s32 $0xFFFFE000  }
0xd7: {  	[spmem:s2] =	stream.indirect.scatter.add.f32 [tilespmem:s11], [sflag:$0x3], $0x80, s26, s8, $0xb8;
	[tilespmem:$0x1E800] =	vst v63  }
0xd8: {  	_ =	swait.ge [sflag:s30], $0x2000  }
0xd9: {  	[sflag:s30] =	ssyncset.done $0x0  }
0xda: {  	[sflag:s30] =	ssyncadd.s32 $0xFFFFE000  }
0xdb: {  	_ =	swait.ge [sflag:s6], $0x4000  }
0xdc: {  	[sflag:s6] =	ssyncset.done $0x0  }
0xdd: {  	s23 =	rddreg [dreg:$0x9];
	[sflag:s6] =	ssyncadd.s32 $0xFFFFC000  }
0xde: {  	[tilespmem:s7], [sflag:$0x2] =	stream.indirect.gather [hbm4b:s4+s1], $0x80, s23, s1, $0xb8;
	[tilespmem:$0x1E800] =	vst v63  }
0xdf: {  	s26 =	rddreg [dreg:$0xa]  }
0xe0: {  	[spmem:s2] =	stream.indirect.scatter.add.f32 [tilespmem:s0], [sflag:$0x3], $0x80, s26, s8, $0xb8;
	[tilespmem:$0x1E800] =	vst v63  }
0xe1: {  	_ =	swait.ge [sflag:s30], $0x2000  }
0xe2: {  	[sflag:s30] =	ssyncset.done $0x0  }
0xe3: {  	s26 =	rddreg [dreg:$0xb];
	[sflag:s30] =	ssyncadd.s32 $0xFFFFE000  }
0xe4: {  	[spmem:s2] =	stream.indirect.scatter.add.f32 [tilespmem:s9], [sflag:$0x3], $0x80, s26, s8, $0xb8;
	[tilespmem:$0x1E800] =	vst v63  }
0xe5: {  	_ =	swait.ge [sflag:s30], $0x2000  }
0xe6: {  	[sflag:s30] =	ssyncset.done $0x0  }
0xe7: {  	[sflag:s30] =	ssyncadd.s32 $0xFFFFE000  }
0xe8: {  	_ =	swait.ge [sflag:s10], $0x4000  }
0xe9: {  	[sflag:s10] =	ssyncset.done $0x0  }
0xea: {  	s23 =	rddreg [dreg:$0xc];
	[sflag:s10] =	ssyncadd.s32 $0xFFFFC000  }
0xeb: {  	[tilespmem:s0], [sflag:$0x1] =	stream.indirect.gather [hbm4b:s4+s1], $0x80, s23, s1, $0xb8;
	[tilespmem:$0x1E800] =	vst v63  }
0xec: {  	s26 =	rddreg [dreg:$0xd]  }
0xed: {  	[spmem:s2] =	stream.indirect.scatter.add.f32 [tilespmem:s7], [sflag:$0x3], $0x80, s26, s8, $0xb8;
	[tilespmem:$0x1E800] =	vst v63  }
0xee: {  	_ =	swait.ge [sflag:s30], $0x2000  }
0xef: {  	[sflag:s30] =	ssyncset.done $0x0  }
0xf0: {  	s26 =	rddreg [dreg:$0xe];
	[sflag:s30] =	ssyncadd.s32 $0xFFFFE000  }
0xf1: {  	[spmem:s2] =	stream.indirect.scatter.add.f32 [tilespmem:s11], [sflag:$0x3], $0x80, s26, s8, $0xb8;
	[tilespmem:$0x1E800] =	vst v63  }
0xf2: {  	_ =	swait.ge [sflag:s30], $0x2000  }
0xf3: {  	[sflag:s30] =	ssyncset.done $0x0  }
0xf4: {  	[sflag:s30] =	ssyncadd.s32 $0xFFFFE000  }
0xf5: {  	_ =	swait.ge [sflag:s6], $0x4000  }
0xf6: {  	[sflag:s6] =	ssyncset.done $0x0  }
0xf7: {  	s23 =	rddreg [dreg:$0xf];
	[sflag:s6] =	ssyncadd.s32 $0xFFFFC000  }
0xf8: {  	[tilespmem:s7], [sflag:$0x2] =	stream.indirect.gather [hbm4b:s4+s1], $0x80, s23, s1, $0xb8;
	[tilespmem:$0x1E800] =	vst v63  }
0xf9: {  	s26 =	rddreg [dreg:$0x10]  }
0xfa: {  	[spmem:s2] =	stream.indirect.scatter.add.f32 [tilespmem:s0], [sflag:$0x3], $0x80, s26, s8, $0xb8;
	[tilespmem:$0x1E800] =	vst v63  }
0xfb: {  	_ =	swait.ge [sflag:s30], $0x2000  }
0xfc: {  	[sflag:s30] =	ssyncset.done $0x0  }
0xfd: {  	s26 =	rddreg [dreg:$0x11];
	[sflag:s30] =	ssyncadd.s32 $0xFFFFE000  }
0xfe: {  	[spmem:s2] =	stream.indirect.scatter.add.f32 [tilespmem:s9], [sflag:$0x3], $0x80, s26, s8, $0xb8;
	[tilespmem:$0x1E800] =	vst v63  }
0xff: {  	_ =	swait.ge [sflag:s30], $0x2000  }
0x100: {  	[sflag:s30] =	ssyncset.done $0x0  }
0x101: {  	[sflag:s30] =	ssyncadd.s32 $0xFFFFE000  }
0x102: {  	_ =	swait.ge [sflag:s10], $0x4000  }
0x103: {  	[sflag:s10] =	ssyncset.done $0x0  }
0x104: {  	s23 =	rddreg [dreg:$0x12];
	[sflag:s10] =	ssyncadd.s32 $0xFFFFC000  }
0x105: {  	[tilespmem:s0], [sflag:$0x1] =	stream.indirect.gather [hbm4b:s4+s1], $0x80, s23, s1, $0xb8;
	[tilespmem:$0x1E800] =	vst v63  }
0x106: {  	s26 =	rddreg [dreg:$0x13]  }
0x107: {  	[spmem:s2] =	stream.indirect.scatter.add.f32 [tilespmem:s7], [sflag:$0x3], $0x80, s26, s8, $0xb8;
	[tilespmem:$0x1E800] =	vst v63  }
0x108: {  	_ =	swait.ge [sflag:s30], $0x2000  }
0x109: {  	[sflag:s30] =	ssyncset.done $0x0  }
0x10a: {  	s26 =	rddreg [dreg:$0x14];
	[sflag:s30] =	ssyncadd.s32 $0xFFFFE000  }
0x10b: {  	[spmem:s2] =	stream.indirect.scatter.add.f32 [tilespmem:s11], [sflag:$0x3], $0x80, s26, s8, $0xb8;
	[tilespmem:$0x1E800] =	vst v63  }
0x10c: {  	_ =	swait.ge [sflag:s30], $0x2000  }
0x10d: {  	[sflag:s30] =	ssyncset.done $0x0  }
0x10e: {  	[sflag:s30] =	ssyncadd.s32 $0xFFFFE000  }
0x10f: {  	_ =	swait.ge [sflag:s6], $0x4000  }
0x110: {  	[sflag:s6] =	ssyncset.done $0x0  }
0x111: {  	s23 =	rddreg [dreg:$0x15];
	[sflag:s6] =	ssyncadd.s32 $0xFFFFC000  }
0x112: {  	[tilespmem:s7], [sflag:$0x2] =	stream.indirect.gather [hbm4b:s4+s1], $0x80, s23, s1, $0xb8;
	[tilespmem:$0x1E800] =	vst v63  }
0x113: {  	s26 =	rddreg [dreg:$0x16]  }
0x114: {  	[spmem:s2] =	stream.indirect.scatter.add.f32 [tilespmem:s0], [sflag:$0x3], $0x80, s26, s8, $0xb8;
	[tilespmem:$0x1E800] =	vst v63  }
0x115: {  	_ =	swait.ge [sflag:s30], $0x2000  }
0x116: {  	[sflag:s30] =	ssyncset.done $0x0  }
0x117: {  	s26 =	rddreg [dreg:$0x17];
	[sflag:s30] =	ssyncadd.s32 $0xFFFFE000  }
0x118: {  	[spmem:s2] =	stream.indirect.scatter.add.f32 [tilespmem:s9], [sflag:$0x3], $0x80, s26, s8, $0xb8;
	[tilespmem:$0x1E800] =	vst v63  }
0x119: {  	_ =	swait.ge [sflag:s30], $0x2000  }
0x11a: {  	[sflag:s30] =	ssyncset.done $0x0  }
0x11b: {  	[sflag:s30] =	ssyncadd.s32 $0xFFFFE000  }
0x11c: {  	_ =	swait.ge [sflag:s10], $0x4000  }
0x11d: {  	[sflag:s10] =	ssyncset.done $0x0  }
0x11e: {  	s23 =	rddreg [dreg:$0x18];
	[sflag:s10] =	ssyncadd.s32 $0xFFFFC000  }
0x11f: {  	[tilespmem:s0], [sflag:$0x1] =	stream.indirect.gather [hbm4b:s4+s1], $0x80, s23, s1, $0xb8;
	[tilespmem:$0x1E800] =	vst v63  }
0x120: {  	s26 =	rddreg [dreg:$0x19]  }
0x121: {  	[spmem:s2] =	stream.indirect.scatter.add.f32 [tilespmem:s7], [sflag:$0x3], $0x80, s26, s8, $0xb8;
	[tilespmem:$0x1E800] =	vst v63  }
0x122: {  	_ =	swait.ge [sflag:s30], $0x2000  }
0x123: {  	[sflag:s30] =	ssyncset.done $0x0  }
0x124: {  	s26 =	rddreg [dreg:$0x1a];
	[sflag:s30] =	ssyncadd.s32 $0xFFFFE000  }
0x125: {  	[spmem:s2] =	stream.indirect.scatter.add.f32 [tilespmem:s11], [sflag:$0x3], $0x80, s26, s8, $0xb8;
	[tilespmem:$0x1E800] =	vst v63  }
0x126: {  	_ =	swait.ge [sflag:s30], $0x2000  }
0x127: {  	[sflag:s30] =	ssyncset.done $0x0  }
0x128: {  	[sflag:s30] =	ssyncadd.s32 $0xFFFFE000  }
0x129: {  	_ =	swait.ge [sflag:s6], $0x4000  }
0x12a: {  	[sflag:s6] =	ssyncset.done $0x0  }
0x12b: {  	s23 =	rddreg [dreg:$0x1b];
	[sflag:s6] =	ssyncadd.s32 $0xFFFFC000  }
0x12c: {  	[tilespmem:s7], [sflag:$0x2] =	stream.indirect.gather [hbm4b:s4+s1], $0x80, s23, s1, $0xb8;
	[tilespmem:$0x1E800] =	vst v63  }
0x12d: {  	s26 =	rddreg [dreg:$0x1c]  }
0x12e: {  	[spmem:s2] =	stream.indirect.scatter.add.f32 [tilespmem:s0], [sflag:$0x3], $0x80, s26, s8, $0xb8;
	[tilespmem:$0x1E800] =	vst v63  }
0x12f: {  	_ =	swait.ge [sflag:s30], $0x2000  }
0x130: {  	[sflag:s30] =	ssyncset.done $0x0  }
0x131: {  	s26 =	rddreg [dreg:$0x1d];
	[sflag:s30] =	ssyncadd.s32 $0xFFFFE000  }
0x132: {  	[spmem:s2] =	stream.indirect.scatter.add.f32 [tilespmem:s9], [sflag:$0x3], $0x80, s26, s8, $0xb8;
	[tilespmem:$0x1E800] =	vst v63  }
0x133: {  	_ =	swait.ge [sflag:s30], $0x2000  }
0x134: {  	[sflag:s30] =	ssyncset.done $0x0  }
0x135: {  	[sflag:s30] =	ssyncadd.s32 $0xFFFFE000  }
0x136: {  	_ =	swait.ge [sflag:s10], $0x4000  }
0x137: {  	[sflag:s10] =	ssyncset.done $0x0  }
0x138: {  	s23 =	rddreg [dreg:$0x1e];
	[sflag:s10] =	ssyncadd.s32 $0xFFFFC000  }
0x139: {  	[tilespmem:s0], [sflag:$0x1] =	stream.indirect.gather [hbm4b:s4+s1], $0x80, s23, s1, $0xb8;
	[tilespmem:$0x1E800] =	vst v63  }
0x13a: {  	s26 =	rddreg [dreg:$0x1f]  }
0x13b: {  	[spmem:s2] =	stream.indirect.scatter.add.f32 [tilespmem:s7], [sflag:$0x3], $0x80, s26, s8, $0xb8;
	[tilespmem:$0x1E800] =	vst v63  }
0x13c: {  	_ =	swait.ge [sflag:s30], $0x2000  }
0x13d: {  	s26 =	sld [smem:$0x7F2]  }
0x13e: {  	[sflag:s30] =	ssyncset.done $0x0  }
0x13f: {  	[sflag:s30] =	ssyncadd.s32 $0xFFFFE000  }
0x140: {  	[spmem:s2] =	stream.indirect.scatter.add.f32 [tilespmem:s11], [sflag:$0x3], $0x80, s26, s8, $0xb8;
	[tilespmem:$0x1E800] =	vst v63  }
0x141: {  	_ =	swait.ge [sflag:s30], $0x2000  }
0x142: {  	[sflag:s30] =	ssyncset.done $0x0  }
0x143: {  	[sflag:s30] =	ssyncadd.s32 $0xFFFFE000  }
0x144: {  	_ =	swait.ge [sflag:s6], $0x4000  }
0x145: {  	s23 =	sld [smem:$0x7F3]  }
0x146: {  	[sflag:s6] =	ssyncset.done $0x0  }
0x147: {  	s26 =	sld [smem:$0x7F5];
	[sflag:s6] =	ssyncadd.s32 $0xFFFFC000  }
0x148: {  	[tilespmem:s7], [sflag:$0x2] =	stream.indirect.gather [hbm4b:s4+s1], $0x80, s23, s1, $0xb8;
	[tilespmem:$0x1E800] =	vst v63  }
0x149: {  	_ = 	snop  }
0x14a: {  	[spmem:s2] =	stream.indirect.scatter.add.f32 [tilespmem:s0], [sflag:$0x3], $0x80, s26, s8, $0xb8;
	[tilespmem:$0x1E800] =	vst v63  }
0x14b: {  	_ =	swait.ge [sflag:s30], $0x2000  }
0x14c: {  	s23 =	sld [smem:$0x7F7]  }
0x14d: {  	[sflag:s30] =	ssyncset.done $0x0  }
0x14e: {  	[sflag:s30] =	ssyncadd.s32 $0xFFFFE000  }
0x14f: {  	[spmem:s2] =	stream.indirect.scatter.add.f32 [tilespmem:s9], [sflag:$0x3], $0x80, s23, s8, $0xb8;
	[tilespmem:$0x1E800] =	vst v63  }
0x150: {  	_ =	swait.ge [sflag:s30], $0x2000  }
0x151: {  	[sflag:s30] =	ssyncset.done $0x0  }
0x152: {  	[sflag:s30] =	ssyncadd.s32 $0xFFFFE000  }
0x153: {  	_ =	swait.ge [sflag:s10], $0x4000  }
0x154: {  	s26 =	sld [smem:$0x7F9]  }
0x155: {  	[sflag:s10] =	ssyncset.done $0x0  }
0x156: {  	[sflag:s10] =	ssyncadd.s32 $0xFFFFC000  }
0x157: {  	[tilespmem:s0], [sflag:$0x1] =	stream.indirect.gather [hbm4b:s4+s1], $0x80, s26, s1, $0xb8;
	[tilespmem:$0x1E800] =	vst v63  }
0x158: {  	_ = 	snop  }
0x159: {  	[spmem:s2] =	stream.indirect.scatter.add.f32 [tilespmem:s7], [sflag:$0x3], $0x80, s12, s8, $0xb8;
	[tilespmem:$0x1E800] =	vst v63  }
0x15a: {  	_ =	swait.ge [sflag:s30], $0x2000  }
0x15b: {  	[sflag:s30] =	ssyncset.done $0x0  }
0x15c: {  	[sflag:s30] =	ssyncadd.s32 $0xFFFFE000  }
0x15d: {  	[spmem:s2] =	stream.indirect.scatter.add.f32 [tilespmem:s11], [sflag:$0x3], $0x80, s13, s8, $0xb8;
	[tilespmem:$0x1E800] =	vst v63  }
0x15e: {  	_ =	swait.ge [sflag:s30], $0x2000  }
0x15f: {  	[sflag:s30] =	ssyncset.done $0x0  }
0x160: {  	[sflag:s30] =	ssyncadd.s32 $0xFFFFE000  }
0x161: {  	_ =	swait.ge [sflag:s6], $0x4000  }
0x162: {  	[sflag:s6] =	ssyncset.done $0x0  }
0x163: {  	[sflag:s6] =	ssyncadd.s32 $0xFFFFC000  }
0x164: {  	[tilespmem:s7], [sflag:$0x2] =	stream.indirect.gather [hbm4b:s4+s1], $0x80, s14, s1, $0xb8;
	[tilespmem:$0x1E800] =	vst v63  }
0x165: {  	_ = 	snop  }
0x166: {  	[spmem:s2] =	stream.indirect.scatter.add.f32 [tilespmem:s0], [sflag:$0x3], $0x80, s15, s8, $0xb8;
	[tilespmem:$0x1E800] =	vst v63  }
0x167: {  	_ =	swait.ge [sflag:s30], $0x2000  }
0x168: {  	[sflag:s30] =	ssyncset.done $0x0  }
0x169: {  	[sflag:s30] =	ssyncadd.s32 $0xFFFFE000  }
0x16a: {  	[spmem:s2] =	stream.indirect.scatter.add.f32 [tilespmem:s9], [sflag:$0x3], $0x80, s16, s8, $0xb8;
	[tilespmem:$0x1E800] =	vst v63  }
0x16b: {  	_ =	swait.ge [sflag:s30], $0x2000  }
0x16c: {  	[sflag:s30] =	ssyncset.done $0x0  }
0x16d: {  	[sflag:s30] =	ssyncadd.s32 $0xFFFFE000  }
0x16e: {  	_ =	swait.ge [sflag:s10], $0x4000  }
0x16f: {  	[sflag:s10] =	ssyncset.done $0x0  }
0x170: {  	[sflag:s10] =	ssyncadd.s32 $0xFFFFC000  }
0x171: {  	[tilespmem:s0], [sflag:$0x1] =	stream.indirect.gather [hbm4b:s4+s1], $0x80, s17, s1, $0xb8;
	[tilespmem:$0x1E800] =	vst v63  }
0x172: {  	_ = 	snop  }
0x173: {  	[spmem:s2] =	stream.indirect.scatter.add.f32 [tilespmem:s7], [sflag:$0x3], $0x80, s18, s8, $0xb8;
	[tilespmem:$0x1E800] =	vst v63  }
0x174: {  	_ =	swait.ge [sflag:s30], $0x2000  }
0x175: {  	[sflag:s30] =	ssyncset.done $0x0  }
0x176: {  	[sflag:s30] =	ssyncadd.s32 $0xFFFFE000  }
0x177: {  	[spmem:s2] =	stream.indirect.scatter.add.f32 [tilespmem:s11], [sflag:$0x3], $0x80, s19, s8, $0xb8;
	[tilespmem:$0x1E800] =	vst v63  }
0x178: {  	_ =	swait.ge [sflag:s30], $0x2000  }
0x179: {  	[sflag:s30] =	ssyncset.done $0x0  }
0x17a: {  	[sflag:s30] =	ssyncadd.s32 $0xFFFFE000  }
0x17b: {  	_ =	swait.ge [sflag:s6], $0x4000  }
0x17c: {  	[sflag:s6] =	ssyncset.done $0x0  }
0x17d: {  	[sflag:s6] =	ssyncadd.s32 $0xFFFFC000  }
0x17e: {  	[tilespmem:s7], [sflag:$0x2] =	stream.indirect.gather [hbm4b:s4+s1], $0x80, s20, s1, $0xb8;
	[tilespmem:$0x1E800] =	vst v63  }
0x17f: {  	_ = 	snop  }
0x180: {  	[spmem:s2] =	stream.indirect.scatter.add.f32 [tilespmem:s0], [sflag:$0x3], $0x80, s21, s8, $0xb8;
	[tilespmem:$0x1E800] =	vst v63  }
0x181: {  	_ =	swait.ge [sflag:s30], $0x2000  }
0x182: {  	[sflag:s30] =	ssyncset.done $0x0  }
0x183: {  	[sflag:s30] =	ssyncadd.s32 $0xFFFFE000  }
0x184: {  	[spmem:s2] =	stream.indirect.scatter.add.f32 [tilespmem:s9], [sflag:$0x3], $0x80, s22, s8, $0xb8;
	[tilespmem:$0x1E800] =	vst v63  }
0x185: {  	_ =	swait.ge [sflag:s30], $0x2000  }
0x186: {  	[sflag:s30] =	ssyncset.done $0x0  }
0x187: {  	[sflag:s30] =	ssyncadd.s32 $0xFFFFE000  }
0x188: {  	_ =	swait.ge [sflag:s10], $0x4000  }
0x189: {  	[sflag:s10] =	ssyncset.done $0x0  }
0x18a: {  	[sflag:s10] =	ssyncadd.s32 $0xFFFFC000  }
0x18b: {  	[spmem:s2] =	stream.indirect.scatter.add.f32 [tilespmem:s7], [sflag:$0x3], $0x80, s24, s8, $0xb8;
	[tilespmem:$0x1E800] =	vst v63  }
0x18c: {  	_ =	swait.ge [sflag:s30], $0x2000  }
0x18d: {  	[sflag:s30] =	ssyncset.done $0x0  }
0x18e: {  	[sflag:s30] =	ssyncadd.s32 $0xFFFFE000  }
0x18f: {  	[spmem:s2] =	stream.indirect.scatter.add.f32 [tilespmem:s11], [sflag:$0x3], $0x80, s25, s8, $0xb8;
	[tilespmem:$0x1E800] =	vst v63  }
0x190: {  	s28 =	simm.s32 $0x100;
	s5 =	simm.s32 $0x200;
	_ =	swait.ge [sflag:s30], $0x2000  }
0x191: {  	s23 =	smov.u32 s29;
	s26 =	rddreg [dreg:$0x4];
	[sflag:s30] =	ssyncset.done $0x0  }
.LBB2_4:
0x192: {  	[sflag:s30] =	ssyncadd.s32 $0xFFFFE000;
	s26 =	sadd.s32 s28, s26  }
0x193: {  	[tilespmem:s3], [sflag:$0x3] =	stream.linear.gather [hbm4b:s26+s3], $0x800, $0x38;
	[tilespmem:$0x1E800] =	vst v63  }
0x194: {  	_ =	swait.ge [sflag:s30], $0x800  }
0x195: {  	[sflag:s30] =	ssyncset.done $0x0  }
0x196: {  	s23 =	sadd.s32 $0x200, s23;
	[sflag:s30] =	ssyncadd.s32 $0xFFFFF800  }
0x197: {  	[tilespmem:s31], [sflag:$0x3] =	stream.linear.gather [hbm4b:s23+s3], $0x1000, $0x38;
	[tilespmem:$0x1E800] =	vst v63  }
0x198: {  	_ =	swait.ge [sflag:s30], $0x1000  }
0x199: {  	[sflag:s30] =	ssyncset.done $0x0  }
0x19a: {  	[sflag:s30] =	ssyncadd.s32 $0xFFFFF000  }
0x19b: {  	[tilespmem:s0], [sflag:$0x1] =	stream.indirect.gather [hbm4b:s4+s1], $0x80, s3, s1, $0xb8;
	[tilespmem:$0x1E800] =	vst v63  }
0x19c: {  	_ =	swait.ge [sflag:s6], $0x4000  }
0x19d: {  	[sflag:s6] =	ssyncset.done $0x0  }
0x19e: {  	[sflag:s6] =	ssyncadd.s32 $0xFFFFC000  }
0x19f: {  	[tilespmem:s7], [sflag:$0x2] =	stream.indirect.gather [hbm4b:s4+s1], $0x80, s1, s1, $0xb8;
	[tilespmem:$0x1E800] =	vst v63  }
0x1a0: {  	_ = 	snop  }
0x1a1: {  	[spmem:s2] =	stream.indirect.scatter.add.f32 [tilespmem:s0], [sflag:$0x3], $0x80, s31, s8, $0xb8;
	[tilespmem:$0x1E800] =	vst v63  }
0x1a2: {  	_ =	swait.ge [sflag:s30], $0x2000  }
0x1a3: {  	s29 =	smov.u32 s5;
	[sflag:s30] =	ssyncset.done $0x0  }
0x1a4: {  	s28 =	smov.u32 s29;
	s29 =	rddreg [dreg:$0x5];
	[sflag:s30] =	ssyncadd.s32 $0xFFFFE000  }
0x1a5: {  	[spmem:s2] =	stream.indirect.scatter.add.f32 [tilespmem:s9], [sflag:$0x3], $0x80, s29, s8, $0xb8;
	[tilespmem:$0x1E800] =	vst v63  }
0x1a6: {  	_ =	swait.ge [sflag:s30], $0x2000  }
0x1a7: {  	[sflag:s30] =	ssyncset.done $0x0  }
0x1a8: {  	[sflag:s30] =	ssyncadd.s32 $0xFFFFE000  }
0x1a9: {  	_ =	swait.ge [sflag:s10], $0x4000  }
0x1aa: {  	[sflag:s10] =	ssyncset.done $0x0  }
0x1ab: {  	s26 =	rddreg [dreg:$0x6];
	[sflag:s10] =	ssyncadd.s32 $0xFFFFC000  }
0x1ac: {  	[tilespmem:s0], [sflag:$0x1] =	stream.indirect.gather [hbm4b:s4+s1], $0x80, s26, s1, $0xb8;
	[tilespmem:$0x1E800] =	vst v63  }
0x1ad: {  	s29 =	rddreg [dreg:$0x7]  }
0x1ae: {  	[spmem:s2] =	stream.indirect.scatter.add.f32 [tilespmem:s7], [sflag:$0x3], $0x80, s29, s8, $0xb8;
	[tilespmem:$0x1E800] =	vst v63  }
0x1af: {  	_ =	swait.ge [sflag:s30], $0x2000  }
0x1b0: {  	[sflag:s30] =	ssyncset.done $0x0  }
0x1b1: {  	s29 =	rddreg [dreg:$0x8];
	[sflag:s30] =	ssyncadd.s32 $0xFFFFE000  }
0x1b2: {  	[spmem:s2] =	stream.indirect.scatter.add.f32 [tilespmem:s11], [sflag:$0x3], $0x80, s29, s8, $0xb8;
	[tilespmem:$0x1E800] =	vst v63  }
0x1b3: {  	_ =	swait.ge [sflag:s30], $0x2000  }
0x1b4: {  	[sflag:s30] =	ssyncset.done $0x0  }
0x1b5: {  	[sflag:s30] =	ssyncadd.s32 $0xFFFFE000  }
0x1b6: {  	_ =	swait.ge [sflag:s6], $0x4000  }
0x1b7: {  	[sflag:s6] =	ssyncset.done $0x0  }
0x1b8: {  	s26 =	rddreg [dreg:$0x9];
	[sflag:s6] =	ssyncadd.s32 $0xFFFFC000  }
0x1b9: {  	[tilespmem:s7], [sflag:$0x2] =	stream.indirect.gather [hbm4b:s4+s1], $0x80, s26, s1, $0xb8;
	[tilespmem:$0x1E800] =	vst v63  }
0x1ba: {  	s29 =	rddreg [dreg:$0xa]  }
0x1bb: {  	[spmem:s2] =	stream.indirect.scatter.add.f32 [tilespmem:s0], [sflag:$0x3], $0x80, s29, s8, $0xb8;
	[tilespmem:$0x1E800] =	vst v63  }
0x1bc: {  	_ =	swait.ge [sflag:s30], $0x2000  }
0x1bd: {  	[sflag:s30] =	ssyncset.done $0x0  }
0x1be: {  	s29 =	rddreg [dreg:$0xb];
	[sflag:s30] =	ssyncadd.s32 $0xFFFFE000  }
0x1bf: {  	[spmem:s2] =	stream.indirect.scatter.add.f32 [tilespmem:s9], [sflag:$0x3], $0x80, s29, s8, $0xb8;
	[tilespmem:$0x1E800] =	vst v63  }
0x1c0: {  	_ =	swait.ge [sflag:s30], $0x2000  }
0x1c1: {  	[sflag:s30] =	ssyncset.done $0x0  }
0x1c2: {  	[sflag:s30] =	ssyncadd.s32 $0xFFFFE000  }
0x1c3: {  	_ =	swait.ge [sflag:s10], $0x4000  }
0x1c4: {  	[sflag:s10] =	ssyncset.done $0x0  }
0x1c5: {  	s26 =	rddreg [dreg:$0xc];
	[sflag:s10] =	ssyncadd.s32 $0xFFFFC000  }
0x1c6: {  	[tilespmem:s0], [sflag:$0x1] =	stream.indirect.gather [hbm4b:s4+s1], $0x80, s26, s1, $0xb8;
	[tilespmem:$0x1E800] =	vst v63  }
0x1c7: {  	s29 =	rddreg [dreg:$0xd]  }
0x1c8: {  	[spmem:s2] =	stream.indirect.scatter.add.f32 [tilespmem:s7], [sflag:$0x3], $0x80, s29, s8, $0xb8;
	[tilespmem:$0x1E800] =	vst v63  }
0x1c9: {  	_ =	swait.ge [sflag:s30], $0x2000  }
0x1ca: {  	[sflag:s30] =	ssyncset.done $0x0  }
0x1cb: {  	s29 =	rddreg [dreg:$0xe];
	[sflag:s30] =	ssyncadd.s32 $0xFFFFE000  }
0x1cc: {  	[spmem:s2] =	stream.indirect.scatter.add.f32 [tilespmem:s11], [sflag:$0x3], $0x80, s29, s8, $0xb8;
	[tilespmem:$0x1E800] =	vst v63  }
0x1cd: {  	_ =	swait.ge [sflag:s30], $0x2000  }
0x1ce: {  	[sflag:s30] =	ssyncset.done $0x0  }
0x1cf: {  	[sflag:s30] =	ssyncadd.s32 $0xFFFFE000  }
0x1d0: {  	_ =	swait.ge [sflag:s6], $0x4000  }
0x1d1: {  	[sflag:s6] =	ssyncset.done $0x0  }
0x1d2: {  	s26 =	rddreg [dreg:$0xf];
	[sflag:s6] =	ssyncadd.s32 $0xFFFFC000  }
0x1d3: {  	[tilespmem:s7], [sflag:$0x2] =	stream.indirect.gather [hbm4b:s4+s1], $0x80, s26, s1, $0xb8;
	[tilespmem:$0x1E800] =	vst v63  }
0x1d4: {  	s29 =	rddreg [dreg:$0x10]  }
0x1d5: {  	[spmem:s2] =	stream.indirect.scatter.add.f32 [tilespmem:s0], [sflag:$0x3], $0x80, s29, s8, $0xb8;
	[tilespmem:$0x1E800] =	vst v63  }
0x1d6: {  	_ =	swait.ge [sflag:s30], $0x2000  }
0x1d7: {  	[sflag:s30] =	ssyncset.done $0x0  }
0x1d8: {  	s29 =	rddreg [dreg:$0x11];
	[sflag:s30] =	ssyncadd.s32 $0xFFFFE000  }
0x1d9: {  	[spmem:s2] =	stream.indirect.scatter.add.f32 [tilespmem:s9], [sflag:$0x3], $0x80, s29, s8, $0xb8;
	[tilespmem:$0x1E800] =	vst v63  }
0x1da: {  	_ =	swait.ge [sflag:s30], $0x2000  }
0x1db: {  	[sflag:s30] =	ssyncset.done $0x0  }
0x1dc: {  	[sflag:s30] =	ssyncadd.s32 $0xFFFFE000  }
0x1dd: {  	_ =	swait.ge [sflag:s10], $0x4000  }
0x1de: {  	[sflag:s10] =	ssyncset.done $0x0  }
0x1df: {  	s26 =	rddreg [dreg:$0x12];
	[sflag:s10] =	ssyncadd.s32 $0xFFFFC000  }
0x1e0: {  	[tilespmem:s0], [sflag:$0x1] =	stream.indirect.gather [hbm4b:s4+s1], $0x80, s26, s1, $0xb8;
	[tilespmem:$0x1E800] =	vst v63  }
0x1e1: {  	s29 =	rddreg [dreg:$0x13]  }
0x1e2: {  	[spmem:s2] =	stream.indirect.scatter.add.f32 [tilespmem:s7], [sflag:$0x3], $0x80, s29, s8, $0xb8;
	[tilespmem:$0x1E800] =	vst v63  }
0x1e3: {  	_ =	swait.ge [sflag:s30], $0x2000  }
0x1e4: {  	[sflag:s30] =	ssyncset.done $0x0  }
0x1e5: {  	s29 =	rddreg [dreg:$0x14];
	[sflag:s30] =	ssyncadd.s32 $0xFFFFE000  }
0x1e6: {  	[spmem:s2] =	stream.indirect.scatter.add.f32 [tilespmem:s11], [sflag:$0x3], $0x80, s29, s8, $0xb8;
	[tilespmem:$0x1E800] =	vst v63  }
0x1e7: {  	_ =	swait.ge [sflag:s30], $0x2000  }
0x1e8: {  	[sflag:s30] =	ssyncset.done $0x0  }
0x1e9: {  	[sflag:s30] =	ssyncadd.s32 $0xFFFFE000  }
0x1ea: {  	_ =	swait.ge [sflag:s6], $0x4000  }
0x1eb: {  	[sflag:s6] =	ssyncset.done $0x0  }
0x1ec: {  	s26 =	rddreg [dreg:$0x15];
	[sflag:s6] =	ssyncadd.s32 $0xFFFFC000  }
0x1ed: {  	[tilespmem:s7], [sflag:$0x2] =	stream.indirect.gather [hbm4b:s4+s1], $0x80, s26, s1, $0xb8;
	[tilespmem:$0x1E800] =	vst v63  }
0x1ee: {  	s29 =	rddreg [dreg:$0x16]  }
0x1ef: {  	[spmem:s2] =	stream.indirect.scatter.add.f32 [tilespmem:s0], [sflag:$0x3], $0x80, s29, s8, $0xb8;
	[tilespmem:$0x1E800] =	vst v63  }
0x1f0: {  	_ =	swait.ge [sflag:s30], $0x2000  }
0x1f1: {  	[sflag:s30] =	ssyncset.done $0x0  }
0x1f2: {  	s29 =	rddreg [dreg:$0x17];
	[sflag:s30] =	ssyncadd.s32 $0xFFFFE000  }
0x1f3: {  	[spmem:s2] =	stream.indirect.scatter.add.f32 [tilespmem:s9], [sflag:$0x3], $0x80, s29, s8, $0xb8;
	[tilespmem:$0x1E800] =	vst v63  }
0x1f4: {  	_ =	swait.ge [sflag:s30], $0x2000  }
0x1f5: {  	[sflag:s30] =	ssyncset.done $0x0  }
0x1f6: {  	[sflag:s30] =	ssyncadd.s32 $0xFFFFE000  }
0x1f7: {  	_ =	swait.ge [sflag:s10], $0x4000  }
0x1f8: {  	[sflag:s10] =	ssyncset.done $0x0  }
0x1f9: {  	s26 =	rddreg [dreg:$0x18];
	[sflag:s10] =	ssyncadd.s32 $0xFFFFC000  }
0x1fa: {  	[tilespmem:s0], [sflag:$0x1] =	stream.indirect.gather [hbm4b:s4+s1], $0x80, s26, s1, $0xb8;
	[tilespmem:$0x1E800] =	vst v63  }
0x1fb: {  	s29 =	rddreg [dreg:$0x19]  }
0x1fc: {  	[spmem:s2] =	stream.indirect.scatter.add.f32 [tilespmem:s7], [sflag:$0x3], $0x80, s29, s8, $0xb8;
	[tilespmem:$0x1E800] =	vst v63  }
0x1fd: {  	_ =	swait.ge [sflag:s30], $0x2000  }
0x1fe: {  	[sflag:s30] =	ssyncset.done $0x0  }
0x1ff: {  	s29 =	rddreg [dreg:$0x1a];
	[sflag:s30] =	ssyncadd.s32 $0xFFFFE000  }
0x200: {  	[spmem:s2] =	stream.indirect.scatter.add.f32 [tilespmem:s11], [sflag:$0x3], $0x80, s29, s8, $0xb8;
	[tilespmem:$0x1E800] =	vst v63  }
0x201: {  	_ =	swait.ge [sflag:s30], $0x2000  }
0x202: {  	[sflag:s30] =	ssyncset.done $0x0  }
0x203: {  	[sflag:s30] =	ssyncadd.s32 $0xFFFFE000  }
0x204: {  	_ =	swait.ge [sflag:s6], $0x4000  }
0x205: {  	[sflag:s6] =	ssyncset.done $0x0  }
0x206: {  	s26 =	rddreg [dreg:$0x1b];
	[sflag:s6] =	ssyncadd.s32 $0xFFFFC000  }
0x207: {  	[tilespmem:s7], [sflag:$0x2] =	stream.indirect.gather [hbm4b:s4+s1], $0x80, s26, s1, $0xb8;
	[tilespmem:$0x1E800] =	vst v63  }
0x208: {  	s29 =	rddreg [dreg:$0x1c]  }
0x209: {  	[spmem:s2] =	stream.indirect.scatter.add.f32 [tilespmem:s0], [sflag:$0x3], $0x80, s29, s8, $0xb8;
	[tilespmem:$0x1E800] =	vst v63  }
0x20a: {  	_ =	swait.ge [sflag:s30], $0x2000  }
0x20b: {  	[sflag:s30] =	ssyncset.done $0x0  }
0x20c: {  	s29 =	rddreg [dreg:$0x1d];
	[sflag:s30] =	ssyncadd.s32 $0xFFFFE000  }
0x20d: {  	[spmem:s2] =	stream.indirect.scatter.add.f32 [tilespmem:s9], [sflag:$0x3], $0x80, s29, s8, $0xb8;
	[tilespmem:$0x1E800] =	vst v63  }
0x20e: {  	_ =	swait.ge [sflag:s30], $0x2000  }
0x20f: {  	[sflag:s30] =	ssyncset.done $0x0  }
0x210: {  	[sflag:s30] =	ssyncadd.s32 $0xFFFFE000  }
0x211: {  	_ =	swait.ge [sflag:s10], $0x4000  }
0x212: {  	[sflag:s10] =	ssyncset.done $0x0  }
0x213: {  	s26 =	rddreg [dreg:$0x1e];
	[sflag:s10] =	ssyncadd.s32 $0xFFFFC000  }
0x214: {  	[tilespmem:s0], [sflag:$0x1] =	stream.indirect.gather [hbm4b:s4+s1], $0x80, s26, s1, $0xb8;
	[tilespmem:$0x1E800] =	vst v63  }
0x215: {  	s29 =	rddreg [dreg:$0x1f]  }
0x216: {  	[spmem:s2] =	stream.indirect.scatter.add.f32 [tilespmem:s7], [sflag:$0x3], $0x80, s29, s8, $0xb8;
	[tilespmem:$0x1E800] =	vst v63  }
0x217: {  	_ =	swait.ge [sflag:s30], $0x2000  }
0x218: {  	s29 =	sld [smem:$0x7F2]  }
0x219: {  	[sflag:s30] =	ssyncset.done $0x0  }
0x21a: {  	[sflag:s30] =	ssyncadd.s32 $0xFFFFE000  }
0x21b: {  	[spmem:s2] =	stream.indirect.scatter.add.f32 [tilespmem:s11], [sflag:$0x3], $0x80, s29, s8, $0xb8;
	[tilespmem:$0x1E800] =	vst v63  }
0x21c: {  	_ =	swait.ge [sflag:s30], $0x2000  }
0x21d: {  	[sflag:s30] =	ssyncset.done $0x0  }
0x21e: {  	[sflag:s30] =	ssyncadd.s32 $0xFFFFE000  }
0x21f: {  	_ =	swait.ge [sflag:s6], $0x4000  }
0x220: {  	s26 =	sld [smem:$0x7F3]  }
0x221: {  	[sflag:s6] =	ssyncset.done $0x0  }
0x222: {  	s29 =	sld [smem:$0x7F5];
	[sflag:s6] =	ssyncadd.s32 $0xFFFFC000  }
0x223: {  	[tilespmem:s7], [sflag:$0x2] =	stream.indirect.gather [hbm4b:s4+s1], $0x80, s26, s1, $0xb8;
	[tilespmem:$0x1E800] =	vst v63  }
0x224: {  	_ = 	snop  }
0x225: {  	[spmem:s2] =	stream.indirect.scatter.add.f32 [tilespmem:s0], [sflag:$0x3], $0x80, s29, s8, $0xb8;
	[tilespmem:$0x1E800] =	vst v63  }
0x226: {  	_ =	swait.ge [sflag:s30], $0x2000  }
0x227: {  	s29 =	sld [smem:$0x7F7]  }
0x228: {  	[sflag:s30] =	ssyncset.done $0x0  }
0x229: {  	[sflag:s30] =	ssyncadd.s32 $0xFFFFE000  }
0x22a: {  	[spmem:s2] =	stream.indirect.scatter.add.f32 [tilespmem:s9], [sflag:$0x3], $0x80, s29, s8, $0xb8;
	[tilespmem:$0x1E800] =	vst v63  }
0x22b: {  	_ =	swait.ge [sflag:s30], $0x2000  }
0x22c: {  	[sflag:s30] =	ssyncset.done $0x0  }
0x22d: {  	[sflag:s30] =	ssyncadd.s32 $0xFFFFE000  }
0x22e: {  	_ =	swait.ge [sflag:s10], $0x4000  }
0x22f: {  	s29 =	sld [smem:$0x7F9]  }
0x230: {  	[sflag:s10] =	ssyncset.done $0x0  }
0x231: {  	[sflag:s10] =	ssyncadd.s32 $0xFFFFC000  }
0x232: {  	[tilespmem:s0], [sflag:$0x1] =	stream.indirect.gather [hbm4b:s4+s1], $0x80, s29, s1, $0xb8;
	[tilespmem:$0x1E800] =	vst v63  }
0x233: {  	_ = 	snop  }
0x234: {  	[spmem:s2] =	stream.indirect.scatter.add.f32 [tilespmem:s7], [sflag:$0x3], $0x80, s12, s8, $0xb8;
	[tilespmem:$0x1E800] =	vst v63  }
0x235: {  	_ =	swait.ge [sflag:s30], $0x2000  }
0x236: {  	[sflag:s30] =	ssyncset.done $0x0  }
0x237: {  	[sflag:s30] =	ssyncadd.s32 $0xFFFFE000  }
0x238: {  	[spmem:s2] =	stream.indirect.scatter.add.f32 [tilespmem:s11], [sflag:$0x3], $0x80, s13, s8, $0xb8;
	[tilespmem:$0x1E800] =	vst v63  }
0x239: {  	_ =	swait.ge [sflag:s30], $0x2000  }
0x23a: {  	[sflag:s30] =	ssyncset.done $0x0  }
0x23b: {  	[sflag:s30] =	ssyncadd.s32 $0xFFFFE000  }
0x23c: {  	_ =	swait.ge [sflag:s6], $0x4000  }
0x23d: {  	[sflag:s6] =	ssyncset.done $0x0  }
0x23e: {  	[sflag:s6] =	ssyncadd.s32 $0xFFFFC000  }
0x23f: {  	[tilespmem:s7], [sflag:$0x2] =	stream.indirect.gather [hbm4b:s4+s1], $0x80, s14, s1, $0xb8;
	[tilespmem:$0x1E800] =	vst v63  }
0x240: {  	_ = 	snop  }
0x241: {  	[spmem:s2] =	stream.indirect.scatter.add.f32 [tilespmem:s0], [sflag:$0x3], $0x80, s15, s8, $0xb8;
	[tilespmem:$0x1E800] =	vst v63  }
0x242: {  	_ =	swait.ge [sflag:s30], $0x2000  }
0x243: {  	[sflag:s30] =	ssyncset.done $0x0  }
0x244: {  	[sflag:s30] =	ssyncadd.s32 $0xFFFFE000  }
0x245: {  	[spmem:s2] =	stream.indirect.scatter.add.f32 [tilespmem:s9], [sflag:$0x3], $0x80, s16, s8, $0xb8;
	[tilespmem:$0x1E800] =	vst v63  }
0x246: {  	_ =	swait.ge [sflag:s30], $0x2000  }
0x247: {  	[sflag:s30] =	ssyncset.done $0x0  }
0x248: {  	[sflag:s30] =	ssyncadd.s32 $0xFFFFE000  }
0x249: {  	_ =	swait.ge [sflag:s10], $0x4000  }
0x24a: {  	[sflag:s10] =	ssyncset.done $0x0  }
0x24b: {  	[sflag:s10] =	ssyncadd.s32 $0xFFFFC000  }
0x24c: {  	[tilespmem:s0], [sflag:$0x1] =	stream.indirect.gather [hbm4b:s4+s1], $0x80, s17, s1, $0xb8;
	[tilespmem:$0x1E800] =	vst v63  }
0x24d: {  	_ = 	snop  }
0x24e: {  	[spmem:s2] =	stream.indirect.scatter.add.f32 [tilespmem:s7], [sflag:$0x3], $0x80, s18, s8, $0xb8;
	[tilespmem:$0x1E800] =	vst v63  }
0x24f: {  	_ =	swait.ge [sflag:s30], $0x2000  }
0x250: {  	[sflag:s30] =	ssyncset.done $0x0  }
0x251: {  	[sflag:s30] =	ssyncadd.s32 $0xFFFFE000  }
0x252: {  	[spmem:s2] =	stream.indirect.scatter.add.f32 [tilespmem:s11], [sflag:$0x3], $0x80, s19, s8, $0xb8;
	[tilespmem:$0x1E800] =	vst v63  }
0x253: {  	_ =	swait.ge [sflag:s30], $0x2000  }
0x254: {  	[sflag:s30] =	ssyncset.done $0x0  }
0x255: {  	[sflag:s30] =	ssyncadd.s32 $0xFFFFE000  }
0x256: {  	_ =	swait.ge [sflag:s6], $0x4000  }
0x257: {  	[sflag:s6] =	ssyncset.done $0x0  }
0x258: {  	[sflag:s6] =	ssyncadd.s32 $0xFFFFC000  }
0x259: {  	[tilespmem:s7], [sflag:$0x2] =	stream.indirect.gather [hbm4b:s4+s1], $0x80, s20, s1, $0xb8;
	[tilespmem:$0x1E800] =	vst v63  }
0x25a: {  	_ = 	snop  }
0x25b: {  	[spmem:s2] =	stream.indirect.scatter.add.f32 [tilespmem:s0], [sflag:$0x3], $0x80, s21, s8, $0xb8;
	[tilespmem:$0x1E800] =	vst v63  }
0x25c: {  	_ =	swait.ge [sflag:s30], $0x2000  }
0x25d: {  	[sflag:s30] =	ssyncset.done $0x0  }
0x25e: {  	[sflag:s30] =	ssyncadd.s32 $0xFFFFE000  }
0x25f: {  	[spmem:s2] =	stream.indirect.scatter.add.f32 [tilespmem:s9], [sflag:$0x3], $0x80, s22, s8, $0xb8;
	[tilespmem:$0x1E800] =	vst v63  }
0x260: {  	_ =	swait.ge [sflag:s30], $0x2000  }
0x261: {  	[sflag:s30] =	ssyncset.done $0x0  }
0x262: {  	[sflag:s30] =	ssyncadd.s32 $0xFFFFE000  }
0x263: {  	_ =	swait.ge [sflag:s10], $0x4000  }
0x264: {  	[sflag:s10] =	ssyncset.done $0x0  }
0x265: {  	[sflag:s10] =	ssyncadd.s32 $0xFFFFC000  }
0x266: {  	[spmem:s2] =	stream.indirect.scatter.add.f32 [tilespmem:s7], [sflag:$0x3], $0x80, s24, s8, $0xb8;
	[tilespmem:$0x1E800] =	vst v63  }
0x267: {  	p0 =	sne.s32 s5, $0x400;
	_ =	swait.ge [sflag:s30], $0x2000  }
.Ltmp1:
0x268: {  	[sflag:s30] =	ssyncset.done $0x0;
	(pc) =	sbr.rel @p0 .LBB2_4-.Ltmp1, $4  }
0x269: {  	[sflag:s30] =	ssyncadd.s32 $0xFFFFE000  }
0x26a: {  	[spmem:s2] =	stream.indirect.scatter.add.f32 [tilespmem:s11], [sflag:$0x3], $0x80, s25, s8, $0xb8;
	[tilespmem:$0x1E800] =	vst v63  }
0x26b: {  	_ =	swait.ge [sflag:s30], $0x2000  }
0x26c: {  	s5 =	sadd.s32 $0x100, s5;
	s26 =	rddreg [dreg:$0x4];
	[sflag:s30] =	ssyncset.done $0x0  }
0x26d: {  	s5 =	sadd.s32 s28, s26;
	[sflag:s30] =	ssyncadd.s32 $0xFFFFE000  }
0x26e: {  	[tilespmem:s3], [sflag:$0x3] =	stream.linear.gather [hbm4b:s5+s3], $0x800, $0x38;
	[tilespmem:$0x1E800] =	vst v63  }
0x26f: {  	_ =	swait.ge [sflag:s30], $0x800  }
0x270: {  	[sflag:s30] =	ssyncset.done $0x0  }
0x271: {  	s23 =	sadd.s32 $0x200, s23;
	[sflag:s30] =	ssyncadd.s32 $0xFFFFF800  }
0x272: {  	[tilespmem:s31], [sflag:$0x3] =	stream.linear.gather [hbm4b:s23+s3], $0x1000, $0x38;
	[tilespmem:$0x1E800] =	vst v63  }
0x273: {  	_ =	swait.ge [sflag:s30], $0x1000  }
0x274: {  	[sflag:s30] =	ssyncset.done $0x0  }
0x275: {  	[sflag:s30] =	ssyncadd.s32 $0xFFFFF000  }
0x276: {  	[tilespmem:s0], [sflag:$0x1] =	stream.indirect.gather [hbm4b:s4+s1], $0x80, s3, s1, $0xb8;
	[tilespmem:$0x1E800] =	vst v63  }
0x277: {  	_ =	swait.ge [sflag:s6], $0x4000  }
0x278: {  	[sflag:s6] =	ssyncset.done $0x0  }
0x279: {  	[sflag:s6] =	ssyncadd.s32 $0xFFFFC000  }
0x27a: {  	[tilespmem:s7], [sflag:$0x2] =	stream.indirect.gather [hbm4b:s4+s1], $0x80, s1, s1, $0xb8;
	[tilespmem:$0x1E800] =	vst v63  }
0x27b: {  	_ = 	snop  }
0x27c: {  	[spmem:s2] =	stream.indirect.scatter.add.f32 [tilespmem:s0], [sflag:$0x3], $0x80, s31, s8, $0xb8;
	[tilespmem:$0x1E800] =	vst v63  }
0x27d: {  	_ =	swait.ge [sflag:s30], $0x2000  }
0x27e: {  	[sflag:s30] =	ssyncset.done $0x0  }
0x27f: {  	s26 =	rddreg [dreg:$0x5];
	[sflag:s30] =	ssyncadd.s32 $0xFFFFE000  }
0x280: {  	[spmem:s2] =	stream.indirect.scatter.add.f32 [tilespmem:s9], [sflag:$0x3], $0x80, s26, s8, $0xb8;
	[tilespmem:$0x1E800] =	vst v63  }
0x281: {  	_ =	swait.ge [sflag:s30], $0x2000  }
0x282: {  	[sflag:s30] =	ssyncset.done $0x0  }
0x283: {  	[sflag:s30] =	ssyncadd.s32 $0xFFFFE000  }
0x284: {  	_ =	swait.ge [sflag:s10], $0x4000  }
0x285: {  	[sflag:s10] =	ssyncset.done $0x0  }
0x286: {  	s28 =	rddreg [dreg:$0x6];
	[sflag:s10] =	ssyncadd.s32 $0xFFFFC000  }
0x287: {  	[tilespmem:s0], [sflag:$0x1] =	stream.indirect.gather [hbm4b:s4+s1], $0x80, s28, s1, $0xb8;
	[tilespmem:$0x1E800] =	vst v63  }
0x288: {  	s29 =	rddreg [dreg:$0x7]  }
0x289: {  	[spmem:s2] =	stream.indirect.scatter.add.f32 [tilespmem:s7], [sflag:$0x3], $0x80, s29, s8, $0xb8;
	[tilespmem:$0x1E800] =	vst v63  }
0x28a: {  	_ =	swait.ge [sflag:s30], $0x2000  }
0x28b: {  	[sflag:s30] =	ssyncset.done $0x0  }
0x28c: {  	s26 =	rddreg [dreg:$0x8];
	[sflag:s30] =	ssyncadd.s32 $0xFFFFE000  }
0x28d: {  	[spmem:s2] =	stream.indirect.scatter.add.f32 [tilespmem:s11], [sflag:$0x3], $0x80, s26, s8, $0xb8;
	[tilespmem:$0x1E800] =	vst v63  }
0x28e: {  	_ =	swait.ge [sflag:s30], $0x2000  }
0x28f: {  	[sflag:s30] =	ssyncset.done $0x0  }
0x290: {  	[sflag:s30] =	ssyncadd.s32 $0xFFFFE000  }
0x291: {  	_ =	swait.ge [sflag:s6], $0x4000  }
0x292: {  	[sflag:s6] =	ssyncset.done $0x0  }
0x293: {  	s28 =	rddreg [dreg:$0x9];
	[sflag:s6] =	ssyncadd.s32 $0xFFFFC000  }
0x294: {  	[tilespmem:s7], [sflag:$0x2] =	stream.indirect.gather [hbm4b:s4+s1], $0x80, s28, s1, $0xb8;
	[tilespmem:$0x1E800] =	vst v63  }
0x295: {  	s29 =	rddreg [dreg:$0xa]  }
0x296: {  	[spmem:s2] =	stream.indirect.scatter.add.f32 [tilespmem:s0], [sflag:$0x3], $0x80, s29, s8, $0xb8;
	[tilespmem:$0x1E800] =	vst v63  }
0x297: {  	_ =	swait.ge [sflag:s30], $0x2000  }
0x298: {  	[sflag:s30] =	ssyncset.done $0x0  }
0x299: {  	s26 =	rddreg [dreg:$0xb];
	[sflag:s30] =	ssyncadd.s32 $0xFFFFE000  }
0x29a: {  	[spmem:s2] =	stream.indirect.scatter.add.f32 [tilespmem:s9], [sflag:$0x3], $0x80, s26, s8, $0xb8;
	[tilespmem:$0x1E800] =	vst v63  }
0x29b: {  	_ =	swait.ge [sflag:s30], $0x2000  }
0x29c: {  	[sflag:s30] =	ssyncset.done $0x0  }
0x29d: {  	[sflag:s30] =	ssyncadd.s32 $0xFFFFE000  }
0x29e: {  	_ =	swait.ge [sflag:s10], $0x4000  }
0x29f: {  	[sflag:s10] =	ssyncset.done $0x0  }
0x2a0: {  	s28 =	rddreg [dreg:$0xc];
	[sflag:s10] =	ssyncadd.s32 $0xFFFFC000  }
0x2a1: {  	[tilespmem:s0], [sflag:$0x1] =	stream.indirect.gather [hbm4b:s4+s1], $0x80, s28, s1, $0xb8;
	[tilespmem:$0x1E800] =	vst v63  }
0x2a2: {  	s29 =	rddreg [dreg:$0xd]  }
0x2a3: {  	[spmem:s2] =	stream.indirect.scatter.add.f32 [tilespmem:s7], [sflag:$0x3], $0x80, s29, s8, $0xb8;
	[tilespmem:$0x1E800] =	vst v63  }
0x2a4: {  	_ =	swait.ge [sflag:s30], $0x2000  }
0x2a5: {  	[sflag:s30] =	ssyncset.done $0x0  }
0x2a6: {  	s26 =	rddreg [dreg:$0xe];
	[sflag:s30] =	ssyncadd.s32 $0xFFFFE000  }
0x2a7: {  	[spmem:s2] =	stream.indirect.scatter.add.f32 [tilespmem:s11], [sflag:$0x3], $0x80, s26, s8, $0xb8;
	[tilespmem:$0x1E800] =	vst v63  }
0x2a8: {  	_ =	swait.ge [sflag:s30], $0x2000  }
0x2a9: {  	[sflag:s30] =	ssyncset.done $0x0  }
0x2aa: {  	[sflag:s30] =	ssyncadd.s32 $0xFFFFE000  }
0x2ab: {  	_ =	swait.ge [sflag:s6], $0x4000  }
0x2ac: {  	[sflag:s6] =	ssyncset.done $0x0  }
0x2ad: {  	s28 =	rddreg [dreg:$0xf];
	[sflag:s6] =	ssyncadd.s32 $0xFFFFC000  }
0x2ae: {  	[tilespmem:s7], [sflag:$0x2] =	stream.indirect.gather [hbm4b:s4+s1], $0x80, s28, s1, $0xb8;
	[tilespmem:$0x1E800] =	vst v63  }
0x2af: {  	s29 =	rddreg [dreg:$0x10]  }
0x2b0: {  	[spmem:s2] =	stream.indirect.scatter.add.f32 [tilespmem:s0], [sflag:$0x3], $0x80, s29, s8, $0xb8;
	[tilespmem:$0x1E800] =	vst v63  }
0x2b1: {  	_ =	swait.ge [sflag:s30], $0x2000  }
0x2b2: {  	[sflag:s30] =	ssyncset.done $0x0  }
0x2b3: {  	s26 =	rddreg [dreg:$0x11];
	[sflag:s30] =	ssyncadd.s32 $0xFFFFE000  }
0x2b4: {  	[spmem:s2] =	stream.indirect.scatter.add.f32 [tilespmem:s9], [sflag:$0x3], $0x80, s26, s8, $0xb8;
	[tilespmem:$0x1E800] =	vst v63  }
0x2b5: {  	_ =	swait.ge [sflag:s30], $0x2000  }
0x2b6: {  	[sflag:s30] =	ssyncset.done $0x0  }
0x2b7: {  	[sflag:s30] =	ssyncadd.s32 $0xFFFFE000  }
0x2b8: {  	_ =	swait.ge [sflag:s10], $0x4000  }
0x2b9: {  	[sflag:s10] =	ssyncset.done $0x0  }
0x2ba: {  	s28 =	rddreg [dreg:$0x12];
	[sflag:s10] =	ssyncadd.s32 $0xFFFFC000  }
0x2bb: {  	[tilespmem:s0], [sflag:$0x1] =	stream.indirect.gather [hbm4b:s4+s1], $0x80, s28, s1, $0xb8;
	[tilespmem:$0x1E800] =	vst v63  }
0x2bc: {  	s29 =	rddreg [dreg:$0x13]  }
0x2bd: {  	[spmem:s2] =	stream.indirect.scatter.add.f32 [tilespmem:s7], [sflag:$0x3], $0x80, s29, s8, $0xb8;
	[tilespmem:$0x1E800] =	vst v63  }
0x2be: {  	_ =	swait.ge [sflag:s30], $0x2000  }
0x2bf: {  	[sflag:s30] =	ssyncset.done $0x0  }
0x2c0: {  	s26 =	rddreg [dreg:$0x14];
	[sflag:s30] =	ssyncadd.s32 $0xFFFFE000  }
0x2c1: {  	[spmem:s2] =	stream.indirect.scatter.add.f32 [tilespmem:s11], [sflag:$0x3], $0x80, s26, s8, $0xb8;
	[tilespmem:$0x1E800] =	vst v63  }
0x2c2: {  	_ =	swait.ge [sflag:s30], $0x2000  }
0x2c3: {  	[sflag:s30] =	ssyncset.done $0x0  }
0x2c4: {  	[sflag:s30] =	ssyncadd.s32 $0xFFFFE000  }
0x2c5: {  	_ =	swait.ge [sflag:s6], $0x4000  }
0x2c6: {  	[sflag:s6] =	ssyncset.done $0x0  }
0x2c7: {  	s28 =	rddreg [dreg:$0x15];
	[sflag:s6] =	ssyncadd.s32 $0xFFFFC000  }
0x2c8: {  	[tilespmem:s7], [sflag:$0x2] =	stream.indirect.gather [hbm4b:s4+s1], $0x80, s28, s1, $0xb8;
	[tilespmem:$0x1E800] =	vst v63  }
0x2c9: {  	s29 =	rddreg [dreg:$0x16]  }
0x2ca: {  	[spmem:s2] =	stream.indirect.scatter.add.f32 [tilespmem:s0], [sflag:$0x3], $0x80, s29, s8, $0xb8;
	[tilespmem:$0x1E800] =	vst v63  }
0x2cb: {  	_ =	swait.ge [sflag:s30], $0x2000  }
0x2cc: {  	[sflag:s30] =	ssyncset.done $0x0  }
0x2cd: {  	s26 =	rddreg [dreg:$0x17];
	[sflag:s30] =	ssyncadd.s32 $0xFFFFE000  }
0x2ce: {  	[spmem:s2] =	stream.indirect.scatter.add.f32 [tilespmem:s9], [sflag:$0x3], $0x80, s26, s8, $0xb8;
	[tilespmem:$0x1E800] =	vst v63  }
0x2cf: {  	_ =	swait.ge [sflag:s30], $0x2000  }
0x2d0: {  	[sflag:s30] =	ssyncset.done $0x0  }
0x2d1: {  	[sflag:s30] =	ssyncadd.s32 $0xFFFFE000  }
0x2d2: {  	_ =	swait.ge [sflag:s10], $0x4000  }
0x2d3: {  	[sflag:s10] =	ssyncset.done $0x0  }
0x2d4: {  	s28 =	rddreg [dreg:$0x18];
	[sflag:s10] =	ssyncadd.s32 $0xFFFFC000  }
0x2d5: {  	[tilespmem:s0], [sflag:$0x1] =	stream.indirect.gather [hbm4b:s4+s1], $0x80, s28, s1, $0xb8;
	[tilespmem:$0x1E800] =	vst v63  }
0x2d6: {  	s29 =	rddreg [dreg:$0x19]  }
0x2d7: {  	[spmem:s2] =	stream.indirect.scatter.add.f32 [tilespmem:s7], [sflag:$0x3], $0x80, s29, s8, $0xb8;
	[tilespmem:$0x1E800] =	vst v63  }
0x2d8: {  	_ =	swait.ge [sflag:s30], $0x2000  }
0x2d9: {  	[sflag:s30] =	ssyncset.done $0x0  }
0x2da: {  	s26 =	rddreg [dreg:$0x1a];
	[sflag:s30] =	ssyncadd.s32 $0xFFFFE000  }
0x2db: {  	[spmem:s2] =	stream.indirect.scatter.add.f32 [tilespmem:s11], [sflag:$0x3], $0x80, s26, s8, $0xb8;
	[tilespmem:$0x1E800] =	vst v63  }
0x2dc: {  	_ =	swait.ge [sflag:s30], $0x2000  }
0x2dd: {  	[sflag:s30] =	ssyncset.done $0x0  }
0x2de: {  	[sflag:s30] =	ssyncadd.s32 $0xFFFFE000  }
0x2df: {  	_ =	swait.ge [sflag:s6], $0x4000  }
0x2e0: {  	[sflag:s6] =	ssyncset.done $0x0  }
0x2e1: {  	s28 =	rddreg [dreg:$0x1b];
	[sflag:s6] =	ssyncadd.s32 $0xFFFFC000  }
0x2e2: {  	[tilespmem:s7], [sflag:$0x2] =	stream.indirect.gather [hbm4b:s4+s1], $0x80, s28, s1, $0xb8;
	[tilespmem:$0x1E800] =	vst v63  }
0x2e3: {  	s29 =	rddreg [dreg:$0x1c]  }
0x2e4: {  	[spmem:s2] =	stream.indirect.scatter.add.f32 [tilespmem:s0], [sflag:$0x3], $0x80, s29, s8, $0xb8;
	[tilespmem:$0x1E800] =	vst v63  }
0x2e5: {  	_ =	swait.ge [sflag:s30], $0x2000  }
0x2e6: {  	[sflag:s30] =	ssyncset.done $0x0  }
0x2e7: {  	s26 =	rddreg [dreg:$0x1d];
	[sflag:s30] =	ssyncadd.s32 $0xFFFFE000  }
0x2e8: {  	[spmem:s2] =	stream.indirect.scatter.add.f32 [tilespmem:s9], [sflag:$0x3], $0x80, s26, s8, $0xb8;
	[tilespmem:$0x1E800] =	vst v63  }
0x2e9: {  	_ =	swait.ge [sflag:s30], $0x2000  }
0x2ea: {  	[sflag:s30] =	ssyncset.done $0x0  }
0x2eb: {  	[sflag:s30] =	ssyncadd.s32 $0xFFFFE000  }
0x2ec: {  	_ =	swait.ge [sflag:s10], $0x4000  }
0x2ed: {  	[sflag:s10] =	ssyncset.done $0x0  }
0x2ee: {  	s28 =	rddreg [dreg:$0x1e];
	[sflag:s10] =	ssyncadd.s32 $0xFFFFC000  }
0x2ef: {  	[tilespmem:s0], [sflag:$0x1] =	stream.indirect.gather [hbm4b:s4+s1], $0x80, s28, s1, $0xb8;
	[tilespmem:$0x1E800] =	vst v63  }
0x2f0: {  	s29 =	rddreg [dreg:$0x1f]  }
0x2f1: {  	[spmem:s2] =	stream.indirect.scatter.add.f32 [tilespmem:s7], [sflag:$0x3], $0x80, s29, s8, $0xb8;
	[tilespmem:$0x1E800] =	vst v63  }
0x2f2: {  	_ =	swait.ge [sflag:s30], $0x2000  }
0x2f3: {  	s26 =	sld [smem:$0x7F2]  }
0x2f4: {  	[sflag:s30] =	ssyncset.done $0x0  }
0x2f5: {  	[sflag:s30] =	ssyncadd.s32 $0xFFFFE000  }
0x2f6: {  	[spmem:s2] =	stream.indirect.scatter.add.f32 [tilespmem:s11], [sflag:$0x3], $0x80, s26, s8, $0xb8;
	[tilespmem:$0x1E800] =	vst v63  }
0x2f7: {  	_ =	swait.ge [sflag:s30], $0x2000  }
0x2f8: {  	[sflag:s30] =	ssyncset.done $0x0  }
0x2f9: {  	[sflag:s30] =	ssyncadd.s32 $0xFFFFE000  }
0x2fa: {  	_ =	swait.ge [sflag:s6], $0x4000  }
0x2fb: {  	s28 =	sld [smem:$0x7F3]  }
0x2fc: {  	[sflag:s6] =	ssyncset.done $0x0  }
0x2fd: {  	s29 =	sld [smem:$0x7F5];
	[sflag:s6] =	ssyncadd.s32 $0xFFFFC000  }
0x2fe: {  	[tilespmem:s7], [sflag:$0x2] =	stream.indirect.gather [hbm4b:s4+s1], $0x80, s28, s1, $0xb8;
	[tilespmem:$0x1E800] =	vst v63  }
0x2ff: {  	_ = 	snop  }
0x300: {  	[spmem:s2] =	stream.indirect.scatter.add.f32 [tilespmem:s0], [sflag:$0x3], $0x80, s29, s8, $0xb8;
	[tilespmem:$0x1E800] =	vst v63  }
0x301: {  	_ =	swait.ge [sflag:s30], $0x2000  }
0x302: {  	s23 =	sld [smem:$0x7F7]  }
0x303: {  	[sflag:s30] =	ssyncset.done $0x0  }
0x304: {  	[sflag:s30] =	ssyncadd.s32 $0xFFFFE000  }
0x305: {  	[spmem:s2] =	stream.indirect.scatter.add.f32 [tilespmem:s9], [sflag:$0x3], $0x80, s23, s8, $0xb8;
	[tilespmem:$0x1E800] =	vst v63  }
0x306: {  	_ =	swait.ge [sflag:s30], $0x2000  }
0x307: {  	[sflag:s30] =	ssyncset.done $0x0  }
0x308: {  	[sflag:s30] =	ssyncadd.s32 $0xFFFFE000  }
0x309: {  	_ =	swait.ge [sflag:s10], $0x4000  }
0x30a: {  	s26 =	sld [smem:$0x7F9]  }
0x30b: {  	[sflag:s10] =	ssyncset.done $0x0  }
0x30c: {  	[sflag:s10] =	ssyncadd.s32 $0xFFFFC000  }
0x30d: {  	[tilespmem:s0], [sflag:$0x1] =	stream.indirect.gather [hbm4b:s4+s1], $0x80, s26, s1, $0xb8;
	[tilespmem:$0x1E800] =	vst v63  }
0x30e: {  	_ = 	snop  }
0x30f: {  	[spmem:s2] =	stream.indirect.scatter.add.f32 [tilespmem:s7], [sflag:$0x3], $0x80, s12, s8, $0xb8;
	[tilespmem:$0x1E800] =	vst v63  }
0x310: {  	_ =	swait.ge [sflag:s30], $0x2000  }
0x311: {  	[sflag:s30] =	ssyncset.done $0x0  }
0x312: {  	[sflag:s30] =	ssyncadd.s32 $0xFFFFE000  }
0x313: {  	[spmem:s2] =	stream.indirect.scatter.add.f32 [tilespmem:s11], [sflag:$0x3], $0x80, s13, s8, $0xb8;
	[tilespmem:$0x1E800] =	vst v63  }
0x314: {  	_ =	swait.ge [sflag:s30], $0x2000  }
0x315: {  	[sflag:s30] =	ssyncset.done $0x0  }
0x316: {  	[sflag:s30] =	ssyncadd.s32 $0xFFFFE000  }
0x317: {  	_ =	swait.ge [sflag:s6], $0x4000  }
0x318: {  	[sflag:s6] =	ssyncset.done $0x0  }
0x319: {  	[sflag:s6] =	ssyncadd.s32 $0xFFFFC000  }
0x31a: {  	[tilespmem:s7], [sflag:$0x2] =	stream.indirect.gather [hbm4b:s4+s1], $0x80, s14, s1, $0xb8;
	[tilespmem:$0x1E800] =	vst v63  }
0x31b: {  	_ = 	snop  }
0x31c: {  	[spmem:s2] =	stream.indirect.scatter.add.f32 [tilespmem:s0], [sflag:$0x3], $0x80, s15, s8, $0xb8;
	[tilespmem:$0x1E800] =	vst v63  }
0x31d: {  	_ =	swait.ge [sflag:s30], $0x2000  }
0x31e: {  	[sflag:s30] =	ssyncset.done $0x0  }
0x31f: {  	[sflag:s30] =	ssyncadd.s32 $0xFFFFE000  }
0x320: {  	[spmem:s2] =	stream.indirect.scatter.add.f32 [tilespmem:s9], [sflag:$0x3], $0x80, s16, s8, $0xb8;
	[tilespmem:$0x1E800] =	vst v63  }
0x321: {  	_ =	swait.ge [sflag:s30], $0x2000  }
0x322: {  	[sflag:s30] =	ssyncset.done $0x0  }
0x323: {  	[sflag:s30] =	ssyncadd.s32 $0xFFFFE000  }
0x324: {  	_ =	swait.ge [sflag:s10], $0x4000  }
0x325: {  	[sflag:s10] =	ssyncset.done $0x0  }
0x326: {  	[sflag:s10] =	ssyncadd.s32 $0xFFFFC000  }
0x327: {  	[tilespmem:s0], [sflag:$0x1] =	stream.indirect.gather [hbm4b:s4+s1], $0x80, s17, s1, $0xb8;
	[tilespmem:$0x1E800] =	vst v63  }
0x328: {  	_ = 	snop  }
0x329: {  	[spmem:s2] =	stream.indirect.scatter.add.f32 [tilespmem:s7], [sflag:$0x3], $0x80, s18, s8, $0xb8;
	[tilespmem:$0x1E800] =	vst v63  }
0x32a: {  	_ =	swait.ge [sflag:s30], $0x2000  }
0x32b: {  	[sflag:s30] =	ssyncset.done $0x0  }
0x32c: {  	[sflag:s30] =	ssyncadd.s32 $0xFFFFE000  }
0x32d: {  	[spmem:s2] =	stream.indirect.scatter.add.f32 [tilespmem:s11], [sflag:$0x3], $0x80, s19, s8, $0xb8;
	[tilespmem:$0x1E800] =	vst v63  }
0x32e: {  	_ =	swait.ge [sflag:s30], $0x2000  }
0x32f: {  	[sflag:s30] =	ssyncset.done $0x0  }
0x330: {  	[sflag:s30] =	ssyncadd.s32 $0xFFFFE000  }
0x331: {  	_ =	swait.ge [sflag:s6], $0x4000  }
0x332: {  	[sflag:s6] =	ssyncset.done $0x0  }
0x333: {  	[sflag:s6] =	ssyncadd.s32 $0xFFFFC000  }
0x334: {  	[tilespmem:s7], [sflag:$0x2] =	stream.indirect.gather [hbm4b:s4+s1], $0x80, s20, s1, $0xb8;
	[tilespmem:$0x1E800] =	vst v63  }
0x335: {  	_ = 	snop  }
0x336: {  	[spmem:s2] =	stream.indirect.scatter.add.f32 [tilespmem:s0], [sflag:$0x3], $0x80, s21, s8, $0xb8;
	[tilespmem:$0x1E800] =	vst v63  }
0x337: {  	_ =	swait.ge [sflag:s30], $0x2000  }
0x338: {  	[sflag:s30] =	ssyncset.done $0x0  }
0x339: {  	[sflag:s30] =	ssyncadd.s32 $0xFFFFE000  }
0x33a: {  	[spmem:s2] =	stream.indirect.scatter.add.f32 [tilespmem:s9], [sflag:$0x3], $0x80, s22, s8, $0xb8;
	[tilespmem:$0x1E800] =	vst v63  }
0x33b: {  	_ =	swait.ge [sflag:s30], $0x2000  }
0x33c: {  	[sflag:s30] =	ssyncset.done $0x0  }
0x33d: {  	[sflag:s30] =	ssyncadd.s32 $0xFFFFE000  }
0x33e: {  	_ =	swait.ge [sflag:s10], $0x4000  }
0x33f: {  	[sflag:s10] =	ssyncset.done $0x0  }
0x340: {  	[sflag:s10] =	ssyncadd.s32 $0xFFFFC000  }
0x341: {  	[spmem:s2] =	stream.indirect.scatter.add.f32 [tilespmem:s7], [sflag:$0x3], $0x80, s24, s8, $0xb8;
	[tilespmem:$0x1E800] =	vst v63  }
0x342: {  	_ =	swait.ge [sflag:s30], $0x2000  }
0x343: {  	[sflag:s30] =	ssyncset.done $0x0  }
0x344: {  	[sflag:s30] =	ssyncadd.s32 $0xFFFFE000  }
0x345: {  	[spmem:s2] =	stream.indirect.scatter.add.f32 [tilespmem:s11], [sflag:$0x3], $0x80, s25, s8, $0xb8;
	[tilespmem:$0x1E800] =	vst v63  }
0x346: {  	_ =	swait.ge [sflag:s30], $0x2000  }
0x347: {  	[sflag:s30] =	ssyncset.done $0x0  }
0x348: {  	[sflag:s30] =	ssyncadd.s32 $0xFFFFE000  }
0x349: {  	[bflag:$0x0] =	sbarrier.arrive $0xFFFF  }
0x34a: {  	s26 =	sld [smem:$0x7FD]  }
0x34b: {  	s28 =	stileid.u32;
	s29 =	sld [smem:$0x7E2]  }
0x34c: {  	s5 =	sshll.u32 s28, $0x6  }
0x34d: {  	s5 =	sor.u32 $0x1C03, s5;
	s23 =	sshrl.u32 s26, $0x3  }
0x34e: {  	[hbm:s29], [sflag:s5] =	dma.local [spmem:s23], $0x2800  }
0x34f: {  	_ =	swait.ge [sflag:s30], $0x2800  }
0x350: {  	s28 =	sld [smem:$0x7E1]  }
0x351: {  	s29 =	sld [smem:$0x7E3];
	_ =	sdelay $0x1  }
0x352: {  	s23 =	sadd.s32 $0x1, s28  }
0x353: {  	p0 =	sne.s32 s23, s29  }
.Ltmp2:
0x354: {  	_ = 	snop;
	(pc) =	sbr.rel @p0 .LBB2_1-.Ltmp2, $3  }
0x355: {  	_ =	sdelay $0x1  }
0x356: {  	[sflag:s30] =	ssyncset.done $0x0  }
0x357: {  	[sflag:s30] =	ssyncadd.s32 $0xFFFFD800  }
0x358: {  	_ =	sfence.sel $0x180000  }
0x359: {  	[bflag:$0x0] =	sbarrier.arrive $0xFFFF  }
0x35a: {  	_ =	strace $0x9000004A  }
0x35b: {  	s0 =	stileid.u32;
	[bflag:$0x2] =	sbarrier.arrive $0xFFFF  }
0x35c: {  	p0 =	sne.s32 s0, $0x0;
	s0 =	rddreg [dreg:$0x3]  }
0x35d: {  	s0 =	sadd.s32 @!p0 $0x100000, s0  }
0x35e: {  	[sflag:s0] =	ssyncadd.tile.s32 @!p0 $0x1;
	_ =	shalt  }
.Lfunc_end2:
_tile_overlayer_lowered:
.L_overlay_start_2:
0x35f: {  	(tag) =	ssettag $0x2  }
0x360: {  	s0 =	rddreg [dreg:$0x0];
	s2 =	stileid.u32  }
0x361: {  	s1 =	rddreg [dreg:$0x1];
	p0 =	sne.s32 s2, $0x0  }
0x362: {  	s3 =	rddreg [dreg:$0x2];
	[bflag:$0x3] =	sbarrier.arrive $0xFFFF;
	s2 =	simm.s32 @!p0 $0x1C03  }
0x363: {  	[timem:s3], [sflag:s2] =	dma.local @!p0 [hbm:s0], s1  }
0x364: {  	s0 =	simm.s32 @!p0 $0x3  }
0x365: {  	_ =	swait.ge @!p0 [sflag:s0], s1  }
0x366: {  	s1 =	ssub.s32 @!p0 $0x0, s1;
	[sflag:s0] =	ssyncset.done @!p0 $0x0  }
0x367: {  	[sflag:s0] =	ssyncadd.s32 @!p0 s1  }
0x368: {  	[bflag:$0x3] =	sbarrier.arrive $0xFFFF  }
0x369: {  	_ =	shalt  }

// kernel: kernel.15.cloned.1.call-start
scs
__scs_entry_jumppad:
0x0: {  	(pc) =	sbr.rel $0x88, $3  }
0x1: {  	(tag) =	ssettag $0x0;
	lr =	simm.s32 $0x1  }
0x2: {  	[smem:$0x3F9B] =	sst lr;
	_ =	strace $0xD0000000  }
0x3: {  	_ = 	snop  }
0x4: {  	_ = 	snop  }
0x5: {  	_ = 	snop  }
0x6: {  	_ = 	snop  }
0x7: {  	_ = 	snop  }
__scs_overlays_trampoline_lowered:
0x8: {  	[smem:$0x3FAA] =	sst s0  }
0x9: {  	[smem:$0x3FAB] =	sst s1  }
0xa: {  	[smem:$0x3FAC] =	sst s2  }
0xb: {  	[smem:$0x3FAD] =	sst s3  }
0xc: {  	[smem:$0x3FAE] =	sst s4  }
0xd: {  	[smem:$0x3FAF] =	sst s5  }
0xe: {  	[smem:$0x3FB0] =	sst s6  }
0xf: {  	[smem:$0x3FB1] =	sst s7  }
0x10: {  	[smem:$0x3FB2] =	sst s8  }
0x11: {  	[smem:$0x3FB3] =	sst s9;
	s0 =	simm.s32 @!p0 $0x0  }
0x12: {  	s1 =	sld [smem:$0x3F99];
	s0 =	simm.s32 @p0 $0x1  }
0x13: {  	[smem:$0x3FB4] =	sst s0;
	s0 =	simm.s32 @!p1 $0x0  }
0x14: {  	s2 =	sld [smem:$0x3F98];
	s0 =	simm.s32 @p1 $0x1  }
0x15: {  	[smem:$0x3FB5] =	sst s0;
	s0 =	simm.s32 @!p2 $0x0  }
0x16: {  	s3 =	sld [smem:$0x3FDB];
	s0 =	simm.s32 @p2 $0x1  }
0x17: {  	s4 =	simm.s32 $0x1BF5;
	[smem:$0x3FB7] =	sst s0  }
0x18: {  	s0 =	sld [smem:$0x3F9A];
	_ =	swait.ge [sflag:s4], $0x0  }
0x19: {  	s7 =	sld [smem:$0x3F9B]  }
0x1a: {  	s8 =	sadd.s32 $0xFFFFE003, lr  }
0x1b: {  	s9 =	sadd.s32 $0xFFFFFEF7, lr;
	s5 =	simm.s32 $0xFFFFFFFF;
	p2 =	slt.u32 s8, $0xFFFFF086  }
0x1c: {  	p1 =	slt.u32 s9, $0xF7A;
	s5 =	simm.s32 @!p2 $0x0  }
0x1d: {  	s5 =	simm.s32 @p1 $0x1;
	p0 =	seq.s32 s7, s2  }
0x1e: {  	s7 =	smul.u32 @!p0 $0xF7A, s2;
	p2 =	seq.s32 @!p0 s5, $0x0  }
0x1f: {  	s9 =	smul.u32 $0xF7A, s1;
	s8 =	simm.s32 @!p0 $0x1BF5;
	p2 =	por !p2, p0  }
0x20: {  	[sflag:s8] =	ssyncset.s32 @!p0 $0xFFFFF086;
	s6 =	sadd.s32 @!p0 s3, s7;
	s7 =	simm.s32 @!p0 $0x108  }
0x21: {  	s3 =	sadd.s32 s3, s9;
	s6 =	sadd.s32 @!p0 $0x88, s6;
	s7 =	simm.s32 @p2 $0x1082  }
0x22: {  	[simem:s7], [sflag:s8] =	dma.local @!p0 [hbm:s6], $0xF7A  }
0x23: {  	s9 =	sor.u32 $0xD0000000, s2;
	s6 =	simm.s32 $0x108;
	_ =	swait.ge @!p0 [sflag:s8], $0x0  }
0x24: {  	s3 =	sadd.s32 $0x88, s3;
	s6 =	simm.s32 @!p1 $0x1082;
	[sflag:s4] =	ssyncset.s32 $0xFFFFF086  }
0x25: {  	[simem:s6], [sflag:s4] =	dma.local [hbm:s3], $0xF7A  }
0x26: {  	[smem:$0x3F9B] =	sst s1;
	(tag) =	ssettag s2;
	_ =	strace s9  }
0x27: {  	s1 =	sld [smem:$0x3FAB]  }
0x28: {  	s2 =	sld [smem:$0x3FAC]  }
0x29: {  	s4 =	sld [smem:$0x3FAE]  }
0x2a: {  	p0 =	seq.s32 s5, $0x0;
	s5 =	sld [smem:$0x3FAF]  }
0x2b: {  	s6 =	sld [smem:$0x3FB0]  }
0x2c: {  	s7 =	sld [smem:$0x3FB1]  }
0x2d: {  	s3 =	simm.s32 $0x108;
	s8 =	sld [smem:$0x3FB2]  }
0x2e: {  	s3 =	simm.s32 @!p0 $0x1082;
	s9 =	sld [smem:$0x3FB3]  }
0x2f: {  	lr =	sadd.s32 s0, s3;
	s0 =	sld [smem:$0x3FAA]  }
0x30: {  	s3 =	sld [smem:$0x3FAD]  }
0x31: {  	[smem:$0x3FB6] =	sst s10  }
0x32: {  	s10 =	sld [smem:$0x3FB4];
	_ =	sdelay $0x3  }
0x33: {  	p0 =	seq.s32 s10, $0x1;
	s10 =	sld [smem:$0x3FB6];
	_ =	sdelay $0x3  }
0x34: {  	[smem:$0x3FB6] =	sst s10  }
0x35: {  	s10 =	sld [smem:$0x3FB5];
	_ =	sdelay $0x3  }
0x36: {  	p1 =	seq.s32 s10, $0x1;
	s10 =	sld [smem:$0x3FB6];
	_ =	sdelay $0x3  }
0x37: {  	[smem:$0x3FB6] =	sst s10  }
0x38: {  	s10 =	sld [smem:$0x3FB7]  }
0x39: {  	_ = 	snop;
	(pc) =	sbr.ind lr, $3  }
0x3a: {  	_ = 	snop  }
0x3b: {  	_ = 	snop  }
0x3c: {  	p2 =	seq.s32 s10, $0x1;
	s10 =	sld [smem:$0x3FB6]  }
0x3d: {  	_ =	shalt  }
0x3e: {  	_ =	shalt  }
0x3f: {  	_ =	shalt  }
0x40: {  	_ =	shalt  }
0x41: {  	_ =	shalt  }
0x42: {  	_ =	shalt  }
0x43: {  	_ =	shalt  }
0x44: {  	_ =	shalt  }
0x45: {  	_ =	shalt  }
0x46: {  	_ =	shalt  }
0x47: {  	_ =	shalt  }
0x48: {  	_ =	shalt  }
0x49: {  	_ =	shalt  }
0x4a: {  	_ =	shalt  }
0x4b: {  	_ =	shalt  }
0x4c: {  	_ =	shalt  }
0x4d: {  	_ =	shalt  }
0x4e: {  	_ =	shalt  }
0x4f: {  	_ =	shalt  }
0x50: {  	_ =	shalt  }
0x51: {  	_ =	shalt  }
0x52: {  	_ =	shalt  }
0x53: {  	_ =	shalt  }
0x54: {  	_ =	shalt  }
0x55: {  	_ =	shalt  }
0x56: {  	_ =	shalt  }
0x57: {  	_ =	shalt  }
0x58: {  	_ =	shalt  }
0x59: {  	_ =	shalt  }
0x5a: {  	_ =	shalt  }
0x5b: {  	_ =	shalt  }
0x5c: {  	_ =	shalt  }
0x5d: {  	_ =	shalt  }
0x5e: {  	_ =	shalt  }
0x5f: {  	_ =	shalt  }
0x60: {  	_ =	shalt  }
0x61: {  	_ =	shalt  }
0x62: {  	_ =	shalt  }
0x63: {  	_ =	shalt  }
0x64: {  	_ =	shalt  }
0x65: {  	_ =	shalt  }
0x66: {  	_ =	shalt  }
0x67: {  	_ =	shalt  }
0x68: {  	_ =	shalt  }
0x69: {  	_ =	shalt  }
0x6a: {  	_ =	shalt  }
0x6b: {  	_ =	shalt  }
0x6c: {  	_ =	shalt  }
0x6d: {  	_ =	shalt  }
0x6e: {  	_ =	shalt  }
0x6f: {  	_ =	shalt  }
0x70: {  	_ =	shalt  }
0x71: {  	_ =	shalt  }
0x72: {  	_ =	shalt  }
0x73: {  	_ =	shalt  }
0x74: {  	_ =	shalt  }
0x75: {  	_ =	shalt  }
0x76: {  	_ =	shalt  }
0x77: {  	_ =	shalt  }
0x78: {  	_ =	shalt  }
0x79: {  	_ =	shalt  }
0x7a: {  	_ =	shalt  }
0x7b: {  	_ =	shalt  }
0x7c: {  	_ =	shalt  }
0x7d: {  	_ =	shalt  }
0x7e: {  	_ =	shalt  }
0x7f: {  	_ =	shalt  }
0x80: {  	_ =	shalt  }
0x81: {  	_ =	shalt  }
0x82: {  	_ =	shalt  }
0x83: {  	_ =	shalt  }
0x84: {  	_ =	shalt  }
0x85: {  	_ =	shalt  }
0x86: {  	_ =	shalt  }
0x87: {  	_ =	shalt  }
.Lfunc_end0:
.L_simem_size_0:
called_computation.2_lowered:
.L_overlay_start_0:
0x88: {  	s2 =	sld [smem:$0x3FD9]  }
0x89: {  	s3 =	sld [smem:$0x3FFE];
	_ =	sdelay $0x1  }
0x8a: {  	s1 =	srdreg.scid  }
0x8b: {  	s0 =	sand.u32 $0x1, s1  }
0x8c: {  	s17 =	sshll.u32 s0, $0xA;
	s2 =	sadd.s32 s3, s2  }
0x8d: {  	s2 =	sadd.s32 s2, s17  }
0x8e: {  	[smem:$0x3FC2] =	sst s2  }
0x8f: {  	_ = 	snop  }
0x90: {  	s2 =	sld [smem:$0x3FD0];
	(tm) =	ssettm $0x1  }
0x91: {  	s18 =	sld [smem:$0x3FFB];
	_ =	sdelay $0x3  }
0x92: {  	_ =	strace s18  }
0x93: {  	s3 =	sld [smem:$0x3FFC];
	_ =	sdelay $0x3  }
0x94: {  	_ =	strace s3  }
0x95: {  	s3 =	sld [smem:$0x3FFD];
	_ =	sdelay $0x3  }
0x96: {  	_ =	strace s3  }
0x97: {  	_ =	strace $0x8FFFFFFF  }
0x98: {  	s19 =	sld [smem:$0x3FDB];
	_ =	sdelay $0x1  }
0x99: {  	s4 =	simm.s32 $_scs_section_size  }
0x9a: {  	s5 =	simm.s32 $_size__tile_overlayer_lowered;
	s6 =	simm.s32 $_tile_overlayer_lowered  }
0x9b: {  	s22 =	simm.s32 $0x1BFF;
	s21 =	sshll.u32 s6, $0x1;
	s3 =	sadd.s32 s4, s19  }
0x9c: {  	s7 =	simm.s32 $0x0;
	s20 =	sshll.u32 s5, $0x1;
	s5 =	sadd.s32 s21, s3  }
0x9d: {  	[timem:s7], [sflag:s22] =	dma.local [hbm:s5], s20  }
0x9e: {  	_ =	swait.ge [sflag:s22], s20  }
0x9f: {  	s4 =	ssub.s32 $0x0, s20;
	[sflag:s22] =	ssyncset.done $0x0  }
0xa0: {  	[sflag:s22] =	ssyncadd.s32 s4;
	_ =	sdelay $0x1  }
0xa1: {  	s23 =	simm.s32 $0x1B8B  }
0xa2: {  	_ =	swait.ge [sflag:s23], $0x1  }
0xa3: {  	[sflag:s23] =	ssyncset.done $0x0  }
0xa4: {  	s25 =	simm.s32 $0x1B8E;
	s24 =	sld [smem:$0x3FFE];
	[sflag:s23] =	ssyncadd.s32 $0xFFFFFFFF  }
0xa5: {  	s26 =	simm.s32 $execute0_lowered;
	[smem:$0x3FD2] =	sst s25  }
0xa6: {  	s5 =	sshll.u32 s26, $0x1;
	_ =	strace $0x8000004C;
	[dreg:$0x1] =	wrdreg $0xFFFFFFFF  }
0xa7: {  	s28 =	simm.s32 $_size_execute0_lowered;
	s3 =	sadd.s32 s3, s5;
	[dreg:$0x0] =	wrdreg $0x0  }
0xa8: {  	s5 =	sshll.u32 s28, $0x1;
	[dreg:$0x2] =	wrdreg s3  }
0xa9: {  	[dreg:$0x3] =	wrdreg s5  }
0xaa: {  	[dreg:$0x4] =	wrdreg $0xC0  }
0xab: {  	_ =	task [dreg:s7], $0x5FFFF  }
0xac: {  	[dreg:$0x1] =	wrdreg $0xFFFFFFFF  }
0xad: {  	[dreg:$0x0] =	wrdreg $0x60  }
0xae: {  	[dreg:$0x2] =	wrdreg s24  }
0xaf: {  	[dreg:$0x3] =	wrdreg s2  }
0xb0: {  	[dreg:$0x4] =	wrdreg $0xA8000  }
0xb1: {  	[dreg:$0x5] =	wrdreg $0x9  }
0xb2: {  	_ =	task.clear_ibuf [dreg:s7], $0x6FFFF;
	_ =	strace $0x9000004C  }
0xb3: {  	s29 =	simm.s32 $0x9;
	_ =	strace $0x8000004E  }
0xb4: {  	_ =	swait.ge [sflag:s29], $0x1  }
0xb5: {  	[sflag:s29] =	ssyncadd.s32 $0xFFFFFFFF  }
0xb6: {  	_ =	strace $0x9000004E  }
0xb7: {  	_ =	sfence  }
0xb8: {  	s30 =	sld [smem:$0x0];
	_ =	sdelay $0x2  }
0xb9: {  	s31 =	sshll.u32 s1, $0xD;
	s1 =	sshrl.u32 s1, $0x2  }
0xba: {  	s3 =	sand.u32 $0x4000, s31;
	s1 =	sadd.s32 s1, s30  }
0xbb: {  	s0 =	sor.u32 s3, s0;
	s1 =	sshll.u32 s1, $0x11  }
0xbc: {  	s0 =	sor.u32 s1, s0  }
0xbd: {  	s0 =	sadd.s32 $0x8F2B, s0  }
0xbe: {  	[sflag:s0] =	ssyncadd.remote.s32 $0x1  }
0xbf: {  	_ =	sfence.sel $0xFFFF  }
0xc0: {  	[dreg:$0x0] =	wrdreg $0xFFFFFFFF;
	(pc) =	sbr.abs _section_cstart, $3  }
0xc1: {  	[dreg:$0x1] =	wrdreg $0xFFFFFFFF  }
0xc2: {  	_ =	task.clear_ibuf [dreg:s7], $0x2FFFF;
	_ =	strace $0x9FFFFFFF  }
0xc3: {  	(tm) =	ssettm $0x7FFFFFFF  }
tec
execute0_lowered:
.L_overlay_start_1:
0x0: {  	(tag) =	ssettag $0x1  }
0x1: {  	s5 =	rddreg [dreg:$0x0]  }
0x2: {  	s1 =	rddreg [dreg:$0x1]  }
0x3: {  	s2 =	rddreg [dreg:$0x2];
	s3 =	simm.s32 $0x0  }
0x4: {  	s13 =	simm.s32 $0x880;
	[smem:$0x7FF] =	sst s3  }
0x5: {  	s8 =	simm.s32 $0x100;
	_ =	strace $0x8000004D;
	[dreg:$0x5] =	wrdreg s13  }
0x6: {  	s14 =	simm.s32 $0x900;
	[dreg:$0x6] =	wrdreg s8  }
0x7: {  	s15 =	simm.s32 $0x980;
	[dreg:$0x7] =	wrdreg s14  }
0x8: {  	s16 =	simm.s32 $0x180;
	[dreg:$0x8] =	wrdreg s15  }
0x9: {  	s18 =	simm.s32 $0xA00;
	[dreg:$0x9] =	wrdreg s16  }
0xa: {  	s20 =	simm.s32 $0xA80;
	[dreg:$0xa] =	wrdreg s18  }
0xb: {  	s21 =	simm.s32 $0x200;
	[dreg:$0xb] =	wrdreg s20  }
0xc: {  	s22 =	simm.s32 $0xB00;
	[dreg:$0xc] =	wrdreg s21  }
0xd: {  	s24 =	simm.s32 $0xB80;
	[dreg:$0xd] =	wrdreg s22  }
0xe: {  	s25 =	simm.s32 $0x280;
	[dreg:$0xe] =	wrdreg s24  }
0xf: {  	s28 =	simm.s32 $0xC00;
	[dreg:$0xf] =	wrdreg s25  }
0x10: {  	[dreg:$0x10] =	wrdreg s28;
	s14 =	simm.s32 $0xD80  }
0x11: {  	s16 =	simm.s32 $0x380;
	[dreg:$0x14] =	wrdreg s14  }
0x12: {  	s10 =	stileid.u32;
	s18 =	simm.s32 $0xE00;
	[dreg:$0x15] =	wrdreg s16  }
0x13: {  	s0 =	srdreg.scid;
	s20 =	simm.s32 $0xE80;
	[dreg:$0x16] =	wrdreg s18  }
0x14: {  	s4 =	smul.u32 $0xA00, s10;
	s22 =	simm.s32 $0x400;
	[dreg:$0x17] =	wrdreg s20  }
0x15: {  	s9 =	smul.u32 $0x50000, s10;
	s24 =	simm.s32 $0xF00;
	[dreg:$0x18] =	wrdreg s22  }
0x16: {  	s0 =	sand.u32 $0x1, s0;
	s28 =	simm.s32 $0xF80;
	[dreg:$0x19] =	wrdreg s24  }
0x17: {  	s23 =	sshrl.u32 s9, $0x2;
	s9 =	simm.s32 $0x300;
	[dreg:$0x1a] =	wrdreg s28  }
0x18: {  	s12 =	smul.u32 $0x2800, s10;
	s14 =	simm.s32 $0x500;
	[dreg:$0x12] =	wrdreg s9  }
0x19: {  	s6 =	smul.u32 $0x500, s0;
	s16 =	simm.s32 $0x1100;
	[dreg:$0x1e] =	wrdreg s14  }
0x1a: {  	s7 =	smul.u32 $0x28000, s0;
	s18 =	simm.s32 $0x1180;
	[dreg:$0x1f] =	wrdreg s16  }
0x1b: {  	s4 =	sadd.s32 s4, s5;
	s20 =	simm.s32 $0x1200;
	[smem:$0x7F2] =	sst s18  }
0x1c: {  	s22 =	simm.s32 $0x1280;
	s4 =	sadd.s32 s6, s4;
	[smem:$0x7F5] =	sst s20  }
0x1d: {  	s6 =	sadd.s32 s12, s7;
	s12 =	simm.s32 $0xD00;
	[smem:$0x7F7] =	sst s22  }
0x1e: {  	s17 =	ssub.s32 $0x2, s0;
	s9 =	simm.s32 $0x1000;
	[dreg:$0x13] =	wrdreg s12  }
0x1f: {  	s19 =	sshrl.u32 s17, $0x1;
	s26 =	sadd.s32 s23, s2;
	[dreg:$0x1c] =	wrdreg s9  }
0x20: {  	s7 =	ssub.s32 s17, s19;
	s4 =	sadd.s32 $0x52A00, s4;
	[smem:$0x7FD] =	sst s26  }
0x21: {  	s29 =	smax.u32 s7, $0x1;
	[dreg:$0x4] =	wrdreg s4  }
0x22: {  	s8 =	sadd.s32 $0x1000, s26;
	[smem:$0x7E3] =	sst s29  }
0x23: {  	s7 =	simm.s32 $0xC80;
	[smem:$0x7E4] =	sst s8  }
0x24: {  	s11 =	sadd.s32 $0x2000, s26;
	[dreg:$0x11] =	wrdreg s7  }
0x25: {  	s13 =	sadd.s32 $0x3000, s26;
	[smem:$0x7E5] =	sst s11  }
0x26: {  	s15 =	sadd.s32 $0x4000, s26;
	[smem:$0x7E6] =	sst s13  }
0x27: {  	s17 =	sadd.s32 $0x5000, s26;
	[smem:$0x7E7] =	sst s15  }
0x28: {  	s19 =	sadd.s32 $0x6000, s26;
	[smem:$0x7E8] =	sst s17  }
0x29: {  	s21 =	sadd.s32 $0x7000, s26;
	[smem:$0x7E9] =	sst s19  }
0x2a: {  	s30 =	simm.s32 $0x3;
	s23 =	sadd.s32 $0x8000, s26;
	[smem:$0x7EA] =	sst s21  }
0x2b: {  	s31 =	simm.s32 $0x800;
	s25 =	sadd.s32 $0x9000, s26;
	[smem:$0x7EB] =	sst s23  }
0x2c: {  	s0 =	smul.u32 $0xA00, s0;
	s12 =	simm.s32 $0x1080;
	[smem:$0x7EC] =	sst s25  }
0x2d: {  	s14 =	simm.s32 $0x680;
	s24 =	sadd.s32 $0x10000, s26;
	[dreg:$0x1d] =	wrdreg s12  }
0x2e: {  	s16 =	simm.s32 $0x1480;
	s28 =	sadd.s32 $0x12000, s26;
	[smem:$0x7F8] =	sst s24  }
0x2f: {  	s18 =	simm.s32 $0x1500;
	s29 =	sadd.s32 $0xA000, s26;
	[smem:$0x7FB] =	sst s28  }
0x30: {  	s20 =	simm.s32 $0x780;
	s8 =	sadd.s32 $0xB000, s26;
	[smem:$0x7ED] =	sst s29  }
0x31: {  	s22 =	simm.s32 $0x1680;
	s7 =	simm.s32 $0x480;
	[smem:$0x7EE] =	sst s8  }
0x32: {  	s9 =	simm.s32 $0x3800;
	s11 =	sadd.s32 $0xC000, s26;
	[dreg:$0x1b] =	wrdreg s7  }
0x33: {  	s4 =	sadd.s32 $0x2A00, s5;
	s13 =	sadd.s32 $0xD000, s26;
	[smem:$0x7EF] =	sst s11  }
0x34: {  	s5 =	sadd.s32 s6, s5;
	s17 =	sadd.s32 $0xE000, s26;
	[smem:$0x7F0] =	sst s13  }
0x35: {  	s15 =	smul.u32 $0x1400, s10;
	s19 =	simm.s32 $0x580;
	[smem:$0x7F1] =	sst s17  }
0x36: {  	s21 =	sadd.s32 $0xF000, s26;
	s23 =	simm.s32 $0x600;
	[smem:$0x7F3] =	sst s19  }
0x37: {  	s25 =	sadd.s32 $0x11000, s26;
	s6 =	simm.s32 $0x1;
	[smem:$0x7F4] =	sst s21  }
0x38: {  	s10 =	simm.s32 $0x2;
	s12 =	simm.s32 $0x1300;
	[smem:$0x7F9] =	sst s23  }
0x39: {  	s24 =	simm.s32 $0x1700;
	s5 =	sadd.s32 $0x5CA00, s5;
	[smem:$0x7FA] =	sst s25  }
0x3a: {  	s29 =	sadd.s32 $0x13000, s26;
	s7 =	simm.s32 $0x5800;
	s8 =	simm.s32 $0x40  }
0x3b: {  	s11 =	simm.s32 $0x7800;
	s13 =	simm.s32 $0x1380;
	s17 =	simm.s32 $0x700  }
0x3c: {  	s19 =	simm.s32 $0x1580;
	s21 =	simm.s32 $0x1600;
	s25 =	simm.s32 $0x1780  }
0x3d: {  	s23 =	simm.s32 $0x0;
	[smem:$0x7E2] =	sst s5;
	s1 =	sadd.s32 s15, s1  }
0x3e: {  	[smem:$0x7FC] =	sst s29;
	s15 =	simm.s32 $0x1400;
	s0 =	sadd.s32 s0, s1  }
0x3f: {  	v0 =	vimm.f32 $0.0e+00;
	s1 =	simm.s32 $0x80;
	[smem:$0x7F6] =	sst s0;
	s0 =	simm.s32 $0x1800  }
.LBB2_1:
0x40: {  	[smem:$0x7E1] =	sst s23;
	s5 =	simm.s32 $0x0;
	s23 =	simm.s32 $0x200  }
.LBB2_2:
0x41: {  	p0 =	sne.s32 s23, $0x3E00;
	[tilespmem:s5+$0x9870] =	vst v0  }
0x42: {  	[tilespmem:s5+$0x9800] =	vst v0  }
0x43: {  	[tilespmem:s5+$0x9810] =	vst v0  }
.Ltmp0:
0x44: {  	[tilespmem:s5+$0x9820] =	vst v0;
	(pc) =	sbr.rel @p0 .LBB2_2-.Ltmp0, $4  }
0x45: {  	[tilespmem:s5+$0x9830] =	vst v0  }
0x46: {  	[tilespmem:s5+$0x9840] =	vst v0  }
0x47: {  	[tilespmem:s5+$0x9850] =	vst v0  }
0x48: {  	[tilespmem:s5+$0x9860] =	vst v0;
	s5 =	sshra.s32 s23, $0x2;
	s23 =	sadd.s32 $0x200, s23  }
0x49: {  	[tilespmem:s5+$0x9870] =	vst v0  }
0x4a: {  	[tilespmem:s5+$0x9800] =	vst v0  }
0x4b: {  	[tilespmem:s5+$0x9810] =	vst v0  }
0x4c: {  	[tilespmem:s5+$0x9820] =	vst v0  }
0x4d: {  	[tilespmem:s5+$0x9830] =	vst v0  }
0x4e: {  	[tilespmem:s5+$0x9840] =	vst v0  }
0x4f: {  	[tilespmem:s5+$0x9850] =	vst v0  }
0x50: {  	[tilespmem:s5+$0x9860] =	vst v0;
	s23 =	simm.s32 $0x9800  }
0x51: {  	[spmem:s26] =	stream.linear.scatter [tilespmem:s23], [sflag:$0x3], $0x1000, $0x38;
	[tilespmem:$0x1E800] =	vst v63  }
0x52: {  	_ =	swait.ge [sflag:s30], $0x1000  }
0x53: {  	s29 =	sld [smem:$0x7E4]  }
0x54: {  	[sflag:s30] =	ssyncset.done $0x0  }
0x55: {  	[sflag:s30] =	ssyncadd.s32 $0xFFFFF000  }
0x56: {  	[spmem:s29] =	stream.linear.scatter [tilespmem:s23], [sflag:$0x3], $0x1000, $0x38;
	[tilespmem:$0x1E800] =	vst v63  }
0x57: {  	_ =	swait.ge [sflag:s30], $0x1000  }
0x58: {  	s26 =	sld [smem:$0x7E5]  }
0x59: {  	[sflag:s30] =	ssyncset.done $0x0  }
0x5a: {  	[sflag:s30] =	ssyncadd.s32 $0xFFFFF000  }
0x5b: {  	[spmem:s26] =	stream.linear.scatter [tilespmem:s23], [sflag:$0x3], $0x1000, $0x38;
	[tilespmem:$0x1E800] =	vst v63  }
0x5c: {  	_ =	swait.ge [sflag:s30], $0x1000  }
0x5d: {  	s29 =	sld [smem:$0x7E6]  }
0x5e: {  	[sflag:s30] =	ssyncset.done $0x0  }
0x5f: {  	[sflag:s30] =	ssyncadd.s32 $0xFFFFF000  }
0x60: {  	[spmem:s29] =	stream.linear.scatter [tilespmem:s23], [sflag:$0x3], $0x1000, $0x38;
	[tilespmem:$0x1E800] =	vst v63  }
0x61: {  	_ =	swait.ge [sflag:s30], $0x1000  }
0x62: {  	s26 =	sld [smem:$0x7E7]  }
0x63: {  	[sflag:s30] =	ssyncset.done $0x0  }
0x64: {  	[sflag:s30] =	ssyncadd.s32 $0xFFFFF000  }
0x65: {  	[spmem:s26] =	stream.linear.scatter [tilespmem:s23], [sflag:$0x3], $0x1000, $0x38;
	[tilespmem:$0x1E800] =	vst v63  }
0x66: {  	_ =	swait.ge [sflag:s30], $0x1000  }
0x67: {  	s29 =	sld [smem:$0x7E8]  }
0x68: {  	[sflag:s30] =	ssyncset.done $0x0  }
0x69: {  	[sflag:s30] =	ssyncadd.s32 $0xFFFFF000  }
0x6a: {  	[spmem:s29] =	stream.linear.scatter [tilespmem:s23], [sflag:$0x3], $0x1000, $0x38;
	[tilespmem:$0x1E800] =	vst v63  }
0x6b: {  	_ =	swait.ge [sflag:s30], $0x1000  }
0x6c: {  	s26 =	sld [smem:$0x7E9]  }
0x6d: {  	[sflag:s30] =	ssyncset.done $0x0  }
0x6e: {  	[sflag:s30] =	ssyncadd.s32 $0xFFFFF000  }
0x6f: {  	[spmem:s26] =	stream.linear.scatter [tilespmem:s23], [sflag:$0x3], $0x1000, $0x38;
	[tilespmem:$0x1E800] =	vst v63  }
0x70: {  	_ =	swait.ge [sflag:s30], $0x1000  }
0x71: {  	s29 =	sld [smem:$0x7EA]  }
0x72: {  	[sflag:s30] =	ssyncset.done $0x0  }
0x73: {  	[sflag:s30] =	ssyncadd.s32 $0xFFFFF000  }
0x74: {  	[spmem:s29] =	stream.linear.scatter [tilespmem:s23], [sflag:$0x3], $0x1000, $0x38;
	[tilespmem:$0x1E800] =	vst v63  }
0x75: {  	_ =	swait.ge [sflag:s30], $0x1000  }
0x76: {  	s26 =	sld [smem:$0x7EB]  }
0x77: {  	[sflag:s30] =	ssyncset.done $0x0  }
0x78: {  	[sflag:s30] =	ssyncadd.s32 $0xFFFFF000  }
0x79: {  	[spmem:s26] =	stream.linear.scatter [tilespmem:s23], [sflag:$0x3], $0x1000, $0x38;
	[tilespmem:$0x1E800] =	vst v63  }
0x7a: {  	_ =	swait.ge [sflag:s30], $0x1000  }
0x7b: {  	s29 =	sld [smem:$0x7EC]  }
0x7c: {  	[sflag:s30] =	ssyncset.done $0x0  }
0x7d: {  	[sflag:s30] =	ssyncadd.s32 $0xFFFFF000  }
0x7e: {  	[spmem:s29] =	stream.linear.scatter [tilespmem:s23], [sflag:$0x3], $0x1000, $0x38;
	[tilespmem:$0x1E800] =	vst v63  }
0x7f: {  	_ =	swait.ge [sflag:s30], $0x1000  }
0x80: {  	s26 =	sld [smem:$0x7ED]  }
0x81: {  	[sflag:s30] =	ssyncset.done $0x0  }
0x82: {  	[sflag:s30] =	ssyncadd.s32 $0xFFFFF000  }
0x83: {  	[spmem:s26] =	stream.linear.scatter [tilespmem:s23], [sflag:$0x3], $0x1000, $0x38;
	[tilespmem:$0x1E800] =	vst v63  }
0x84: {  	_ =	swait.ge [sflag:s30], $0x1000  }
0x85: {  	s29 =	sld [smem:$0x7EE]  }
0x86: {  	[sflag:s30] =	ssyncset.done $0x0  }
0x87: {  	[sflag:s30] =	ssyncadd.s32 $0xFFFFF000  }
0x88: {  	[spmem:s29] =	stream.linear.scatter [tilespmem:s23], [sflag:$0x3], $0x1000, $0x38;
	[tilespmem:$0x1E800] =	vst v63  }
0x89: {  	_ =	swait.ge [sflag:s30], $0x1000  }
0x8a: {  	s26 =	sld [smem:$0x7EF]  }
0x8b: {  	[sflag:s30] =	ssyncset.done $0x0  }
0x8c: {  	[sflag:s30] =	ssyncadd.s32 $0xFFFFF000  }
0x8d: {  	[spmem:s26] =	stream.linear.scatter [tilespmem:s23], [sflag:$0x3], $0x1000, $0x38;
	[tilespmem:$0x1E800] =	vst v63  }
0x8e: {  	_ =	swait.ge [sflag:s30], $0x1000  }
0x8f: {  	s29 =	sld [smem:$0x7F0]  }
0x90: {  	[sflag:s30] =	ssyncset.done $0x0  }
0x91: {  	[sflag:s30] =	ssyncadd.s32 $0xFFFFF000  }
0x92: {  	[spmem:s29] =	stream.linear.scatter [tilespmem:s23], [sflag:$0x3], $0x1000, $0x38;
	[tilespmem:$0x1E800] =	vst v63  }
0x93: {  	_ =	swait.ge [sflag:s30], $0x1000  }
0x94: {  	s26 =	sld [smem:$0x7F1]  }
0x95: {  	[sflag:s30] =	ssyncset.done $0x0  }
0x96: {  	[sflag:s30] =	ssyncadd.s32 $0xFFFFF000  }
0x97: {  	[spmem:s26] =	stream.linear.scatter [tilespmem:s23], [sflag:$0x3], $0x1000, $0x38;
	[tilespmem:$0x1E800] =	vst v63  }
0x98: {  	_ =	swait.ge [sflag:s30], $0x1000  }
0x99: {  	s29 =	sld [smem:$0x7F4]  }
0x9a: {  	[sflag:s30] =	ssyncset.done $0x0  }
0x9b: {  	[sflag:s30] =	ssyncadd.s32 $0xFFFFF000  }
0x9c: {  	[spmem:s29] =	stream.linear.scatter [tilespmem:s23], [sflag:$0x3], $0x1000, $0x38;
	[tilespmem:$0x1E800] =	vst v63  }
0x9d: {  	_ =	swait.ge [sflag:s30], $0x1000  }
0x9e: {  	s26 =	sld [smem:$0x7F8]  }
0x9f: {  	[sflag:s30] =	ssyncset.done $0x0  }
0xa0: {  	[sflag:s30] =	ssyncadd.s32 $0xFFFFF000  }
0xa1: {  	[spmem:s26] =	stream.linear.scatter [tilespmem:s23], [sflag:$0x3], $0x1000, $0x38;
	[tilespmem:$0x1E800] =	vst v63  }
0xa2: {  	_ =	swait.ge [sflag:s30], $0x1000  }
0xa3: {  	s29 =	sld [smem:$0x7FA]  }
0xa4: {  	[sflag:s30] =	ssyncset.done $0x0  }
0xa5: {  	[sflag:s30] =	ssyncadd.s32 $0xFFFFF000  }
0xa6: {  	[spmem:s29] =	stream.linear.scatter [tilespmem:s23], [sflag:$0x3], $0x1000, $0x38;
	[tilespmem:$0x1E800] =	vst v63  }
0xa7: {  	_ =	swait.ge [sflag:s30], $0x1000  }
0xa8: {  	s26 =	sld [smem:$0x7FB]  }
0xa9: {  	[sflag:s30] =	ssyncset.done $0x0  }
0xaa: {  	[sflag:s30] =	ssyncadd.s32 $0xFFFFF000  }
0xab: {  	[spmem:s26] =	stream.linear.scatter [tilespmem:s23], [sflag:$0x3], $0x1000, $0x38;
	[tilespmem:$0x1E800] =	vst v63  }
0xac: {  	_ =	swait.ge [sflag:s30], $0x1000  }
0xad: {  	s29 =	sld [smem:$0x7FC]  }
0xae: {  	[sflag:s30] =	ssyncset.done $0x0  }
0xaf: {  	[sflag:s30] =	ssyncadd.s32 $0xFFFFF000  }
0xb0: {  	[spmem:s29] =	stream.linear.scatter [tilespmem:s23], [sflag:$0x3], $0x1000, $0x38;
	[tilespmem:$0x1E800] =	vst v63  }
0xb1: {  	_ =	swait.ge [sflag:s30], $0x1000  }
0xb2: {  	[sflag:s30] =	ssyncset.done $0x0  }
0xb3: {  	[sflag:s30] =	ssyncadd.s32 $0xFFFFF000  }
0xb4: {  	[bflag:$0x0] =	sbarrier.arrive $0xFFFF  }
0xb5: {  	s23 =	rddreg [dreg:$0x4]  }
0xb6: {  	s5 =	sadd.s32 $0x0, s23  }
0xb7: {  	[tilespmem:s3], [sflag:$0x3] =	stream.linear.gather [hbm4b:s5+s3], $0x800, $0x38;
	[tilespmem:$0x1E800] =	vst v63  }
0xb8: {  	_ =	swait.ge [sflag:s30], $0x800  }
0xb9: {  	s29 =	sld [smem:$0x7F6]  }
0xba: {  	[sflag:s30] =	ssyncset.done $0x0  }
0xbb: {  	[sflag:s30] =	ssyncadd.s32 $0xFFFFF800  }
0xbc: {  	[tilespmem:s31], [sflag:$0x3] =	stream.linear.gather [hbm4b:s29+s3], $0x1000, $0x38;
	[tilespmem:$0x1E800] =	vst v63  }
0xbd: {  	_ =	swait.ge [sflag:s30], $0x1000  }
0xbe: {  	[sflag:s30] =	ssyncset.done $0x0  }
0xbf: {  	[sflag:s30] =	ssyncadd.s32 $0xFFFFF000  }
0xc0: {  	[tilespmem:s0], [sflag:$0x1] =	stream.indirect.gather [hbm4b:s4+s1], $0x80, s3, s1, $0xb8;
	[tilespmem:$0x1E800] =	vst v63  }
0xc1: {  	_ =	swait.ge [sflag:s6], $0x4000  }
0xc2: {  	[sflag:s6] =	ssyncset.done $0x0  }
0xc3: {  	[sflag:s6] =	ssyncadd.s32 $0xFFFFC000  }
0xc4: {  	[tilespmem:s7], [sflag:$0x2] =	stream.indirect.gather [hbm4b:s4+s1], $0x80, s1, s1, $0xb8;
	[tilespmem:$0x1E800] =	vst v63  }
0xc5: {  	_ = 	snop  }
0xc6: {  	[spmem:s2] =	stream.indirect.scatter.add.f32 [tilespmem:s0], [sflag:$0x3], $0x80, s31, s8, $0xb8;
	[tilespmem:$0x1E800] =	vst v63  }
0xc7: {  	_ =	swait.ge [sflag:s30], $0x2000  }
0xc8: {  	[sflag:s30] =	ssyncset.done $0x0  }
0xc9: {  	s26 =	rddreg [dreg:$0x5];
	[sflag:s30] =	ssyncadd.s32 $0xFFFFE000  }
0xca: {  	[spmem:s2] =	stream.indirect.scatter.add.f32 [tilespmem:s9], [sflag:$0x3], $0x80, s26, s8, $0xb8;
	[tilespmem:$0x1E800] =	vst v63  }
0xcb: {  	_ =	swait.ge [sflag:s30], $0x2000  }
0xcc: {  	[sflag:s30] =	ssyncset.done $0x0  }
0xcd: {  	[sflag:s30] =	ssyncadd.s32 $0xFFFFE000  }
0xce: {  	_ =	swait.ge [sflag:s10], $0x4000  }
0xcf: {  	[sflag:s10] =	ssyncset.done $0x0  }
0xd0: {  	s23 =	rddreg [dreg:$0x6];
	[sflag:s10] =	ssyncadd.s32 $0xFFFFC000  }
0xd1: {  	[tilespmem:s0], [sflag:$0x1] =	stream.indirect.gather [hbm4b:s4+s1], $0x80, s23, s1, $0xb8;
	[tilespmem:$0x1E800] =	vst v63  }
0xd2: {  	s26 =	rddreg [dreg:$0x7]  }
0xd3: {  	[spmem:s2] =	stream.indirect.scatter.add.f32 [tilespmem:s7], [sflag:$0x3], $0x80, s26, s8, $0xb8;
	[tilespmem:$0x1E800] =	vst v63  }
0xd4: {  	_ =	swait.ge [sflag:s30], $0x2000  }
0xd5: {  	[sflag:s30] =	ssyncset.done $0x0  }
0xd6: {  	s26 =	rddreg [dreg:$0x8];
	[sflag:s30] =	ssyncadd.s32 $0xFFFFE000  }
0xd7: {  	[spmem:s2] =	stream.indirect.scatter.add.f32 [tilespmem:s11], [sflag:$0x3], $0x80, s26, s8, $0xb8;
	[tilespmem:$0x1E800] =	vst v63  }
0xd8: {  	_ =	swait.ge [sflag:s30], $0x2000  }
0xd9: {  	[sflag:s30] =	ssyncset.done $0x0  }
0xda: {  	[sflag:s30] =	ssyncadd.s32 $0xFFFFE000  }
0xdb: {  	_ =	swait.ge [sflag:s6], $0x4000  }
0xdc: {  	[sflag:s6] =	ssyncset.done $0x0  }
0xdd: {  	s23 =	rddreg [dreg:$0x9];
	[sflag:s6] =	ssyncadd.s32 $0xFFFFC000  }
0xde: {  	[tilespmem:s7], [sflag:$0x2] =	stream.indirect.gather [hbm4b:s4+s1], $0x80, s23, s1, $0xb8;
	[tilespmem:$0x1E800] =	vst v63  }
0xdf: {  	s26 =	rddreg [dreg:$0xa]  }
0xe0: {  	[spmem:s2] =	stream.indirect.scatter.add.f32 [tilespmem:s0], [sflag:$0x3], $0x80, s26, s8, $0xb8;
	[tilespmem:$0x1E800] =	vst v63  }
0xe1: {  	_ =	swait.ge [sflag:s30], $0x2000  }
0xe2: {  	[sflag:s30] =	ssyncset.done $0x0  }
0xe3: {  	s26 =	rddreg [dreg:$0xb];
	[sflag:s30] =	ssyncadd.s32 $0xFFFFE000  }
0xe4: {  	[spmem:s2] =	stream.indirect.scatter.add.f32 [tilespmem:s9], [sflag:$0x3], $0x80, s26, s8, $0xb8;
	[tilespmem:$0x1E800] =	vst v63  }
0xe5: {  	_ =	swait.ge [sflag:s30], $0x2000  }
0xe6: {  	[sflag:s30] =	ssyncset.done $0x0  }
0xe7: {  	[sflag:s30] =	ssyncadd.s32 $0xFFFFE000  }
0xe8: {  	_ =	swait.ge [sflag:s10], $0x4000  }
0xe9: {  	[sflag:s10] =	ssyncset.done $0x0  }
0xea: {  	s23 =	rddreg [dreg:$0xc];
	[sflag:s10] =	ssyncadd.s32 $0xFFFFC000  }
0xeb: {  	[tilespmem:s0], [sflag:$0x1] =	stream.indirect.gather [hbm4b:s4+s1], $0x80, s23, s1, $0xb8;
	[tilespmem:$0x1E800] =	vst v63  }
0xec: {  	s26 =	rddreg [dreg:$0xd]  }
0xed: {  	[spmem:s2] =	stream.indirect.scatter.add.f32 [tilespmem:s7], [sflag:$0x3], $0x80, s26, s8, $0xb8;
	[tilespmem:$0x1E800] =	vst v63  }
0xee: {  	_ =	swait.ge [sflag:s30], $0x2000  }
0xef: {  	[sflag:s30] =	ssyncset.done $0x0  }
0xf0: {  	s26 =	rddreg [dreg:$0xe];
	[sflag:s30] =	ssyncadd.s32 $0xFFFFE000  }
0xf1: {  	[spmem:s2] =	stream.indirect.scatter.add.f32 [tilespmem:s11], [sflag:$0x3], $0x80, s26, s8, $0xb8;
	[tilespmem:$0x1E800] =	vst v63  }
0xf2: {  	_ =	swait.ge [sflag:s30], $0x2000  }
0xf3: {  	[sflag:s30] =	ssyncset.done $0x0  }
0xf4: {  	[sflag:s30] =	ssyncadd.s32 $0xFFFFE000  }
0xf5: {  	_ =	swait.ge [sflag:s6], $0x4000  }
0xf6: {  	[sflag:s6] =	ssyncset.done $0x0  }
0xf7: {  	s23 =	rddreg [dreg:$0xf];
	[sflag:s6] =	ssyncadd.s32 $0xFFFFC000  }
0xf8: {  	[tilespmem:s7], [sflag:$0x2] =	stream.indirect.gather [hbm4b:s4+s1], $0x80, s23, s1, $0xb8;
	[tilespmem:$0x1E800] =	vst v63  }
0xf9: {  	s26 =	rddreg [dreg:$0x10]  }
0xfa: {  	[spmem:s2] =	stream.indirect.scatter.add.f32 [tilespmem:s0], [sflag:$0x3], $0x80, s26, s8, $0xb8;
	[tilespmem:$0x1E800] =	vst v63  }
0xfb: {  	_ =	swait.ge [sflag:s30], $0x2000  }
0xfc: {  	[sflag:s30] =	ssyncset.done $0x0  }
0xfd: {  	s26 =	rddreg [dreg:$0x11];
	[sflag:s30] =	ssyncadd.s32 $0xFFFFE000  }
0xfe: {  	[spmem:s2] =	stream.indirect.scatter.add.f32 [tilespmem:s9], [sflag:$0x3], $0x80, s26, s8, $0xb8;
	[tilespmem:$0x1E800] =	vst v63  }
0xff: {  	_ =	swait.ge [sflag:s30], $0x2000  }
0x100: {  	[sflag:s30] =	ssyncset.done $0x0  }
0x101: {  	[sflag:s30] =	ssyncadd.s32 $0xFFFFE000  }
0x102: {  	_ =	swait.ge [sflag:s10], $0x4000  }
0x103: {  	[sflag:s10] =	ssyncset.done $0x0  }
0x104: {  	s23 =	rddreg [dreg:$0x12];
	[sflag:s10] =	ssyncadd.s32 $0xFFFFC000  }
0x105: {  	[tilespmem:s0], [sflag:$0x1] =	stream.indirect.gather [hbm4b:s4+s1], $0x80, s23, s1, $0xb8;
	[tilespmem:$0x1E800] =	vst v63  }
0x106: {  	s26 =	rddreg [dreg:$0x13]  }
0x107: {  	[spmem:s2] =	stream.indirect.scatter.add.f32 [tilespmem:s7], [sflag:$0x3], $0x80, s26, s8, $0xb8;
	[tilespmem:$0x1E800] =	vst v63  }
0x108: {  	_ =	swait.ge [sflag:s30], $0x2000  }
0x109: {  	[sflag:s30] =	ssyncset.done $0x0  }
0x10a: {  	s26 =	rddreg [dreg:$0x14];
	[sflag:s30] =	ssyncadd.s32 $0xFFFFE000  }
0x10b: {  	[spmem:s2] =	stream.indirect.scatter.add.f32 [tilespmem:s11], [sflag:$0x3], $0x80, s26, s8, $0xb8;
	[tilespmem:$0x1E800] =	vst v63  }
0x10c: {  	_ =	swait.ge [sflag:s30], $0x2000  }
0x10d: {  	[sflag:s30] =	ssyncset.done $0x0  }
0x10e: {  	[sflag:s30] =	ssyncadd.s32 $0xFFFFE000  }
0x10f: {  	_ =	swait.ge [sflag:s6], $0x4000  }
0x110: {  	[sflag:s6] =	ssyncset.done $0x0  }
0x111: {  	s23 =	rddreg [dreg:$0x15];
	[sflag:s6] =	ssyncadd.s32 $0xFFFFC000  }
0x112: {  	[tilespmem:s7], [sflag:$0x2] =	stream.indirect.gather [hbm4b:s4+s1], $0x80, s23, s1, $0xb8;
	[tilespmem:$0x1E800] =	vst v63  }
0x113: {  	s26 =	rddreg [dreg:$0x16]  }
0x114: {  	[spmem:s2] =	stream.indirect.scatter.add.f32 [tilespmem:s0], [sflag:$0x3], $0x80, s26, s8, $0xb8;
	[tilespmem:$0x1E800] =	vst v63  }
0x115: {  	_ =	swait.ge [sflag:s30], $0x2000  }
0x116: {  	[sflag:s30] =	ssyncset.done $0x0  }
0x117: {  	s26 =	rddreg [dreg:$0x17];
	[sflag:s30] =	ssyncadd.s32 $0xFFFFE000  }
0x118: {  	[spmem:s2] =	stream.indirect.scatter.add.f32 [tilespmem:s9], [sflag:$0x3], $0x80, s26, s8, $0xb8;
	[tilespmem:$0x1E800] =	vst v63  }
0x119: {  	_ =	swait.ge [sflag:s30], $0x2000  }
0x11a: {  	[sflag:s30] =	ssyncset.done $0x0  }
0x11b: {  	[sflag:s30] =	ssyncadd.s32 $0xFFFFE000  }
0x11c: {  	_ =	swait.ge [sflag:s10], $0x4000  }
0x11d: {  	[sflag:s10] =	ssyncset.done $0x0  }
0x11e: {  	s23 =	rddreg [dreg:$0x18];
	[sflag:s10] =	ssyncadd.s32 $0xFFFFC000  }
0x11f: {  	[tilespmem:s0], [sflag:$0x1] =	stream.indirect.gather [hbm4b:s4+s1], $0x80, s23, s1, $0xb8;
	[tilespmem:$0x1E800] =	vst v63  }
0x120: {  	s26 =	rddreg [dreg:$0x19]  }
0x121: {  	[spmem:s2] =	stream.indirect.scatter.add.f32 [tilespmem:s7], [sflag:$0x3], $0x80, s26, s8, $0xb8;
	[tilespmem:$0x1E800] =	vst v63  }
0x122: {  	_ =	swait.ge [sflag:s30], $0x2000  }
0x123: {  	[sflag:s30] =	ssyncset.done $0x0  }
0x124: {  	s26 =	rddreg [dreg:$0x1a];
	[sflag:s30] =	ssyncadd.s32 $0xFFFFE000  }
0x125: {  	[spmem:s2] =	stream.indirect.scatter.add.f32 [tilespmem:s11], [sflag:$0x3], $0x80, s26, s8, $0xb8;
	[tilespmem:$0x1E800] =	vst v63  }
0x126: {  	_ =	swait.ge [sflag:s30], $0x2000  }
0x127: {  	[sflag:s30] =	ssyncset.done $0x0  }
0x128: {  	[sflag:s30] =	ssyncadd.s32 $0xFFFFE000  }
0x129: {  	_ =	swait.ge [sflag:s6], $0x4000  }
0x12a: {  	[sflag:s6] =	ssyncset.done $0x0  }
0x12b: {  	s23 =	rddreg [dreg:$0x1b];
	[sflag:s6] =	ssyncadd.s32 $0xFFFFC000  }
0x12c: {  	[tilespmem:s7], [sflag:$0x2] =	stream.indirect.gather [hbm4b:s4+s1], $0x80, s23, s1, $0xb8;
	[tilespmem:$0x1E800] =	vst v63  }
0x12d: {  	s26 =	rddreg [dreg:$0x1c]  }
0x12e: {  	[spmem:s2] =	stream.indirect.scatter.add.f32 [tilespmem:s0], [sflag:$0x3], $0x80, s26, s8, $0xb8;
	[tilespmem:$0x1E800] =	vst v63  }
0x12f: {  	_ =	swait.ge [sflag:s30], $0x2000  }
0x130: {  	[sflag:s30] =	ssyncset.done $0x0  }
0x131: {  	s26 =	rddreg [dreg:$0x1d];
	[sflag:s30] =	ssyncadd.s32 $0xFFFFE000  }
0x132: {  	[spmem:s2] =	stream.indirect.scatter.add.f32 [tilespmem:s9], [sflag:$0x3], $0x80, s26, s8, $0xb8;
	[tilespmem:$0x1E800] =	vst v63  }
0x133: {  	_ =	swait.ge [sflag:s30], $0x2000  }
0x134: {  	[sflag:s30] =	ssyncset.done $0x0  }
0x135: {  	[sflag:s30] =	ssyncadd.s32 $0xFFFFE000  }
0x136: {  	_ =	swait.ge [sflag:s10], $0x4000  }
0x137: {  	[sflag:s10] =	ssyncset.done $0x0  }
0x138: {  	s23 =	rddreg [dreg:$0x1e];
	[sflag:s10] =	ssyncadd.s32 $0xFFFFC000  }
0x139: {  	[tilespmem:s0], [sflag:$0x1] =	stream.indirect.gather [hbm4b:s4+s1], $0x80, s23, s1, $0xb8;
	[tilespmem:$0x1E800] =	vst v63  }
0x13a: {  	s26 =	rddreg [dreg:$0x1f]  }
0x13b: {  	[spmem:s2] =	stream.indirect.scatter.add.f32 [tilespmem:s7], [sflag:$0x3], $0x80, s26, s8, $0xb8;
	[tilespmem:$0x1E800] =	vst v63  }
0x13c: {  	_ =	swait.ge [sflag:s30], $0x2000  }
0x13d: {  	s26 =	sld [smem:$0x7F2]  }
0x13e: {  	[sflag:s30] =	ssyncset.done $0x0  }
0x13f: {  	[sflag:s30] =	ssyncadd.s32 $0xFFFFE000  }
0x140: {  	[spmem:s2] =	stream.indirect.scatter.add.f32 [tilespmem:s11], [sflag:$0x3], $0x80, s26, s8, $0xb8;
	[tilespmem:$0x1E800] =	vst v63  }
0x141: {  	_ =	swait.ge [sflag:s30], $0x2000  }
0x142: {  	[sflag:s30] =	ssyncset.done $0x0  }
0x143: {  	[sflag:s30] =	ssyncadd.s32 $0xFFFFE000  }
0x144: {  	_ =	swait.ge [sflag:s6], $0x4000  }
0x145: {  	s23 =	sld [smem:$0x7F3]  }
0x146: {  	[sflag:s6] =	ssyncset.done $0x0  }
0x147: {  	s26 =	sld [smem:$0x7F5];
	[sflag:s6] =	ssyncadd.s32 $0xFFFFC000  }
0x148: {  	[tilespmem:s7], [sflag:$0x2] =	stream.indirect.gather [hbm4b:s4+s1], $0x80, s23, s1, $0xb8;
	[tilespmem:$0x1E800] =	vst v63  }
0x149: {  	_ = 	snop  }
0x14a: {  	[spmem:s2] =	stream.indirect.scatter.add.f32 [tilespmem:s0], [sflag:$0x3], $0x80, s26, s8, $0xb8;
	[tilespmem:$0x1E800] =	vst v63  }
0x14b: {  	_ =	swait.ge [sflag:s30], $0x2000  }
0x14c: {  	s23 =	sld [smem:$0x7F7]  }
0x14d: {  	[sflag:s30] =	ssyncset.done $0x0  }
0x14e: {  	[sflag:s30] =	ssyncadd.s32 $0xFFFFE000  }
0x14f: {  	[spmem:s2] =	stream.indirect.scatter.add.f32 [tilespmem:s9], [sflag:$0x3], $0x80, s23, s8, $0xb8;
	[tilespmem:$0x1E800] =	vst v63  }
0x150: {  	_ =	swait.ge [sflag:s30], $0x2000  }
0x151: {  	[sflag:s30] =	ssyncset.done $0x0  }
0x152: {  	[sflag:s30] =	ssyncadd.s32 $0xFFFFE000  }
0x153: {  	_ =	swait.ge [sflag:s10], $0x4000  }
0x154: {  	s26 =	sld [smem:$0x7F9]  }
0x155: {  	[sflag:s10] =	ssyncset.done $0x0  }
0x156: {  	[sflag:s10] =	ssyncadd.s32 $0xFFFFC000  }
0x157: {  	[tilespmem:s0], [sflag:$0x1] =	stream.indirect.gather [hbm4b:s4+s1], $0x80, s26, s1, $0xb8;
	[tilespmem:$0x1E800] =	vst v63  }
0x158: {  	_ = 	snop  }
0x159: {  	[spmem:s2] =	stream.indirect.scatter.add.f32 [tilespmem:s7], [sflag:$0x3], $0x80, s12, s8, $0xb8;
	[tilespmem:$0x1E800] =	vst v63  }
0x15a: {  	_ =	swait.ge [sflag:s30], $0x2000  }
0x15b: {  	[sflag:s30] =	ssyncset.done $0x0  }
0x15c: {  	[sflag:s30] =	ssyncadd.s32 $0xFFFFE000  }
0x15d: {  	[spmem:s2] =	stream.indirect.scatter.add.f32 [tilespmem:s11], [sflag:$0x3], $0x80, s13, s8, $0xb8;
	[tilespmem:$0x1E800] =	vst v63  }
0x15e: {  	_ =	swait.ge [sflag:s30], $0x2000  }
0x15f: {  	[sflag:s30] =	ssyncset.done $0x0  }
0x160: {  	[sflag:s30] =	ssyncadd.s32 $0xFFFFE000  }
0x161: {  	_ =	swait.ge [sflag:s6], $0x4000  }
0x162: {  	[sflag:s6] =	ssyncset.done $0x0  }
0x163: {  	[sflag:s6] =	ssyncadd.s32 $0xFFFFC000  }
0x164: {  	[tilespmem:s7], [sflag:$0x2] =	stream.indirect.gather [hbm4b:s4+s1], $0x80, s14, s1, $0xb8;
	[tilespmem:$0x1E800] =	vst v63  }
0x165: {  	_ = 	snop  }
0x166: {  	[spmem:s2] =	stream.indirect.scatter.add.f32 [tilespmem:s0], [sflag:$0x3], $0x80, s15, s8, $0xb8;
	[tilespmem:$0x1E800] =	vst v63  }
0x167: {  	_ =	swait.ge [sflag:s30], $0x2000  }
0x168: {  	[sflag:s30] =	ssyncset.done $0x0  }
0x169: {  	[sflag:s30] =	ssyncadd.s32 $0xFFFFE000  }
0x16a: {  	[spmem:s2] =	stream.indirect.scatter.add.f32 [tilespmem:s9], [sflag:$0x3], $0x80, s16, s8, $0xb8;
	[tilespmem:$0x1E800] =	vst v63  }
0x16b: {  	_ =	swait.ge [sflag:s30], $0x2000  }
0x16c: {  	[sflag:s30] =	ssyncset.done $0x0  }
0x16d: {  	[sflag:s30] =	ssyncadd.s32 $0xFFFFE000  }
0x16e: {  	_ =	swait.ge [sflag:s10], $0x4000  }
0x16f: {  	[sflag:s10] =	ssyncset.done $0x0  }
0x170: {  	[sflag:s10] =	ssyncadd.s32 $0xFFFFC000  }
0x171: {  	[tilespmem:s0], [sflag:$0x1] =	stream.indirect.gather [hbm4b:s4+s1], $0x80, s17, s1, $0xb8;
	[tilespmem:$0x1E800] =	vst v63  }
0x172: {  	_ = 	snop  }
0x173: {  	[spmem:s2] =	stream.indirect.scatter.add.f32 [tilespmem:s7], [sflag:$0x3], $0x80, s18, s8, $0xb8;
	[tilespmem:$0x1E800] =	vst v63  }
0x174: {  	_ =	swait.ge [sflag:s30], $0x2000  }
0x175: {  	[sflag:s30] =	ssyncset.done $0x0  }
0x176: {  	[sflag:s30] =	ssyncadd.s32 $0xFFFFE000  }
0x177: {  	[spmem:s2] =	stream.indirect.scatter.add.f32 [tilespmem:s11], [sflag:$0x3], $0x80, s19, s8, $0xb8;
	[tilespmem:$0x1E800] =	vst v63  }
0x178: {  	_ =	swait.ge [sflag:s30], $0x2000  }
0x179: {  	[sflag:s30] =	ssyncset.done $0x0  }
0x17a: {  	[sflag:s30] =	ssyncadd.s32 $0xFFFFE000  }
0x17b: {  	_ =	swait.ge [sflag:s6], $0x4000  }
0x17c: {  	[sflag:s6] =	ssyncset.done $0x0  }
0x17d: {  	[sflag:s6] =	ssyncadd.s32 $0xFFFFC000  }
0x17e: {  	[tilespmem:s7], [sflag:$0x2] =	stream.indirect.gather [hbm4b:s4+s1], $0x80, s20, s1, $0xb8;
	[tilespmem:$0x1E800] =	vst v63  }
0x17f: {  	_ = 	snop  }
0x180: {  	[spmem:s2] =	stream.indirect.scatter.add.f32 [tilespmem:s0], [sflag:$0x3], $0x80, s21, s8, $0xb8;
	[tilespmem:$0x1E800] =	vst v63  }
0x181: {  	_ =	swait.ge [sflag:s30], $0x2000  }
0x182: {  	[sflag:s30] =	ssyncset.done $0x0  }
0x183: {  	[sflag:s30] =	ssyncadd.s32 $0xFFFFE000  }
0x184: {  	[spmem:s2] =	stream.indirect.scatter.add.f32 [tilespmem:s9], [sflag:$0x3], $0x80, s22, s8, $0xb8;
	[tilespmem:$0x1E800] =	vst v63  }
0x185: {  	_ =	swait.ge [sflag:s30], $0x2000  }
0x186: {  	[sflag:s30] =	ssyncset.done $0x0  }
0x187: {  	[sflag:s30] =	ssyncadd.s32 $0xFFFFE000  }
0x188: {  	_ =	swait.ge [sflag:s10], $0x4000  }
0x189: {  	[sflag:s10] =	ssyncset.done $0x0  }
0x18a: {  	[sflag:s10] =	ssyncadd.s32 $0xFFFFC000  }
0x18b: {  	[spmem:s2] =	stream.indirect.scatter.add.f32 [tilespmem:s7], [sflag:$0x3], $0x80, s24, s8, $0xb8;
	[tilespmem:$0x1E800] =	vst v63  }
0x18c: {  	_ =	swait.ge [sflag:s30], $0x2000  }
0x18d: {  	[sflag:s30] =	ssyncset.done $0x0  }
0x18e: {  	[sflag:s30] =	ssyncadd.s32 $0xFFFFE000  }
0x18f: {  	[spmem:s2] =	stream.indirect.scatter.add.f32 [tilespmem:s11], [sflag:$0x3], $0x80, s25, s8, $0xb8;
	[tilespmem:$0x1E800] =	vst v63  }
0x190: {  	s28 =	simm.s32 $0x100;
	s5 =	simm.s32 $0x200;
	_ =	swait.ge [sflag:s30], $0x2000  }
0x191: {  	s23 =	smov.u32 s29;
	s26 =	rddreg [dreg:$0x4];
	[sflag:s30] =	ssyncset.done $0x0  }
.LBB2_4:
0x192: {  	[sflag:s30] =	ssyncadd.s32 $0xFFFFE000;
	s26 =	sadd.s32 s28, s26  }
0x193: {  	[tilespmem:s3], [sflag:$0x3] =	stream.linear.gather [hbm4b:s26+s3], $0x800, $0x38;
	[tilespmem:$0x1E800] =	vst v63  }
0x194: {  	_ =	swait.ge [sflag:s30], $0x800  }
0x195: {  	[sflag:s30] =	ssyncset.done $0x0  }
0x196: {  	s23 =	sadd.s32 $0x200, s23;
	[sflag:s30] =	ssyncadd.s32 $0xFFFFF800  }
0x197: {  	[tilespmem:s31], [sflag:$0x3] =	stream.linear.gather [hbm4b:s23+s3], $0x1000, $0x38;
	[tilespmem:$0x1E800] =	vst v63  }
0x198: {  	_ =	swait.ge [sflag:s30], $0x1000  }
0x199: {  	[sflag:s30] =	ssyncset.done $0x0  }
0x19a: {  	[sflag:s30] =	ssyncadd.s32 $0xFFFFF000  }
0x19b: {  	[tilespmem:s0], [sflag:$0x1] =	stream.indirect.gather [hbm4b:s4+s1], $0x80, s3, s1, $0xb8;
	[tilespmem:$0x1E800] =	vst v63  }
0x19c: {  	_ =	swait.ge [sflag:s6], $0x4000  }
0x19d: {  	[sflag:s6] =	ssyncset.done $0x0  }
0x19e: {  	[sflag:s6] =	ssyncadd.s32 $0xFFFFC000  }
0x19f: {  	[tilespmem:s7], [sflag:$0x2] =	stream.indirect.gather [hbm4b:s4+s1], $0x80, s1, s1, $0xb8;
	[tilespmem:$0x1E800] =	vst v63  }
0x1a0: {  	_ = 	snop  }
0x1a1: {  	[spmem:s2] =	stream.indirect.scatter.add.f32 [tilespmem:s0], [sflag:$0x3], $0x80, s31, s8, $0xb8;
	[tilespmem:$0x1E800] =	vst v63  }
0x1a2: {  	_ =	swait.ge [sflag:s30], $0x2000  }
0x1a3: {  	s29 =	smov.u32 s5;
	[sflag:s30] =	ssyncset.done $0x0  }
0x1a4: {  	s28 =	smov.u32 s29;
	s29 =	rddreg [dreg:$0x5];
	[sflag:s30] =	ssyncadd.s32 $0xFFFFE000  }
0x1a5: {  	[spmem:s2] =	stream.indirect.scatter.add.f32 [tilespmem:s9], [sflag:$0x3], $0x80, s29, s8, $0xb8;
	[tilespmem:$0x1E800] =	vst v63  }
0x1a6: {  	_ =	swait.ge [sflag:s30], $0x2000  }
0x1a7: {  	[sflag:s30] =	ssyncset.done $0x0  }
0x1a8: {  	[sflag:s30] =	ssyncadd.s32 $0xFFFFE000  }
0x1a9: {  	_ =	swait.ge [sflag:s10], $0x4000  }
0x1aa: {  	[sflag:s10] =	ssyncset.done $0x0  }
0x1ab: {  	s26 =	rddreg [dreg:$0x6];
	[sflag:s10] =	ssyncadd.s32 $0xFFFFC000  }
0x1ac: {  	[tilespmem:s0], [sflag:$0x1] =	stream.indirect.gather [hbm4b:s4+s1], $0x80, s26, s1, $0xb8;
	[tilespmem:$0x1E800] =	vst v63  }
0x1ad: {  	s29 =	rddreg [dreg:$0x7]  }
0x1ae: {  	[spmem:s2] =	stream.indirect.scatter.add.f32 [tilespmem:s7], [sflag:$0x3], $0x80, s29, s8, $0xb8;
	[tilespmem:$0x1E800] =	vst v63  }
0x1af: {  	_ =	swait.ge [sflag:s30], $0x2000  }
0x1b0: {  	[sflag:s30] =	ssyncset.done $0x0  }
0x1b1: {  	s29 =	rddreg [dreg:$0x8];
	[sflag:s30] =	ssyncadd.s32 $0xFFFFE000  }
0x1b2: {  	[spmem:s2] =	stream.indirect.scatter.add.f32 [tilespmem:s11], [sflag:$0x3], $0x80, s29, s8, $0xb8;
	[tilespmem:$0x1E800] =	vst v63  }
0x1b3: {  	_ =	swait.ge [sflag:s30], $0x2000  }
0x1b4: {  	[sflag:s30] =	ssyncset.done $0x0  }
0x1b5: {  	[sflag:s30] =	ssyncadd.s32 $0xFFFFE000  }
0x1b6: {  	_ =	swait.ge [sflag:s6], $0x4000  }
0x1b7: {  	[sflag:s6] =	ssyncset.done $0x0  }
0x1b8: {  	s26 =	rddreg [dreg:$0x9];
	[sflag:s6] =	ssyncadd.s32 $0xFFFFC000  }
0x1b9: {  	[tilespmem:s7], [sflag:$0x2] =	stream.indirect.gather [hbm4b:s4+s1], $0x80, s26, s1, $0xb8;
	[tilespmem:$0x1E800] =	vst v63  }
0x1ba: {  	s29 =	rddreg [dreg:$0xa]  }
0x1bb: {  	[spmem:s2] =	stream.indirect.scatter.add.f32 [tilespmem:s0], [sflag:$0x3], $0x80, s29, s8, $0xb8;
	[tilespmem:$0x1E800] =	vst v63  }
0x1bc: {  	_ =	swait.ge [sflag:s30], $0x2000  }
0x1bd: {  	[sflag:s30] =	ssyncset.done $0x0  }
0x1be: {  	s29 =	rddreg [dreg:$0xb];
	[sflag:s30] =	ssyncadd.s32 $0xFFFFE000  }
0x1bf: {  	[spmem:s2] =	stream.indirect.scatter.add.f32 [tilespmem:s9], [sflag:$0x3], $0x80, s29, s8, $0xb8;
	[tilespmem:$0x1E800] =	vst v63  }
0x1c0: {  	_ =	swait.ge [sflag:s30], $0x2000  }
0x1c1: {  	[sflag:s30] =	ssyncset.done $0x0  }
0x1c2: {  	[sflag:s30] =	ssyncadd.s32 $0xFFFFE000  }
0x1c3: {  	_ =	swait.ge [sflag:s10], $0x4000  }
0x1c4: {  	[sflag:s10] =	ssyncset.done $0x0  }
0x1c5: {  	s26 =	rddreg [dreg:$0xc];
	[sflag:s10] =	ssyncadd.s32 $0xFFFFC000  }
0x1c6: {  	[tilespmem:s0], [sflag:$0x1] =	stream.indirect.gather [hbm4b:s4+s1], $0x80, s26, s1, $0xb8;
	[tilespmem:$0x1E800] =	vst v63  }
0x1c7: {  	s29 =	rddreg [dreg:$0xd]  }
0x1c8: {  	[spmem:s2] =	stream.indirect.scatter.add.f32 [tilespmem:s7], [sflag:$0x3], $0x80, s29, s8, $0xb8;
	[tilespmem:$0x1E800] =	vst v63  }
0x1c9: {  	_ =	swait.ge [sflag:s30], $0x2000  }
0x1ca: {  	[sflag:s30] =	ssyncset.done $0x0  }
0x1cb: {  	s29 =	rddreg [dreg:$0xe];
	[sflag:s30] =	ssyncadd.s32 $0xFFFFE000  }
0x1cc: {  	[spmem:s2] =	stream.indirect.scatter.add.f32 [tilespmem:s11], [sflag:$0x3], $0x80, s29, s8, $0xb8;
	[tilespmem:$0x1E800] =	vst v63  }
0x1cd: {  	_ =	swait.ge [sflag:s30], $0x2000  }
0x1ce: {  	[sflag:s30] =	ssyncset.done $0x0  }
0x1cf: {  	[sflag:s30] =	ssyncadd.s32 $0xFFFFE000  }
0x1d0: {  	_ =	swait.ge [sflag:s6], $0x4000  }
0x1d1: {  	[sflag:s6] =	ssyncset.done $0x0  }
0x1d2: {  	s26 =	rddreg [dreg:$0xf];
	[sflag:s6] =	ssyncadd.s32 $0xFFFFC000  }
0x1d3: {  	[tilespmem:s7], [sflag:$0x2] =	stream.indirect.gather [hbm4b:s4+s1], $0x80, s26, s1, $0xb8;
	[tilespmem:$0x1E800] =	vst v63  }
0x1d4: {  	s29 =	rddreg [dreg:$0x10]  }
0x1d5: {  	[spmem:s2] =	stream.indirect.scatter.add.f32 [tilespmem:s0], [sflag:$0x3], $0x80, s29, s8, $0xb8;
	[tilespmem:$0x1E800] =	vst v63  }
0x1d6: {  	_ =	swait.ge [sflag:s30], $0x2000  }
0x1d7: {  	[sflag:s30] =	ssyncset.done $0x0  }
0x1d8: {  	s29 =	rddreg [dreg:$0x11];
	[sflag:s30] =	ssyncadd.s32 $0xFFFFE000  }
0x1d9: {  	[spmem:s2] =	stream.indirect.scatter.add.f32 [tilespmem:s9], [sflag:$0x3], $0x80, s29, s8, $0xb8;
	[tilespmem:$0x1E800] =	vst v63  }
0x1da: {  	_ =	swait.ge [sflag:s30], $0x2000  }
0x1db: {  	[sflag:s30] =	ssyncset.done $0x0  }
0x1dc: {  	[sflag:s30] =	ssyncadd.s32 $0xFFFFE000  }
0x1dd: {  	_ =	swait.ge [sflag:s10], $0x4000  }
0x1de: {  	[sflag:s10] =	ssyncset.done $0x0  }
0x1df: {  	s26 =	rddreg [dreg:$0x12];
	[sflag:s10] =	ssyncadd.s32 $0xFFFFC000  }
0x1e0: {  	[tilespmem:s0], [sflag:$0x1] =	stream.indirect.gather [hbm4b:s4+s1], $0x80, s26, s1, $0xb8;
	[tilespmem:$0x1E800] =	vst v63  }
0x1e1: {  	s29 =	rddreg [dreg:$0x13]  }
0x1e2: {  	[spmem:s2] =	stream.indirect.scatter.add.f32 [tilespmem:s7], [sflag:$0x3], $0x80, s29, s8, $0xb8;
	[tilespmem:$0x1E800] =	vst v63  }
0x1e3: {  	_ =	swait.ge [sflag:s30], $0x2000  }
0x1e4: {  	[sflag:s30] =	ssyncset.done $0x0  }
0x1e5: {  	s29 =	rddreg [dreg:$0x14];
	[sflag:s30] =	ssyncadd.s32 $0xFFFFE000  }
0x1e6: {  	[spmem:s2] =	stream.indirect.scatter.add.f32 [tilespmem:s11], [sflag:$0x3], $0x80, s29, s8, $0xb8;
	[tilespmem:$0x1E800] =	vst v63  }
0x1e7: {  	_ =	swait.ge [sflag:s30], $0x2000  }
0x1e8: {  	[sflag:s30] =	ssyncset.done $0x0  }
0x1e9: {  	[sflag:s30] =	ssyncadd.s32 $0xFFFFE000  }
0x1ea: {  	_ =	swait.ge [sflag:s6], $0x4000  }
0x1eb: {  	[sflag:s6] =	ssyncset.done $0x0  }
0x1ec: {  	s26 =	rddreg [dreg:$0x15];
	[sflag:s6] =	ssyncadd.s32 $0xFFFFC000  }
0x1ed: {  	[tilespmem:s7], [sflag:$0x2] =	stream.indirect.gather [hbm4b:s4+s1], $0x80, s26, s1, $0xb8;
	[tilespmem:$0x1E800] =	vst v63  }
0x1ee: {  	s29 =	rddreg [dreg:$0x16]  }
0x1ef: {  	[spmem:s2] =	stream.indirect.scatter.add.f32 [tilespmem:s0], [sflag:$0x3], $0x80, s29, s8, $0xb8;
	[tilespmem:$0x1E800] =	vst v63  }
0x1f0: {  	_ =	swait.ge [sflag:s30], $0x2000  }
0x1f1: {  	[sflag:s30] =	ssyncset.done $0x0  }
0x1f2: {  	s29 =	rddreg [dreg:$0x17];
	[sflag:s30] =	ssyncadd.s32 $0xFFFFE000  }
0x1f3: {  	[spmem:s2] =	stream.indirect.scatter.add.f32 [tilespmem:s9], [sflag:$0x3], $0x80, s29, s8, $0xb8;
	[tilespmem:$0x1E800] =	vst v63  }
0x1f4: {  	_ =	swait.ge [sflag:s30], $0x2000  }
0x1f5: {  	[sflag:s30] =	ssyncset.done $0x0  }
0x1f6: {  	[sflag:s30] =	ssyncadd.s32 $0xFFFFE000  }
0x1f7: {  	_ =	swait.ge [sflag:s10], $0x4000  }
0x1f8: {  	[sflag:s10] =	ssyncset.done $0x0  }
0x1f9: {  	s26 =	rddreg [dreg:$0x18];
	[sflag:s10] =	ssyncadd.s32 $0xFFFFC000  }
0x1fa: {  	[tilespmem:s0], [sflag:$0x1] =	stream.indirect.gather [hbm4b:s4+s1], $0x80, s26, s1, $0xb8;
	[tilespmem:$0x1E800] =	vst v63  }
0x1fb: {  	s29 =	rddreg [dreg:$0x19]  }
0x1fc: {  	[spmem:s2] =	stream.indirect.scatter.add.f32 [tilespmem:s7], [sflag:$0x3], $0x80, s29, s8, $0xb8;
	[tilespmem:$0x1E800] =	vst v63  }
0x1fd: {  	_ =	swait.ge [sflag:s30], $0x2000  }
0x1fe: {  	[sflag:s30] =	ssyncset.done $0x0  }
0x1ff: {  	s29 =	rddreg [dreg:$0x1a];
	[sflag:s30] =	ssyncadd.s32 $0xFFFFE000  }
0x200: {  	[spmem:s2] =	stream.indirect.scatter.add.f32 [tilespmem:s11], [sflag:$0x3], $0x80, s29, s8, $0xb8;
	[tilespmem:$0x1E800] =	vst v63  }
0x201: {  	_ =	swait.ge [sflag:s30], $0x2000  }
0x202: {  	[sflag:s30] =	ssyncset.done $0x0  }
0x203: {  	[sflag:s30] =	ssyncadd.s32 $0xFFFFE000  }
0x204: {  	_ =	swait.ge [sflag:s6], $0x4000  }
0x205: {  	[sflag:s6] =	ssyncset.done $0x0  }
0x206: {  	s26 =	rddreg [dreg:$0x1b];
	[sflag:s6] =	ssyncadd.s32 $0xFFFFC000  }
0x207: {  	[tilespmem:s7], [sflag:$0x2] =	stream.indirect.gather [hbm4b:s4+s1], $0x80, s26, s1, $0xb8;
	[tilespmem:$0x1E800] =	vst v63  }
0x208: {  	s29 =	rddreg [dreg:$0x1c]  }
0x209: {  	[spmem:s2] =	stream.indirect.scatter.add.f32 [tilespmem:s0], [sflag:$0x3], $0x80, s29, s8, $0xb8;
	[tilespmem:$0x1E800] =	vst v63  }
0x20a: {  	_ =	swait.ge [sflag:s30], $0x2000  }
0x20b: {  	[sflag:s30] =	ssyncset.done $0x0  }
0x20c: {  	s29 =	rddreg [dreg:$0x1d];
	[sflag:s30] =	ssyncadd.s32 $0xFFFFE000  }
0x20d: {  	[spmem:s2] =	stream.indirect.scatter.add.f32 [tilespmem:s9], [sflag:$0x3], $0x80, s29, s8, $0xb8;
	[tilespmem:$0x1E800] =	vst v63  }
0x20e: {  	_ =	swait.ge [sflag:s30], $0x2000  }
0x20f: {  	[sflag:s30] =	ssyncset.done $0x0  }
0x210: {  	[sflag:s30] =	ssyncadd.s32 $0xFFFFE000  }
0x211: {  	_ =	swait.ge [sflag:s10], $0x4000  }
0x212: {  	[sflag:s10] =	ssyncset.done $0x0  }
0x213: {  	s26 =	rddreg [dreg:$0x1e];
	[sflag:s10] =	ssyncadd.s32 $0xFFFFC000  }
0x214: {  	[tilespmem:s0], [sflag:$0x1] =	stream.indirect.gather [hbm4b:s4+s1], $0x80, s26, s1, $0xb8;
	[tilespmem:$0x1E800] =	vst v63  }
0x215: {  	s29 =	rddreg [dreg:$0x1f]  }
0x216: {  	[spmem:s2] =	stream.indirect.scatter.add.f32 [tilespmem:s7], [sflag:$0x3], $0x80, s29, s8, $0xb8;
	[tilespmem:$0x1E800] =	vst v63  }
0x217: {  	_ =	swait.ge [sflag:s30], $0x2000  }
0x218: {  	s29 =	sld [smem:$0x7F2]  }
0x219: {  	[sflag:s30] =	ssyncset.done $0x0  }
0x21a: {  	[sflag:s30] =	ssyncadd.s32 $0xFFFFE000  }
0x21b: {  	[spmem:s2] =	stream.indirect.scatter.add.f32 [tilespmem:s11], [sflag:$0x3], $0x80, s29, s8, $0xb8;
	[tilespmem:$0x1E800] =	vst v63  }
0x21c: {  	_ =	swait.ge [sflag:s30], $0x2000  }
0x21d: {  	[sflag:s30] =	ssyncset.done $0x0  }
0x21e: {  	[sflag:s30] =	ssyncadd.s32 $0xFFFFE000  }
0x21f: {  	_ =	swait.ge [sflag:s6], $0x4000  }
0x220: {  	s26 =	sld [smem:$0x7F3]  }
0x221: {  	[sflag:s6] =	ssyncset.done $0x0  }
0x222: {  	s29 =	sld [smem:$0x7F5];
	[sflag:s6] =	ssyncadd.s32 $0xFFFFC000  }
0x223: {  	[tilespmem:s7], [sflag:$0x2] =	stream.indirect.gather [hbm4b:s4+s1], $0x80, s26, s1, $0xb8;
	[tilespmem:$0x1E800] =	vst v63  }
0x224: {  	_ = 	snop  }
0x225: {  	[spmem:s2] =	stream.indirect.scatter.add.f32 [tilespmem:s0], [sflag:$0x3], $0x80, s29, s8, $0xb8;
	[tilespmem:$0x1E800] =	vst v63  }
0x226: {  	_ =	swait.ge [sflag:s30], $0x2000  }
0x227: {  	s29 =	sld [smem:$0x7F7]  }
0x228: {  	[sflag:s30] =	ssyncset.done $0x0  }
0x229: {  	[sflag:s30] =	ssyncadd.s32 $0xFFFFE000  }
0x22a: {  	[spmem:s2] =	stream.indirect.scatter.add.f32 [tilespmem:s9], [sflag:$0x3], $0x80, s29, s8, $0xb8;
	[tilespmem:$0x1E800] =	vst v63  }
0x22b: {  	_ =	swait.ge [sflag:s30], $0x2000  }
0x22c: {  	[sflag:s30] =	ssyncset.done $0x0  }
0x22d: {  	[sflag:s30] =	ssyncadd.s32 $0xFFFFE000  }
0x22e: {  	_ =	swait.ge [sflag:s10], $0x4000  }
0x22f: {  	s29 =	sld [smem:$0x7F9]  }
0x230: {  	[sflag:s10] =	ssyncset.done $0x0  }
0x231: {  	[sflag:s10] =	ssyncadd.s32 $0xFFFFC000  }
0x232: {  	[tilespmem:s0], [sflag:$0x1] =	stream.indirect.gather [hbm4b:s4+s1], $0x80, s29, s1, $0xb8;
	[tilespmem:$0x1E800] =	vst v63  }
0x233: {  	_ = 	snop  }
0x234: {  	[spmem:s2] =	stream.indirect.scatter.add.f32 [tilespmem:s7], [sflag:$0x3], $0x80, s12, s8, $0xb8;
	[tilespmem:$0x1E800] =	vst v63  }
0x235: {  	_ =	swait.ge [sflag:s30], $0x2000  }
0x236: {  	[sflag:s30] =	ssyncset.done $0x0  }
0x237: {  	[sflag:s30] =	ssyncadd.s32 $0xFFFFE000  }
0x238: {  	[spmem:s2] =	stream.indirect.scatter.add.f32 [tilespmem:s11], [sflag:$0x3], $0x80, s13, s8, $0xb8;
	[tilespmem:$0x1E800] =	vst v63  }
0x239: {  	_ =	swait.ge [sflag:s30], $0x2000  }
0x23a: {  	[sflag:s30] =	ssyncset.done $0x0  }
0x23b: {  	[sflag:s30] =	ssyncadd.s32 $0xFFFFE000  }
0x23c: {  	_ =	swait.ge [sflag:s6], $0x4000  }
0x23d: {  	[sflag:s6] =	ssyncset.done $0x0  }
0x23e: {  	[sflag:s6] =	ssyncadd.s32 $0xFFFFC000  }
0x23f: {  	[tilespmem:s7], [sflag:$0x2] =	stream.indirect.gather [hbm4b:s4+s1], $0x80, s14, s1, $0xb8;
	[tilespmem:$0x1E800] =	vst v63  }
0x240: {  	_ = 	snop  }
0x241: {  	[spmem:s2] =	stream.indirect.scatter.add.f32 [tilespmem:s0], [sflag:$0x3], $0x80, s15, s8, $0xb8;
	[tilespmem:$0x1E800] =	vst v63  }
0x242: {  	_ =	swait.ge [sflag:s30], $0x2000  }
0x243: {  	[sflag:s30] =	ssyncset.done $0x0  }
0x244: {  	[sflag:s30] =	ssyncadd.s32 $0xFFFFE000  }
0x245: {  	[spmem:s2] =	stream.indirect.scatter.add.f32 [tilespmem:s9], [sflag:$0x3], $0x80, s16, s8, $0xb8;
	[tilespmem:$0x1E800] =	vst v63  }
0x246: {  	_ =	swait.ge [sflag:s30], $0x2000  }
0x247: {  	[sflag:s30] =	ssyncset.done $0x0  }
0x248: {  	[sflag:s30] =	ssyncadd.s32 $0xFFFFE000  }
0x249: {  	_ =	swait.ge [sflag:s10], $0x4000  }
0x24a: {  	[sflag:s10] =	ssyncset.done $0x0  }
0x24b: {  	[sflag:s10] =	ssyncadd.s32 $0xFFFFC000  }
0x24c: {  	[tilespmem:s0], [sflag:$0x1] =	stream.indirect.gather [hbm4b:s4+s1], $0x80, s17, s1, $0xb8;
	[tilespmem:$0x1E800] =	vst v63  }
0x24d: {  	_ = 	snop  }
0x24e: {  	[spmem:s2] =	stream.indirect.scatter.add.f32 [tilespmem:s7], [sflag:$0x3], $0x80, s18, s8, $0xb8;
	[tilespmem:$0x1E800] =	vst v63  }
0x24f: {  	_ =	swait.ge [sflag:s30], $0x2000  }
0x250: {  	[sflag:s30] =	ssyncset.done $0x0  }
0x251: {  	[sflag:s30] =	ssyncadd.s32 $0xFFFFE000  }
0x252: {  	[spmem:s2] =	stream.indirect.scatter.add.f32 [tilespmem:s11], [sflag:$0x3], $0x80, s19, s8, $0xb8;
	[tilespmem:$0x1E800] =	vst v63  }
0x253: {  	_ =	swait.ge [sflag:s30], $0x2000  }
0x254: {  	[sflag:s30] =	ssyncset.done $0x0  }
0x255: {  	[sflag:s30] =	ssyncadd.s32 $0xFFFFE000  }
0x256: {  	_ =	swait.ge [sflag:s6], $0x4000  }
0x257: {  	[sflag:s6] =	ssyncset.done $0x0  }
0x258: {  	[sflag:s6] =	ssyncadd.s32 $0xFFFFC000  }
0x259: {  	[tilespmem:s7], [sflag:$0x2] =	stream.indirect.gather [hbm4b:s4+s1], $0x80, s20, s1, $0xb8;
	[tilespmem:$0x1E800] =	vst v63  }
0x25a: {  	_ = 	snop  }
0x25b: {  	[spmem:s2] =	stream.indirect.scatter.add.f32 [tilespmem:s0], [sflag:$0x3], $0x80, s21, s8, $0xb8;
	[tilespmem:$0x1E800] =	vst v63  }
0x25c: {  	_ =	swait.ge [sflag:s30], $0x2000  }
0x25d: {  	[sflag:s30] =	ssyncset.done $0x0  }
0x25e: {  	[sflag:s30] =	ssyncadd.s32 $0xFFFFE000  }
0x25f: {  	[spmem:s2] =	stream.indirect.scatter.add.f32 [tilespmem:s9], [sflag:$0x3], $0x80, s22, s8, $0xb8;
	[tilespmem:$0x1E800] =	vst v63  }
0x260: {  	_ =	swait.ge [sflag:s30], $0x2000  }
0x261: {  	[sflag:s30] =	ssyncset.done $0x0  }
0x262: {  	[sflag:s30] =	ssyncadd.s32 $0xFFFFE000  }
0x263: {  	_ =	swait.ge [sflag:s10], $0x4000  }
0x264: {  	[sflag:s10] =	ssyncset.done $0x0  }
0x265: {  	[sflag:s10] =	ssyncadd.s32 $0xFFFFC000  }
0x266: {  	[spmem:s2] =	stream.indirect.scatter.add.f32 [tilespmem:s7], [sflag:$0x3], $0x80, s24, s8, $0xb8;
	[tilespmem:$0x1E800] =	vst v63  }
0x267: {  	p0 =	sne.s32 s5, $0x400;
	_ =	swait.ge [sflag:s30], $0x2000  }
.Ltmp1:
0x268: {  	[sflag:s30] =	ssyncset.done $0x0;
	(pc) =	sbr.rel @p0 .LBB2_4-.Ltmp1, $4  }
0x269: {  	[sflag:s30] =	ssyncadd.s32 $0xFFFFE000  }
0x26a: {  	[spmem:s2] =	stream.indirect.scatter.add.f32 [tilespmem:s11], [sflag:$0x3], $0x80, s25, s8, $0xb8;
	[tilespmem:$0x1E800] =	vst v63  }
0x26b: {  	_ =	swait.ge [sflag:s30], $0x2000  }
0x26c: {  	s5 =	sadd.s32 $0x100, s5;
	s26 =	rddreg [dreg:$0x4];
	[sflag:s30] =	ssyncset.done $0x0  }
0x26d: {  	s5 =	sadd.s32 s28, s26;
	[sflag:s30] =	ssyncadd.s32 $0xFFFFE000  }
0x26e: {  	[tilespmem:s3], [sflag:$0x3] =	stream.linear.gather [hbm4b:s5+s3], $0x800, $0x38;
	[tilespmem:$0x1E800] =	vst v63  }
0x26f: {  	_ =	swait.ge [sflag:s30], $0x800  }
0x270: {  	[sflag:s30] =	ssyncset.done $0x0  }
0x271: {  	s23 =	sadd.s32 $0x200, s23;
	[sflag:s30] =	ssyncadd.s32 $0xFFFFF800  }
0x272: {  	[tilespmem:s31], [sflag:$0x3] =	stream.linear.gather [hbm4b:s23+s3], $0x1000, $0x38;
	[tilespmem:$0x1E800] =	vst v63  }
0x273: {  	_ =	swait.ge [sflag:s30], $0x1000  }
0x274: {  	[sflag:s30] =	ssyncset.done $0x0  }
0x275: {  	[sflag:s30] =	ssyncadd.s32 $0xFFFFF000  }
0x276: {  	[tilespmem:s0], [sflag:$0x1] =	stream.indirect.gather [hbm4b:s4+s1], $0x80, s3, s1, $0xb8;
	[tilespmem:$0x1E800] =	vst v63  }
0x277: {  	_ =	swait.ge [sflag:s6], $0x4000  }
0x278: {  	[sflag:s6] =	ssyncset.done $0x0  }
0x279: {  	[sflag:s6] =	ssyncadd.s32 $0xFFFFC000  }
0x27a: {  	[tilespmem:s7], [sflag:$0x2] =	stream.indirect.gather [hbm4b:s4+s1], $0x80, s1, s1, $0xb8;
	[tilespmem:$0x1E800] =	vst v63  }
0x27b: {  	_ = 	snop  }
0x27c: {  	[spmem:s2] =	stream.indirect.scatter.add.f32 [tilespmem:s0], [sflag:$0x3], $0x80, s31, s8, $0xb8;
	[tilespmem:$0x1E800] =	vst v63  }
0x27d: {  	_ =	swait.ge [sflag:s30], $0x2000  }
0x27e: {  	[sflag:s30] =	ssyncset.done $0x0  }
0x27f: {  	s26 =	rddreg [dreg:$0x5];
	[sflag:s30] =	ssyncadd.s32 $0xFFFFE000  }
0x280: {  	[spmem:s2] =	stream.indirect.scatter.add.f32 [tilespmem:s9], [sflag:$0x3], $0x80, s26, s8, $0xb8;
	[tilespmem:$0x1E800] =	vst v63  }
0x281: {  	_ =	swait.ge [sflag:s30], $0x2000  }
0x282: {  	[sflag:s30] =	ssyncset.done $0x0  }
0x283: {  	[sflag:s30] =	ssyncadd.s32 $0xFFFFE000  }
0x284: {  	_ =	swait.ge [sflag:s10], $0x4000  }
0x285: {  	[sflag:s10] =	ssyncset.done $0x0  }
0x286: {  	s28 =	rddreg [dreg:$0x6];
	[sflag:s10] =	ssyncadd.s32 $0xFFFFC000  }
0x287: {  	[tilespmem:s0], [sflag:$0x1] =	stream.indirect.gather [hbm4b:s4+s1], $0x80, s28, s1, $0xb8;
	[tilespmem:$0x1E800] =	vst v63  }
0x288: {  	s29 =	rddreg [dreg:$0x7]  }
0x289: {  	[spmem:s2] =	stream.indirect.scatter.add.f32 [tilespmem:s7], [sflag:$0x3], $0x80, s29, s8, $0xb8;
	[tilespmem:$0x1E800] =	vst v63  }
0x28a: {  	_ =	swait.ge [sflag:s30], $0x2000  }
0x28b: {  	[sflag:s30] =	ssyncset.done $0x0  }
0x28c: {  	s26 =	rddreg [dreg:$0x8];
	[sflag:s30] =	ssyncadd.s32 $0xFFFFE000  }
0x28d: {  	[spmem:s2] =	stream.indirect.scatter.add.f32 [tilespmem:s11], [sflag:$0x3], $0x80, s26, s8, $0xb8;
	[tilespmem:$0x1E800] =	vst v63  }
0x28e: {  	_ =	swait.ge [sflag:s30], $0x2000  }
0x28f: {  	[sflag:s30] =	ssyncset.done $0x0  }
0x290: {  	[sflag:s30] =	ssyncadd.s32 $0xFFFFE000  }
0x291: {  	_ =	swait.ge [sflag:s6], $0x4000  }
0x292: {  	[sflag:s6] =	ssyncset.done $0x0  }
0x293: {  	s28 =	rddreg [dreg:$0x9];
	[sflag:s6] =	ssyncadd.s32 $0xFFFFC000  }
0x294: {  	[tilespmem:s7], [sflag:$0x2] =	stream.indirect.gather [hbm4b:s4+s1], $0x80, s28, s1, $0xb8;
	[tilespmem:$0x1E800] =	vst v63  }
0x295: {  	s29 =	rddreg [dreg:$0xa]  }
0x296: {  	[spmem:s2] =	stream.indirect.scatter.add.f32 [tilespmem:s0], [sflag:$0x3], $0x80, s29, s8, $0xb8;
	[tilespmem:$0x1E800] =	vst v63  }
0x297: {  	_ =	swait.ge [sflag:s30], $0x2000  }
0x298: {  	[sflag:s30] =	ssyncset.done $0x0  }
0x299: {  	s26 =	rddreg [dreg:$0xb];
	[sflag:s30] =	ssyncadd.s32 $0xFFFFE000  }
0x29a: {  	[spmem:s2] =	stream.indirect.scatter.add.f32 [tilespmem:s9], [sflag:$0x3], $0x80, s26, s8, $0xb8;
	[tilespmem:$0x1E800] =	vst v63  }
0x29b: {  	_ =	swait.ge [sflag:s30], $0x2000  }
0x29c: {  	[sflag:s30] =	ssyncset.done $0x0  }
0x29d: {  	[sflag:s30] =	ssyncadd.s32 $0xFFFFE000  }
0x29e: {  	_ =	swait.ge [sflag:s10], $0x4000  }
0x29f: {  	[sflag:s10] =	ssyncset.done $0x0  }
0x2a0: {  	s28 =	rddreg [dreg:$0xc];
	[sflag:s10] =	ssyncadd.s32 $0xFFFFC000  }
0x2a1: {  	[tilespmem:s0], [sflag:$0x1] =	stream.indirect.gather [hbm4b:s4+s1], $0x80, s28, s1, $0xb8;
	[tilespmem:$0x1E800] =	vst v63  }
0x2a2: {  	s29 =	rddreg [dreg:$0xd]  }
0x2a3: {  	[spmem:s2] =	stream.indirect.scatter.add.f32 [tilespmem:s7], [sflag:$0x3], $0x80, s29, s8, $0xb8;
	[tilespmem:$0x1E800] =	vst v63  }
0x2a4: {  	_ =	swait.ge [sflag:s30], $0x2000  }
0x2a5: {  	[sflag:s30] =	ssyncset.done $0x0  }
0x2a6: {  	s26 =	rddreg [dreg:$0xe];
	[sflag:s30] =	ssyncadd.s32 $0xFFFFE000  }
0x2a7: {  	[spmem:s2] =	stream.indirect.scatter.add.f32 [tilespmem:s11], [sflag:$0x3], $0x80, s26, s8, $0xb8;
	[tilespmem:$0x1E800] =	vst v63  }
0x2a8: {  	_ =	swait.ge [sflag:s30], $0x2000  }
0x2a9: {  	[sflag:s30] =	ssyncset.done $0x0  }
0x2aa: {  	[sflag:s30] =	ssyncadd.s32 $0xFFFFE000  }
0x2ab: {  	_ =	swait.ge [sflag:s6], $0x4000  }
0x2ac: {  	[sflag:s6] =	ssyncset.done $0x0  }
0x2ad: {  	s28 =	rddreg [dreg:$0xf];
	[sflag:s6] =	ssyncadd.s32 $0xFFFFC000  }
0x2ae: {  	[tilespmem:s7], [sflag:$0x2] =	stream.indirect.gather [hbm4b:s4+s1], $0x80, s28, s1, $0xb8;
	[tilespmem:$0x1E800] =	vst v63  }
0x2af: {  	s29 =	rddreg [dreg:$0x10]  }
0x2b0: {  	[spmem:s2] =	stream.indirect.scatter.add.f32 [tilespmem:s0], [sflag:$0x3], $0x80, s29, s8, $0xb8;
	[tilespmem:$0x1E800] =	vst v63  }
0x2b1: {  	_ =	swait.ge [sflag:s30], $0x2000  }
0x2b2: {  	[sflag:s30] =	ssyncset.done $0x0  }
0x2b3: {  	s26 =	rddreg [dreg:$0x11];
	[sflag:s30] =	ssyncadd.s32 $0xFFFFE000  }
0x2b4: {  	[spmem:s2] =	stream.indirect.scatter.add.f32 [tilespmem:s9], [sflag:$0x3], $0x80, s26, s8, $0xb8;
	[tilespmem:$0x1E800] =	vst v63  }
0x2b5: {  	_ =	swait.ge [sflag:s30], $0x2000  }
0x2b6: {  	[sflag:s30] =	ssyncset.done $0x0  }
0x2b7: {  	[sflag:s30] =	ssyncadd.s32 $0xFFFFE000  }
0x2b8: {  	_ =	swait.ge [sflag:s10], $0x4000  }
0x2b9: {  	[sflag:s10] =	ssyncset.done $0x0  }
0x2ba: {  	s28 =	rddreg [dreg:$0x12];
	[sflag:s10] =	ssyncadd.s32 $0xFFFFC000  }
0x2bb: {  	[tilespmem:s0], [sflag:$0x1] =	stream.indirect.gather [hbm4b:s4+s1], $0x80, s28, s1, $0xb8;
	[tilespmem:$0x1E800] =	vst v63  }
0x2bc: {  	s29 =	rddreg [dreg:$0x13]  }
0x2bd: {  	[spmem:s2] =	stream.indirect.scatter.add.f32 [tilespmem:s7], [sflag:$0x3], $0x80, s29, s8, $0xb8;
	[tilespmem:$0x1E800] =	vst v63  }
0x2be: {  	_ =	swait.ge [sflag:s30], $0x2000  }
0x2bf: {  	[sflag:s30] =	ssyncset.done $0x0  }
0x2c0: {  	s26 =	rddreg [dreg:$0x14];
	[sflag:s30] =	ssyncadd.s32 $0xFFFFE000  }
0x2c1: {  	[spmem:s2] =	stream.indirect.scatter.add.f32 [tilespmem:s11], [sflag:$0x3], $0x80, s26, s8, $0xb8;
	[tilespmem:$0x1E800] =	vst v63  }
0x2c2: {  	_ =	swait.ge [sflag:s30], $0x2000  }
0x2c3: {  	[sflag:s30] =	ssyncset.done $0x0  }
0x2c4: {  	[sflag:s30] =	ssyncadd.s32 $0xFFFFE000  }
0x2c5: {  	_ =	swait.ge [sflag:s6], $0x4000  }
0x2c6: {  	[sflag:s6] =	ssyncset.done $0x0  }
0x2c7: {  	s28 =	rddreg [dreg:$0x15];
	[sflag:s6] =	ssyncadd.s32 $0xFFFFC000  }
0x2c8: {  	[tilespmem:s7], [sflag:$0x2] =	stream.indirect.gather [hbm4b:s4+s1], $0x80, s28, s1, $0xb8;
	[tilespmem:$0x1E800] =	vst v63  }
0x2c9: {  	s29 =	rddreg [dreg:$0x16]  }
0x2ca: {  	[spmem:s2] =	stream.indirect.scatter.add.f32 [tilespmem:s0], [sflag:$0x3], $0x80, s29, s8, $0xb8;
	[tilespmem:$0x1E800] =	vst v63  }
0x2cb: {  	_ =	swait.ge [sflag:s30], $0x2000  }
0x2cc: {  	[sflag:s30] =	ssyncset.done $0x0  }
0x2cd: {  	s26 =	rddreg [dreg:$0x17];
	[sflag:s30] =	ssyncadd.s32 $0xFFFFE000  }
0x2ce: {  	[spmem:s2] =	stream.indirect.scatter.add.f32 [tilespmem:s9], [sflag:$0x3], $0x80, s26, s8, $0xb8;
	[tilespmem:$0x1E800] =	vst v63  }
0x2cf: {  	_ =	swait.ge [sflag:s30], $0x2000  }
0x2d0: {  	[sflag:s30] =	ssyncset.done $0x0  }
0x2d1: {  	[sflag:s30] =	ssyncadd.s32 $0xFFFFE000  }
0x2d2: {  	_ =	swait.ge [sflag:s10], $0x4000  }
0x2d3: {  	[sflag:s10] =	ssyncset.done $0x0  }
0x2d4: {  	s28 =	rddreg [dreg:$0x18];
	[sflag:s10] =	ssyncadd.s32 $0xFFFFC000  }
0x2d5: {  	[tilespmem:s0], [sflag:$0x1] =	stream.indirect.gather [hbm4b:s4+s1], $0x80, s28, s1, $0xb8;
	[tilespmem:$0x1E800] =	vst v63  }
0x2d6: {  	s29 =	rddreg [dreg:$0x19]  }
0x2d7: {  	[spmem:s2] =	stream.indirect.scatter.add.f32 [tilespmem:s7], [sflag:$0x3], $0x80, s29, s8, $0xb8;
	[tilespmem:$0x1E800] =	vst v63  }
0x2d8: {  	_ =	swait.ge [sflag:s30], $0x2000  }
0x2d9: {  	[sflag:s30] =	ssyncset.done $0x0  }
0x2da: {  	s26 =	rddreg [dreg:$0x1a];
	[sflag:s30] =	ssyncadd.s32 $0xFFFFE000  }
0x2db: {  	[spmem:s2] =	stream.indirect.scatter.add.f32 [tilespmem:s11], [sflag:$0x3], $0x80, s26, s8, $0xb8;
	[tilespmem:$0x1E800] =	vst v63  }
0x2dc: {  	_ =	swait.ge [sflag:s30], $0x2000  }
0x2dd: {  	[sflag:s30] =	ssyncset.done $0x0  }
0x2de: {  	[sflag:s30] =	ssyncadd.s32 $0xFFFFE000  }
0x2df: {  	_ =	swait.ge [sflag:s6], $0x4000  }
0x2e0: {  	[sflag:s6] =	ssyncset.done $0x0  }
0x2e1: {  	s28 =	rddreg [dreg:$0x1b];
	[sflag:s6] =	ssyncadd.s32 $0xFFFFC000  }
0x2e2: {  	[tilespmem:s7], [sflag:$0x2] =	stream.indirect.gather [hbm4b:s4+s1], $0x80, s28, s1, $0xb8;
	[tilespmem:$0x1E800] =	vst v63  }
0x2e3: {  	s29 =	rddreg [dreg:$0x1c]  }
0x2e4: {  	[spmem:s2] =	stream.indirect.scatter.add.f32 [tilespmem:s0], [sflag:$0x3], $0x80, s29, s8, $0xb8;
	[tilespmem:$0x1E800] =	vst v63  }
0x2e5: {  	_ =	swait.ge [sflag:s30], $0x2000  }
0x2e6: {  	[sflag:s30] =	ssyncset.done $0x0  }
0x2e7: {  	s26 =	rddreg [dreg:$0x1d];
	[sflag:s30] =	ssyncadd.s32 $0xFFFFE000  }
0x2e8: {  	[spmem:s2] =	stream.indirect.scatter.add.f32 [tilespmem:s9], [sflag:$0x3], $0x80, s26, s8, $0xb8;
	[tilespmem:$0x1E800] =	vst v63  }
0x2e9: {  	_ =	swait.ge [sflag:s30], $0x2000  }
0x2ea: {  	[sflag:s30] =	ssyncset.done $0x0  }
0x2eb: {  	[sflag:s30] =	ssyncadd.s32 $0xFFFFE000  }
0x2ec: {  	_ =	swait.ge [sflag:s10], $0x4000  }
0x2ed: {  	[sflag:s10] =	ssyncset.done $0x0  }
0x2ee: {  	s28 =	rddreg [dreg:$0x1e];
	[sflag:s10] =	ssyncadd.s32 $0xFFFFC000  }
0x2ef: {  	[tilespmem:s0], [sflag:$0x1] =	stream.indirect.gather [hbm4b:s4+s1], $0x80, s28, s1, $0xb8;
	[tilespmem:$0x1E800] =	vst v63  }
0x2f0: {  	s29 =	rddreg [dreg:$0x1f]  }
0x2f1: {  	[spmem:s2] =	stream.indirect.scatter.add.f32 [tilespmem:s7], [sflag:$0x3], $0x80, s29, s8, $0xb8;
	[tilespmem:$0x1E800] =	vst v63  }
0x2f2: {  	_ =	swait.ge [sflag:s30], $0x2000  }
0x2f3: {  	s26 =	sld [smem:$0x7F2]  }
0x2f4: {  	[sflag:s30] =	ssyncset.done $0x0  }
0x2f5: {  	[sflag:s30] =	ssyncadd.s32 $0xFFFFE000  }
0x2f6: {  	[spmem:s2] =	stream.indirect.scatter.add.f32 [tilespmem:s11], [sflag:$0x3], $0x80, s26, s8, $0xb8;
	[tilespmem:$0x1E800] =	vst v63  }
0x2f7: {  	_ =	swait.ge [sflag:s30], $0x2000  }
0x2f8: {  	[sflag:s30] =	ssyncset.done $0x0  }
0x2f9: {  	[sflag:s30] =	ssyncadd.s32 $0xFFFFE000  }
0x2fa: {  	_ =	swait.ge [sflag:s6], $0x4000  }
0x2fb: {  	s28 =	sld [smem:$0x7F3]  }
0x2fc: {  	[sflag:s6] =	ssyncset.done $0x0  }
0x2fd: {  	s29 =	sld [smem:$0x7F5];
	[sflag:s6] =	ssyncadd.s32 $0xFFFFC000  }
0x2fe: {  	[tilespmem:s7], [sflag:$0x2] =	stream.indirect.gather [hbm4b:s4+s1], $0x80, s28, s1, $0xb8;
	[tilespmem:$0x1E800] =	vst v63  }
0x2ff: {  	_ = 	snop  }
0x300: {  	[spmem:s2] =	stream.indirect.scatter.add.f32 [tilespmem:s0], [sflag:$0x3], $0x80, s29, s8, $0xb8;
	[tilespmem:$0x1E800] =	vst v63  }
0x301: {  	_ =	swait.ge [sflag:s30], $0x2000  }
0x302: {  	s23 =	sld [smem:$0x7F7]  }
0x303: {  	[sflag:s30] =	ssyncset.done $0x0  }
0x304: {  	[sflag:s30] =	ssyncadd.s32 $0xFFFFE000  }
0x305: {  	[spmem:s2] =	stream.indirect.scatter.add.f32 [tilespmem:s9], [sflag:$0x3], $0x80, s23, s8, $0xb8;
	[tilespmem:$0x1E800] =	vst v63  }
0x306: {  	_ =	swait.ge [sflag:s30], $0x2000  }
0x307: {  	[sflag:s30] =	ssyncset.done $0x0  }
0x308: {  	[sflag:s30] =	ssyncadd.s32 $0xFFFFE000  }
0x309: {  	_ =	swait.ge [sflag:s10], $0x4000  }
0x30a: {  	s26 =	sld [smem:$0x7F9]  }
0x30b: {  	[sflag:s10] =	ssyncset.done $0x0  }
0x30c: {  	[sflag:s10] =	ssyncadd.s32 $0xFFFFC000  }
0x30d: {  	[tilespmem:s0], [sflag:$0x1] =	stream.indirect.gather [hbm4b:s4+s1], $0x80, s26, s1, $0xb8;
	[tilespmem:$0x1E800] =	vst v63  }
0x30e: {  	_ = 	snop  }
0x30f: {  	[spmem:s2] =	stream.indirect.scatter.add.f32 [tilespmem:s7], [sflag:$0x3], $0x80, s12, s8, $0xb8;
	[tilespmem:$0x1E800] =	vst v63  }
0x310: {  	_ =	swait.ge [sflag:s30], $0x2000  }
0x311: {  	[sflag:s30] =	ssyncset.done $0x0  }
0x312: {  	[sflag:s30] =	ssyncadd.s32 $0xFFFFE000  }
0x313: {  	[spmem:s2] =	stream.indirect.scatter.add.f32 [tilespmem:s11], [sflag:$0x3], $0x80, s13, s8, $0xb8;
	[tilespmem:$0x1E800] =	vst v63  }
0x314: {  	_ =	swait.ge [sflag:s30], $0x2000  }
0x315: {  	[sflag:s30] =	ssyncset.done $0x0  }
0x316: {  	[sflag:s30] =	ssyncadd.s32 $0xFFFFE000  }
0x317: {  	_ =	swait.ge [sflag:s6], $0x4000  }
0x318: {  	[sflag:s6] =	ssyncset.done $0x0  }
0x319: {  	[sflag:s6] =	ssyncadd.s32 $0xFFFFC000  }
0x31a: {  	[tilespmem:s7], [sflag:$0x2] =	stream.indirect.gather [hbm4b:s4+s1], $0x80, s14, s1, $0xb8;
	[tilespmem:$0x1E800] =	vst v63  }
0x31b: {  	_ = 	snop  }
0x31c: {  	[spmem:s2] =	stream.indirect.scatter.add.f32 [tilespmem:s0], [sflag:$0x3], $0x80, s15, s8, $0xb8;
	[tilespmem:$0x1E800] =	vst v63  }
0x31d: {  	_ =	swait.ge [sflag:s30], $0x2000  }
0x31e: {  	[sflag:s30] =	ssyncset.done $0x0  }
0x31f: {  	[sflag:s30] =	ssyncadd.s32 $0xFFFFE000  }
0x320: {  	[spmem:s2] =	stream.indirect.scatter.add.f32 [tilespmem:s9], [sflag:$0x3], $0x80, s16, s8, $0xb8;
	[tilespmem:$0x1E800] =	vst v63  }
0x321: {  	_ =	swait.ge [sflag:s30], $0x2000  }
0x322: {  	[sflag:s30] =	ssyncset.done $0x0  }
0x323: {  	[sflag:s30] =	ssyncadd.s32 $0xFFFFE000  }
0x324: {  	_ =	swait.ge [sflag:s10], $0x4000  }
0x325: {  	[sflag:s10] =	ssyncset.done $0x0  }
0x326: {  	[sflag:s10] =	ssyncadd.s32 $0xFFFFC000  }
0x327: {  	[tilespmem:s0], [sflag:$0x1] =	stream.indirect.gather [hbm4b:s4+s1], $0x80, s17, s1, $0xb8;
	[tilespmem:$0x1E800] =	vst v63  }
0x328: {  	_ = 	snop  }
0x329: {  	[spmem:s2] =	stream.indirect.scatter.add.f32 [tilespmem:s7], [sflag:$0x3], $0x80, s18, s8, $0xb8;
	[tilespmem:$0x1E800] =	vst v63  }
0x32a: {  	_ =	swait.ge [sflag:s30], $0x2000  }
0x32b: {  	[sflag:s30] =	ssyncset.done $0x0  }
0x32c: {  	[sflag:s30] =	ssyncadd.s32 $0xFFFFE000  }
0x32d: {  	[spmem:s2] =	stream.indirect.scatter.add.f32 [tilespmem:s11], [sflag:$0x3], $0x80, s19, s8, $0xb8;
	[tilespmem:$0x1E800] =	vst v63  }
0x32e: {  	_ =	swait.ge [sflag:s30], $0x2000  }
0x32f: {  	[sflag:s30] =	ssyncset.done $0x0  }
0x330: {  	[sflag:s30] =	ssyncadd.s32 $0xFFFFE000  }
0x331: {  	_ =	swait.ge [sflag:s6], $0x4000  }
0x332: {  	[sflag:s6] =	ssyncset.done $0x0  }
0x333: {  	[sflag:s6] =	ssyncadd.s32 $0xFFFFC000  }
0x334: {  	[tilespmem:s7], [sflag:$0x2] =	stream.indirect.gather [hbm4b:s4+s1], $0x80, s20, s1, $0xb8;
	[tilespmem:$0x1E800] =	vst v63  }
0x335: {  	_ = 	snop  }
0x336: {  	[spmem:s2] =	stream.indirect.scatter.add.f32 [tilespmem:s0], [sflag:$0x3], $0x80, s21, s8, $0xb8;
	[tilespmem:$0x1E800] =	vst v63  }
0x337: {  	_ =	swait.ge [sflag:s30], $0x2000  }
0x338: {  	[sflag:s30] =	ssyncset.done $0x0  }
0x339: {  	[sflag:s30] =	ssyncadd.s32 $0xFFFFE000  }
0x33a: {  	[spmem:s2] =	stream.indirect.scatter.add.f32 [tilespmem:s9], [sflag:$0x3], $0x80, s22, s8, $0xb8;
	[tilespmem:$0x1E800] =	vst v63  }
0x33b: {  	_ =	swait.ge [sflag:s30], $0x2000  }
0x33c: {  	[sflag:s30] =	ssyncset.done $0x0  }
0x33d: {  	[sflag:s30] =	ssyncadd.s32 $0xFFFFE000  }
0x33e: {  	_ =	swait.ge [sflag:s10], $0x4000  }
0x33f: {  	[sflag:s10] =	ssyncset.done $0x0  }
0x340: {  	[sflag:s10] =	ssyncadd.s32 $0xFFFFC000  }
0x341: {  	[spmem:s2] =	stream.indirect.scatter.add.f32 [tilespmem:s7], [sflag:$0x3], $0x80, s24, s8, $0xb8;
	[tilespmem:$0x1E800] =	vst v63  }
0x342: {  	_ =	swait.ge [sflag:s30], $0x2000  }
0x343: {  	[sflag:s30] =	ssyncset.done $0x0  }
0x344: {  	[sflag:s30] =	ssyncadd.s32 $0xFFFFE000  }
0x345: {  	[spmem:s2] =	stream.indirect.scatter.add.f32 [tilespmem:s11], [sflag:$0x3], $0x80, s25, s8, $0xb8;
	[tilespmem:$0x1E800] =	vst v63  }
0x346: {  	_ =	swait.ge [sflag:s30], $0x2000  }
0x347: {  	[sflag:s30] =	ssyncset.done $0x0  }
0x348: {  	[sflag:s30] =	ssyncadd.s32 $0xFFFFE000  }
0x349: {  	[bflag:$0x0] =	sbarrier.arrive $0xFFFF  }
0x34a: {  	s26 =	sld [smem:$0x7FD]  }
0x34b: {  	s28 =	stileid.u32;
	s29 =	sld [smem:$0x7E2]  }
0x34c: {  	s5 =	sshll.u32 s28, $0x6  }
0x34d: {  	s5 =	sor.u32 $0x1C03, s5;
	s23 =	sshrl.u32 s26, $0x3  }
0x34e: {  	[hbm:s29], [sflag:s5] =	dma.local [spmem:s23], $0x2800  }
0x34f: {  	_ =	swait.ge [sflag:s30], $0x2800  }
0x350: {  	s28 =	sld [smem:$0x7E1]  }
0x351: {  	s29 =	sld [smem:$0x7E3];
	_ =	sdelay $0x1  }
0x352: {  	s23 =	sadd.s32 $0x1, s28  }
0x353: {  	p0 =	sne.s32 s23, s29  }
.Ltmp2:
0x354: {  	_ = 	snop;
	(pc) =	sbr.rel @p0 .LBB2_1-.Ltmp2, $3  }
0x355: {  	_ =	sdelay $0x1  }
0x356: {  	[sflag:s30] =	ssyncset.done $0x0  }
0x357: {  	[sflag:s30] =	ssyncadd.s32 $0xFFFFD800  }
0x358: {  	_ =	sfence.sel $0x180000  }
0x359: {  	[bflag:$0x0] =	sbarrier.arrive $0xFFFF  }
0x35a: {  	_ =	strace $0x9000004D  }
0x35b: {  	s0 =	stileid.u32;
	[bflag:$0x2] =	sbarrier.arrive $0xFFFF  }
0x35c: {  	p0 =	sne.s32 s0, $0x0;
	s0 =	rddreg [dreg:$0x3]  }
0x35d: {  	s0 =	sadd.s32 @!p0 $0x100000, s0  }
0x35e: {  	[sflag:s0] =	ssyncadd.tile.s32 @!p0 $0x1;
	_ =	shalt  }
.Lfunc_end2:
_tile_overlayer_lowered:
.L_overlay_start_2:
0x35f: {  	(tag) =	ssettag $0x2  }
0x360: {  	s0 =	rddreg [dreg:$0x0];
	s2 =	stileid.u32  }
0x361: {  	s1 =	rddreg [dreg:$0x1];
	p0 =	sne.s32 s2, $0x0  }
0x362: {  	s3 =	rddreg [dreg:$0x2];
	[bflag:$0x3] =	sbarrier.arrive $0xFFFF;
	s2 =	simm.s32 @!p0 $0x1C03  }
0x363: {  	[timem:s3], [sflag:s2] =	dma.local @!p0 [hbm:s0], s1  }
0x364: {  	s0 =	simm.s32 @!p0 $0x3  }
0x365: {  	_ =	swait.ge @!p0 [sflag:s0], s1  }
0x366: {  	s1 =	ssub.s32 @!p0 $0x0, s1;
	[sflag:s0] =	ssyncset.done @!p0 $0x0  }
0x367: {  	[sflag:s0] =	ssyncadd.s32 @!p0 s1  }
0x368: {  	[bflag:$0x3] =	sbarrier.arrive $0xFFFF  }
0x369: {  	_ =	shalt  }

// kernel: kernel.9.cloned.1.call-start
scs
__scs_entry_jumppad:
0x0: {  	(pc) =	sbr.rel $0x88, $3  }
0x1: {  	(tag) =	ssettag $0x0;
	lr =	simm.s32 $0x1  }
0x2: {  	[smem:$0x3F9B] =	sst lr;
	_ =	strace $0xD0000000  }
0x3: {  	_ = 	snop  }
0x4: {  	_ = 	snop  }
0x5: {  	_ = 	snop  }
0x6: {  	_ = 	snop  }
0x7: {  	_ = 	snop  }
__scs_overlays_trampoline_lowered:
0x8: {  	[smem:$0x3FAA] =	sst s0  }
0x9: {  	[smem:$0x3FAB] =	sst s1  }
0xa: {  	[smem:$0x3FAC] =	sst s2  }
0xb: {  	[smem:$0x3FAD] =	sst s3  }
0xc: {  	[smem:$0x3FAE] =	sst s4  }
0xd: {  	[smem:$0x3FAF] =	sst s5  }
0xe: {  	[smem:$0x3FB0] =	sst s6  }
0xf: {  	[smem:$0x3FB1] =	sst s7  }
0x10: {  	[smem:$0x3FB2] =	sst s8  }
0x11: {  	[smem:$0x3FB3] =	sst s9;
	s0 =	simm.s32 @!p0 $0x0  }
0x12: {  	s1 =	sld [smem:$0x3F99];
	s0 =	simm.s32 @p0 $0x1  }
0x13: {  	[smem:$0x3FB4] =	sst s0;
	s0 =	simm.s32 @!p1 $0x0  }
0x14: {  	s2 =	sld [smem:$0x3F98];
	s0 =	simm.s32 @p1 $0x1  }
0x15: {  	[smem:$0x3FB5] =	sst s0;
	s0 =	simm.s32 @!p2 $0x0  }
0x16: {  	s3 =	sld [smem:$0x3FDB];
	s0 =	simm.s32 @p2 $0x1  }
0x17: {  	s4 =	simm.s32 $0x1BF5;
	[smem:$0x3FB7] =	sst s0  }
0x18: {  	s0 =	sld [smem:$0x3F9A];
	_ =	swait.ge [sflag:s4], $0x0  }
0x19: {  	s7 =	sld [smem:$0x3F9B]  }
0x1a: {  	s8 =	sadd.s32 $0xFFFFE003, lr  }
0x1b: {  	s9 =	sadd.s32 $0xFFFFFEF7, lr;
	s5 =	simm.s32 $0xFFFFFFFF;
	p2 =	slt.u32 s8, $0xFFFFF086  }
0x1c: {  	p1 =	slt.u32 s9, $0xF7A;
	s5 =	simm.s32 @!p2 $0x0  }
0x1d: {  	s5 =	simm.s32 @p1 $0x1;
	p0 =	seq.s32 s7, s2  }
0x1e: {  	s7 =	smul.u32 @!p0 $0xF7A, s2;
	p2 =	seq.s32 @!p0 s5, $0x0  }
0x1f: {  	s9 =	smul.u32 $0xF7A, s1;
	s8 =	simm.s32 @!p0 $0x1BF5;
	p2 =	por !p2, p0  }
0x20: {  	[sflag:s8] =	ssyncset.s32 @!p0 $0xFFFFF086;
	s6 =	sadd.s32 @!p0 s3, s7;
	s7 =	simm.s32 @!p0 $0x108  }
0x21: {  	s3 =	sadd.s32 s3, s9;
	s6 =	sadd.s32 @!p0 $0x88, s6;
	s7 =	simm.s32 @p2 $0x1082  }
0x22: {  	[simem:s7], [sflag:s8] =	dma.local @!p0 [hbm:s6], $0xF7A  }
0x23: {  	s9 =	sor.u32 $0xD0000000, s2;
	s6 =	simm.s32 $0x108;
	_ =	swait.ge @!p0 [sflag:s8], $0x0  }
0x24: {  	s3 =	sadd.s32 $0x88, s3;
	s6 =	simm.s32 @!p1 $0x1082;
	[sflag:s4] =	ssyncset.s32 $0xFFFFF086  }
0x25: {  	[simem:s6], [sflag:s4] =	dma.local [hbm:s3], $0xF7A  }
0x26: {  	[smem:$0x3F9B] =	sst s1;
	(tag) =	ssettag s2;
	_ =	strace s9  }
0x27: {  	s1 =	sld [smem:$0x3FAB]  }
0x28: {  	s2 =	sld [smem:$0x3FAC]  }
0x29: {  	s4 =	sld [smem:$0x3FAE]  }
0x2a: {  	p0 =	seq.s32 s5, $0x0;
	s5 =	sld [smem:$0x3FAF]  }
0x2b: {  	s6 =	sld [smem:$0x3FB0]  }
0x2c: {  	s7 =	sld [smem:$0x3FB1]  }
0x2d: {  	s3 =	simm.s32 $0x108;
	s8 =	sld [smem:$0x3FB2]  }
0x2e: {  	s3 =	simm.s32 @!p0 $0x1082;
	s9 =	sld [smem:$0x3FB3]  }
0x2f: {  	lr =	sadd.s32 s0, s3;
	s0 =	sld [smem:$0x3FAA]  }
0x30: {  	s3 =	sld [smem:$0x3FAD]  }
0x31: {  	[smem:$0x3FB6] =	sst s10  }
0x32: {  	s10 =	sld [smem:$0x3FB4];
	_ =	sdelay $0x3  }
0x33: {  	p0 =	seq.s32 s10, $0x1;
	s10 =	sld [smem:$0x3FB6];
	_ =	sdelay $0x3  }
0x34: {  	[smem:$0x3FB6] =	sst s10  }
0x35: {  	s10 =	sld [smem:$0x3FB5];
	_ =	sdelay $0x3  }
0x36: {  	p1 =	seq.s32 s10, $0x1;
	s10 =	sld [smem:$0x3FB6];
	_ =	sdelay $0x3  }
0x37: {  	[smem:$0x3FB6] =	sst s10  }
0x38: {  	s10 =	sld [smem:$0x3FB7]  }
0x39: {  	_ = 	snop;
	(pc) =	sbr.ind lr, $3  }
0x3a: {  	_ = 	snop  }
0x3b: {  	_ = 	snop  }
0x3c: {  	p2 =	seq.s32 s10, $0x1;
	s10 =	sld [smem:$0x3FB6]  }
0x3d: {  	_ =	shalt  }
0x3e: {  	_ =	shalt  }
0x3f: {  	_ =	shalt  }
0x40: {  	_ =	shalt  }
0x41: {  	_ =	shalt  }
0x42: {  	_ =	shalt  }
0x43: {  	_ =	shalt  }
0x44: {  	_ =	shalt  }
0x45: {  	_ =	shalt  }
0x46: {  	_ =	shalt  }
0x47: {  	_ =	shalt  }
0x48: {  	_ =	shalt  }
0x49: {  	_ =	shalt  }
0x4a: {  	_ =	shalt  }
0x4b: {  	_ =	shalt  }
0x4c: {  	_ =	shalt  }
0x4d: {  	_ =	shalt  }
0x4e: {  	_ =	shalt  }
0x4f: {  	_ =	shalt  }
0x50: {  	_ =	shalt  }
0x51: {  	_ =	shalt  }
0x52: {  	_ =	shalt  }
0x53: {  	_ =	shalt  }
0x54: {  	_ =	shalt  }
0x55: {  	_ =	shalt  }
0x56: {  	_ =	shalt  }
0x57: {  	_ =	shalt  }
0x58: {  	_ =	shalt  }
0x59: {  	_ =	shalt  }
0x5a: {  	_ =	shalt  }
0x5b: {  	_ =	shalt  }
0x5c: {  	_ =	shalt  }
0x5d: {  	_ =	shalt  }
0x5e: {  	_ =	shalt  }
0x5f: {  	_ =	shalt  }
0x60: {  	_ =	shalt  }
0x61: {  	_ =	shalt  }
0x62: {  	_ =	shalt  }
0x63: {  	_ =	shalt  }
0x64: {  	_ =	shalt  }
0x65: {  	_ =	shalt  }
0x66: {  	_ =	shalt  }
0x67: {  	_ =	shalt  }
0x68: {  	_ =	shalt  }
0x69: {  	_ =	shalt  }
0x6a: {  	_ =	shalt  }
0x6b: {  	_ =	shalt  }
0x6c: {  	_ =	shalt  }
0x6d: {  	_ =	shalt  }
0x6e: {  	_ =	shalt  }
0x6f: {  	_ =	shalt  }
0x70: {  	_ =	shalt  }
0x71: {  	_ =	shalt  }
0x72: {  	_ =	shalt  }
0x73: {  	_ =	shalt  }
0x74: {  	_ =	shalt  }
0x75: {  	_ =	shalt  }
0x76: {  	_ =	shalt  }
0x77: {  	_ =	shalt  }
0x78: {  	_ =	shalt  }
0x79: {  	_ =	shalt  }
0x7a: {  	_ =	shalt  }
0x7b: {  	_ =	shalt  }
0x7c: {  	_ =	shalt  }
0x7d: {  	_ =	shalt  }
0x7e: {  	_ =	shalt  }
0x7f: {  	_ =	shalt  }
0x80: {  	_ =	shalt  }
0x81: {  	_ =	shalt  }
0x82: {  	_ =	shalt  }
0x83: {  	_ =	shalt  }
0x84: {  	_ =	shalt  }
0x85: {  	_ =	shalt  }
0x86: {  	_ =	shalt  }
0x87: {  	_ =	shalt  }
.Lfunc_end0:
.L_simem_size_0:
called_computation_lowered:
.L_overlay_start_0:
0x88: {  	s2 =	sld [smem:$0x3FD9]  }
0x89: {  	s3 =	sld [smem:$0x3FFE];
	_ =	sdelay $0x1  }
0x8a: {  	s1 =	srdreg.scid  }
0x8b: {  	s0 =	sand.u32 $0x1, s1  }
0x8c: {  	s17 =	sshll.u32 s0, $0xA;
	s2 =	sadd.s32 s3, s2  }
0x8d: {  	s2 =	sadd.s32 s2, s17  }
0x8e: {  	[smem:$0x3FC2] =	sst s2  }
0x8f: {  	_ = 	snop  }
0x90: {  	s2 =	sld [smem:$0x3FD0];
	(tm) =	ssettm $0x1  }
0x91: {  	s18 =	sld [smem:$0x3FFB];
	_ =	sdelay $0x3  }
0x92: {  	_ =	strace s18  }
0x93: {  	s3 =	sld [smem:$0x3FFC];
	_ =	sdelay $0x3  }
0x94: {  	_ =	strace s3  }
0x95: {  	s3 =	sld [smem:$0x3FFD];
	_ =	sdelay $0x3  }
0x96: {  	_ =	strace s3  }
0x97: {  	_ =	strace $0x8FFFFFFF  }
0x98: {  	s19 =	sld [smem:$0x3FDB];
	_ =	sdelay $0x1  }
0x99: {  	s4 =	simm.s32 $_scs_section_size  }
0x9a: {  	s5 =	simm.s32 $_size__tile_overlayer_lowered;
	s6 =	simm.s32 $_tile_overlayer_lowered  }
0x9b: {  	s22 =	simm.s32 $0x1BFF;
	s21 =	sshll.u32 s6, $0x1;
	s3 =	sadd.s32 s4, s19  }
0x9c: {  	s7 =	simm.s32 $0x0;
	s20 =	sshll.u32 s5, $0x1;
	s5 =	sadd.s32 s21, s3  }
0x9d: {  	[timem:s7], [sflag:s22] =	dma.local [hbm:s5], s20  }
0x9e: {  	_ =	swait.ge [sflag:s22], s20  }
0x9f: {  	s4 =	ssub.s32 $0x0, s20;
	[sflag:s22] =	ssyncset.done $0x0  }
0xa0: {  	[sflag:s22] =	ssyncadd.s32 s4;
	_ =	sdelay $0x1  }
0xa1: {  	s23 =	simm.s32 $0x1B8B  }
0xa2: {  	_ =	swait.ge [sflag:s23], $0x1  }
0xa3: {  	[sflag:s23] =	ssyncset.done $0x0  }
0xa4: {  	s25 =	simm.s32 $0x1B8E;
	s24 =	sld [smem:$0x3FFE];
	[sflag:s23] =	ssyncadd.s32 $0xFFFFFFFF  }
0xa5: {  	s26 =	simm.s32 $execute0_lowered;
	[smem:$0x3FD2] =	sst s25  }
0xa6: {  	s5 =	sshll.u32 s26, $0x1;
	_ =	strace $0x80000046;
	[dreg:$0x1] =	wrdreg $0xFFFFFFFF  }
0xa7: {  	s28 =	simm.s32 $_size_execute0_lowered;
	s3 =	sadd.s32 s3, s5;
	[dreg:$0x0] =	wrdreg $0x0  }
0xa8: {  	s5 =	sshll.u32 s28, $0x1;
	[dreg:$0x2] =	wrdreg s3  }
0xa9: {  	[dreg:$0x3] =	wrdreg s5  }
0xaa: {  	[dreg:$0x4] =	wrdreg $0xC0  }
0xab: {  	_ =	task [dreg:s7], $0x5FFFF  }
0xac: {  	[dreg:$0x1] =	wrdreg $0xFFFFFFFF  }
0xad: {  	[dreg:$0x0] =	wrdreg $0x60  }
0xae: {  	[dreg:$0x2] =	wrdreg s2  }
0xaf: {  	[dreg:$0x3] =	wrdreg s24  }
0xb0: {  	[dreg:$0x4] =	wrdreg $0x80000  }
0xb1: {  	[dreg:$0x5] =	wrdreg $0x9  }
0xb2: {  	_ =	task.clear_ibuf [dreg:s7], $0x6FFFF;
	_ =	strace $0x90000046  }
0xb3: {  	s29 =	simm.s32 $0x9;
	_ =	strace $0x80000048  }
0xb4: {  	_ =	swait.ge [sflag:s29], $0x1  }
0xb5: {  	[sflag:s29] =	ssyncadd.s32 $0xFFFFFFFF  }
0xb6: {  	_ =	strace $0x90000048  }
0xb7: {  	_ =	sfence  }
0xb8: {  	s30 =	sld [smem:$0x0];
	_ =	sdelay $0x2  }
0xb9: {  	s31 =	sshll.u32 s1, $0xD;
	s1 =	sshrl.u32 s1, $0x2  }
0xba: {  	s3 =	sand.u32 $0x4000, s31;
	s1 =	sadd.s32 s1, s30  }
0xbb: {  	s0 =	sor.u32 s3, s0;
	s1 =	sshll.u32 s1, $0x11  }
0xbc: {  	s0 =	sor.u32 s1, s0  }
0xbd: {  	s0 =	sadd.s32 $0x8F2B, s0  }
0xbe: {  	[sflag:s0] =	ssyncadd.remote.s32 $0x1  }
0xbf: {  	_ =	sfence.sel $0xFFFF  }
0xc0: {  	[dreg:$0x0] =	wrdreg $0xFFFFFFFF;
	(pc) =	sbr.abs _section_cstart, $3  }
0xc1: {  	[dreg:$0x1] =	wrdreg $0xFFFFFFFF  }
0xc2: {  	_ =	task.clear_ibuf [dreg:s7], $0x2FFFF;
	_ =	strace $0x9FFFFFFF  }
0xc3: {  	(tm) =	ssettm $0x7FFFFFFF  }
tec
execute0_lowered:
.L_overlay_start_1:
0x0: {  	(tag) =	ssettag $0x1  }
0x1: {  	s0 =	rddreg [dreg:$0x0]  }
0x2: {  	s1 =	rddreg [dreg:$0x1]  }
0x3: {  	s2 =	rddreg [dreg:$0x2];
	s3 =	srdreg.scid  }
0x4: {  	s7 =	stileid.u32;
	s8 =	simm.s32 $0x0;
	s28 =	simm.s32 $0x1  }
0x5: {  	s29 =	simm.s32 $0x7000;
	s30 =	simm.s32 $0x40;
	s4 =	smul.u32 $0x2800, s7  }
0x6: {  	s31 =	simm.s32 $0x5000;
	s3 =	sand.u32 $0x1, s3;
	s24 =	smul.u32 $0x50000, s7  }
0x7: {  	s5 =	sshll.u32 s7, $0x1;
	[smem:$0x7FF] =	sst s8;
	s6 =	smul.u32 $0x28000, s3  }
0x8: {  	s5 =	sor.u32 s3, s5;
	s3 =	ssub.s32 $0x2, s3;
	_ =	strace $0x80000047  }
0x9: {  	s5 =	smul.u32 $0xA00, s5;
	s25 =	sshrl.u32 s3, $0x1;
	s4 =	sadd.s32 s4, s6  }
0xa: {  	s26 =	sshrl.u32 s24, $0x2;
	s3 =	ssub.s32 s3, s25;
	s1 =	sadd.s32 s4, s1  }
0xb: {  	s4 =	sadd.s32 s0, s5;
	s5 =	sadd.s32 s26, s2;
	s7 =	smax.u32 s3, $0x1  }
0xc: {  	s0 =	simm.s32 $0x0;
	s6 =	sadd.s32 $0x2A00, s1;
	s8 =	sadd.s32 $0x1000, s5  }
0xd: {  	s9 =	sadd.s32 $0x2000, s5;
	s10 =	sadd.s32 $0x3000, s5;
	s11 =	sadd.s32 $0x4000, s5  }
0xe: {  	s12 =	sadd.s32 $0x5000, s5;
	s13 =	sadd.s32 $0x6000, s5;
	s14 =	sadd.s32 $0x7000, s5  }
0xf: {  	s15 =	sadd.s32 $0x8000, s5;
	s16 =	sadd.s32 $0x9000, s5;
	s17 =	sadd.s32 $0xA000, s5  }
0x10: {  	s18 =	sadd.s32 $0xB000, s5;
	s19 =	sadd.s32 $0xC000, s5;
	s20 =	sadd.s32 $0xD000, s5  }
0x11: {  	s21 =	sadd.s32 $0xE000, s5;
	s22 =	sadd.s32 $0xF000, s5;
	s23 =	sadd.s32 $0x10000, s5  }
0x12: {  	v0 =	vimm.f32 $1.000000000e+00;
	v1 =	vimm.f32 $0.0e+00;
	s24 =	sadd.s32 $0x11000, s5;
	s25 =	sadd.s32 $0x12000, s5;
	s26 =	sadd.s32 $0x13000, s5  }
.LBB2_1:
0x13: {  	s1 =	simm.s32 $0x0  }
0x14: {  	[tilespmem:s1], [sflag:$0x1] =	stream.linear.gather [hbm4b:s4+s1], $0x5000, $0x38;
	[tilespmem:$0xA800] =	vst v63  }
0x15: {  	_ =	swait.ge [sflag:s28], $0x5000  }
0x16: {  	[sflag:s28] =	ssyncset.done $0x0  }
0x17: {  	s3 =	simm.s32 $0x200;
	s1 =	simm.s32 $0x0;
	[sflag:s28] =	ssyncadd.s32 $0xFFFFB000  }
.LBB2_2:
0x18: {  	p0 =	sne.s32 s3, $0x7E00;
	[tilespmem:s1+$0x5000] =	vst v0;
	s1 =	smov.u32 s3;
	s3 =	sadd.s32 $0x200, s3  }
.Ltmp0:
0x19: {  	(pc) =	sbr.rel @p0 .LBB2_2-.Ltmp0, $2  }
0x1a: {  	_ =	sdelay $0x2  }
0x1b: {  	s1 =	sshra.s32 s1, $0x2  }
0x1c: {  	[tilespmem:s1+$0x5000] =	vst v0  }
0x1d: {  	[tilespmem:$0x7000] =	vst v1  }
0x1e: {  	[tilespmem:$0x7080] =	vst v1  }
0x1f: {  	[tilespmem:$0x7100] =	vst v1  }
0x20: {  	[tilespmem:$0x7180] =	vst v1  }
0x21: {  	[tilespmem:$0x7200] =	vst v1  }
0x22: {  	[tilespmem:$0x7280] =	vst v1  }
0x23: {  	[tilespmem:$0x7300] =	vst v1  }
0x24: {  	[tilespmem:$0x7380] =	vst v1  }
0x25: {  	[tilespmem:$0x7400] =	vst v1  }
0x26: {  	[tilespmem:$0x7480] =	vst v1  }
0x27: {  	[tilespmem:$0x7500] =	vst v1  }
0x28: {  	[tilespmem:$0x7580] =	vst v1  }
0x29: {  	[tilespmem:$0x7600] =	vst v1  }
0x2a: {  	[tilespmem:$0x7680] =	vst v1  }
0x2b: {  	[tilespmem:$0x7700] =	vst v1  }
0x2c: {  	[tilespmem:$0x7780] =	vst v1  }
0x2d: {  	[tilespmem:$0x7800] =	vst v1  }
0x2e: {  	[tilespmem:$0x7880] =	vst v1  }
0x2f: {  	[tilespmem:$0x7900] =	vst v1  }
0x30: {  	[tilespmem:$0x7980] =	vst v1  }
0x31: {  	[tilespmem:$0x7A00] =	vst v1  }
0x32: {  	[tilespmem:$0x7A80] =	vst v1  }
0x33: {  	[tilespmem:$0x7B00] =	vst v1  }
0x34: {  	[tilespmem:$0x7B80] =	vst v1  }
0x35: {  	[tilespmem:$0x7C00] =	vst v1  }
0x36: {  	[tilespmem:$0x7C80] =	vst v1  }
0x37: {  	[tilespmem:$0x7D00] =	vst v1  }
0x38: {  	[tilespmem:$0x7D80] =	vst v1  }
0x39: {  	[tilespmem:$0x7E00] =	vst v1  }
0x3a: {  	[tilespmem:$0x7E80] =	vst v1  }
0x3b: {  	[tilespmem:$0x7F00] =	vst v1  }
0x3c: {  	[tilespmem:$0x7F80] =	vst v1  }
0x3d: {  	[spmem:s5] =	stream.linear.scatter [tilespmem:s29], [sflag:$0x1], $0x1000, $0x38;
	[tilespmem:$0xA800] =	vst v63  }
0x3e: {  	_ =	swait.ge [sflag:s28], $0x1000  }
0x3f: {  	[sflag:s28] =	ssyncset.done $0x0  }
0x40: {  	[sflag:s28] =	ssyncadd.s32 $0xFFFFF000  }
0x41: {  	[spmem:s8] =	stream.linear.scatter [tilespmem:s29], [sflag:$0x1], $0x1000, $0x38;
	[tilespmem:$0xA800] =	vst v63  }
0x42: {  	_ =	swait.ge [sflag:s28], $0x1000  }
0x43: {  	[sflag:s28] =	ssyncset.done $0x0  }
0x44: {  	[sflag:s28] =	ssyncadd.s32 $0xFFFFF000  }
0x45: {  	[spmem:s9] =	stream.linear.scatter [tilespmem:s29], [sflag:$0x1], $0x1000, $0x38;
	[tilespmem:$0xA800] =	vst v63  }
0x46: {  	_ =	swait.ge [sflag:s28], $0x1000  }
0x47: {  	[sflag:s28] =	ssyncset.done $0x0  }
0x48: {  	[sflag:s28] =	ssyncadd.s32 $0xFFFFF000  }
0x49: {  	[spmem:s10] =	stream.linear.scatter [tilespmem:s29], [sflag:$0x1], $0x1000, $0x38;
	[tilespmem:$0xA800] =	vst v63  }
0x4a: {  	_ =	swait.ge [sflag:s28], $0x1000  }
0x4b: {  	[sflag:s28] =	ssyncset.done $0x0  }
0x4c: {  	[sflag:s28] =	ssyncadd.s32 $0xFFFFF000  }
0x4d: {  	[spmem:s11] =	stream.linear.scatter [tilespmem:s29], [sflag:$0x1], $0x1000, $0x38;
	[tilespmem:$0xA800] =	vst v63  }
0x4e: {  	_ =	swait.ge [sflag:s28], $0x1000  }
0x4f: {  	[sflag:s28] =	ssyncset.done $0x0  }
0x50: {  	[sflag:s28] =	ssyncadd.s32 $0xFFFFF000  }
0x51: {  	[spmem:s12] =	stream.linear.scatter [tilespmem:s29], [sflag:$0x1], $0x1000, $0x38;
	[tilespmem:$0xA800] =	vst v63  }
0x52: {  	_ =	swait.ge [sflag:s28], $0x1000  }
0x53: {  	[sflag:s28] =	ssyncset.done $0x0  }
0x54: {  	[sflag:s28] =	ssyncadd.s32 $0xFFFFF000  }
0x55: {  	[spmem:s13] =	stream.linear.scatter [tilespmem:s29], [sflag:$0x1], $0x1000, $0x38;
	[tilespmem:$0xA800] =	vst v63  }
0x56: {  	_ =	swait.ge [sflag:s28], $0x1000  }
0x57: {  	[sflag:s28] =	ssyncset.done $0x0  }
0x58: {  	[sflag:s28] =	ssyncadd.s32 $0xFFFFF000  }
0x59: {  	[spmem:s14] =	stream.linear.scatter [tilespmem:s29], [sflag:$0x1], $0x1000, $0x38;
	[tilespmem:$0xA800] =	vst v63  }
0x5a: {  	_ =	swait.ge [sflag:s28], $0x1000  }
0x5b: {  	[sflag:s28] =	ssyncset.done $0x0  }
0x5c: {  	[sflag:s28] =	ssyncadd.s32 $0xFFFFF000  }
0x5d: {  	[spmem:s15] =	stream.linear.scatter [tilespmem:s29], [sflag:$0x1], $0x1000, $0x38;
	[tilespmem:$0xA800] =	vst v63  }
0x5e: {  	_ =	swait.ge [sflag:s28], $0x1000  }
0x5f: {  	[sflag:s28] =	ssyncset.done $0x0  }
0x60: {  	[sflag:s28] =	ssyncadd.s32 $0xFFFFF000  }
0x61: {  	[spmem:s16] =	stream.linear.scatter [tilespmem:s29], [sflag:$0x1], $0x1000, $0x38;
	[tilespmem:$0xA800] =	vst v63  }
0x62: {  	_ =	swait.ge [sflag:s28], $0x1000  }
0x63: {  	[sflag:s28] =	ssyncset.done $0x0  }
0x64: {  	[sflag:s28] =	ssyncadd.s32 $0xFFFFF000  }
0x65: {  	[spmem:s17] =	stream.linear.scatter [tilespmem:s29], [sflag:$0x1], $0x1000, $0x38;
	[tilespmem:$0xA800] =	vst v63  }
0x66: {  	_ =	swait.ge [sflag:s28], $0x1000  }
0x67: {  	[sflag:s28] =	ssyncset.done $0x0  }
0x68: {  	[sflag:s28] =	ssyncadd.s32 $0xFFFFF000  }
0x69: {  	[spmem:s18] =	stream.linear.scatter [tilespmem:s29], [sflag:$0x1], $0x1000, $0x38;
	[tilespmem:$0xA800] =	vst v63  }
0x6a: {  	_ =	swait.ge [sflag:s28], $0x1000  }
0x6b: {  	[sflag:s28] =	ssyncset.done $0x0  }
0x6c: {  	[sflag:s28] =	ssyncadd.s32 $0xFFFFF000  }
0x6d: {  	[spmem:s19] =	stream.linear.scatter [tilespmem:s29], [sflag:$0x1], $0x1000, $0x38;
	[tilespmem:$0xA800] =	vst v63  }
0x6e: {  	_ =	swait.ge [sflag:s28], $0x1000  }
0x6f: {  	[sflag:s28] =	ssyncset.done $0x0  }
0x70: {  	[sflag:s28] =	ssyncadd.s32 $0xFFFFF000  }
0x71: {  	[spmem:s20] =	stream.linear.scatter [tilespmem:s29], [sflag:$0x1], $0x1000, $0x38;
	[tilespmem:$0xA800] =	vst v63  }
0x72: {  	_ =	swait.ge [sflag:s28], $0x1000  }
0x73: {  	[sflag:s28] =	ssyncset.done $0x0  }
0x74: {  	[sflag:s28] =	ssyncadd.s32 $0xFFFFF000  }
0x75: {  	[spmem:s21] =	stream.linear.scatter [tilespmem:s29], [sflag:$0x1], $0x1000, $0x38;
	[tilespmem:$0xA800] =	vst v63  }
0x76: {  	_ =	swait.ge [sflag:s28], $0x1000  }
0x77: {  	[sflag:s28] =	ssyncset.done $0x0  }
0x78: {  	[sflag:s28] =	ssyncadd.s32 $0xFFFFF000  }
0x79: {  	[spmem:s22] =	stream.linear.scatter [tilespmem:s29], [sflag:$0x1], $0x1000, $0x38;
	[tilespmem:$0xA800] =	vst v63  }
0x7a: {  	_ =	swait.ge [sflag:s28], $0x1000  }
0x7b: {  	[sflag:s28] =	ssyncset.done $0x0  }
0x7c: {  	[sflag:s28] =	ssyncadd.s32 $0xFFFFF000  }
0x7d: {  	[spmem:s23] =	stream.linear.scatter [tilespmem:s29], [sflag:$0x1], $0x1000, $0x38;
	[tilespmem:$0xA800] =	vst v63  }
0x7e: {  	_ =	swait.ge [sflag:s28], $0x1000  }
0x7f: {  	[sflag:s28] =	ssyncset.done $0x0  }
0x80: {  	[sflag:s28] =	ssyncadd.s32 $0xFFFFF000  }
0x81: {  	[spmem:s24] =	stream.linear.scatter [tilespmem:s29], [sflag:$0x1], $0x1000, $0x38;
	[tilespmem:$0xA800] =	vst v63  }
0x82: {  	_ =	swait.ge [sflag:s28], $0x1000  }
0x83: {  	[sflag:s28] =	ssyncset.done $0x0  }
0x84: {  	[sflag:s28] =	ssyncadd.s32 $0xFFFFF000  }
0x85: {  	[spmem:s25] =	stream.linear.scatter [tilespmem:s29], [sflag:$0x1], $0x1000, $0x38;
	[tilespmem:$0xA800] =	vst v63  }
0x86: {  	_ =	swait.ge [sflag:s28], $0x1000  }
0x87: {  	[sflag:s28] =	ssyncset.done $0x0  }
0x88: {  	[sflag:s28] =	ssyncadd.s32 $0xFFFFF000  }
0x89: {  	[spmem:s26] =	stream.linear.scatter [tilespmem:s29], [sflag:$0x1], $0x1000, $0x38;
	[tilespmem:$0xA800] =	vst v63  }
0x8a: {  	_ =	swait.ge [sflag:s28], $0x1000  }
0x8b: {  	[sflag:s28] =	ssyncset.done $0x0  }
0x8c: {  	[sflag:s28] =	ssyncadd.s32 $0xFFFFF000  }
0x8d: {  	s3 =	simm.s32 $0x0;
	[bflag:$0x0] =	sbarrier.arrive $0xFFFF  }
0x8e: {  	[spmem:s2] =	stream.indirect.scatter.add.f32 [tilespmem:s31], [sflag:$0x1], $0x10, s3, s30, $0xb8;
	[tilespmem:$0xA800] =	vst v63  }
0x8f: {  	_ =	swait.ge [sflag:s28], $0x400  }
0x90: {  	s3 =	simm.s32 $0x200;
	[sflag:s28] =	ssyncset.done $0x0  }
.LBB2_4:
0x91: {  	s1 =	sshra.s32 s3, $0x2;
	[sflag:s28] =	ssyncadd.s32 $0xFFFFFC00;
	p0 =	sne.s32 s3, $0x13E00  }
0x92: {  	[spmem:s2] =	stream.indirect.scatter.add.f32 [tilespmem:s31], [sflag:$0x1], $0x10, s1, s30, $0xb8;
	[tilespmem:$0xA800] =	vst v63  }
.Ltmp1:
0x93: {  	_ = 	snop;
	(pc) =	sbr.rel @p0 .LBB2_4-.Ltmp1, $4  }
0x94: {  	_ = 	snop  }
0x95: {  	s3 =	sadd.s32 $0x200, s3  }
0x96: {  	_ =	swait.ge [sflag:s28], $0x400  }
0x97: {  	[sflag:s28] =	ssyncset.done $0x0  }
0x98: {  	[sflag:s28] =	ssyncadd.s32 $0xFFFFFC00;
	s1 =	stileid.u32;
	s0 =	sadd.s32 $0x1, s0  }
0x99: {  	s3 =	sshrl.u32 s5, $0x3;
	s1 =	sshll.u32 s1, $0x6;
	p0 =	sne.s32 s0, s7  }
.Ltmp2:
0x9a: {  	[bflag:$0x0] =	sbarrier.arrive $0xFFFF;
	s1 =	sor.u32 $0x1C01, s1;
	(pc) =	sbr.rel @p0 .LBB2_1-.Ltmp2, $4  }
0x9b: {  	[hbm:s6], [sflag:s1] =	dma.local [spmem:s3], $0x2800  }
0x9c: {  	_ =	swait.ge [sflag:s28], $0x2800  }
0x9d: {  	[sflag:s28] =	ssyncset.done $0x0  }
0x9e: {  	[sflag:s28] =	ssyncadd.s32 $0xFFFFD800  }
0x9f: {  	_ =	sfence.sel $0x180000  }
0xa0: {  	[bflag:$0x0] =	sbarrier.arrive $0xFFFF  }
0xa1: {  	_ =	strace $0x90000047  }
0xa2: {  	s0 =	stileid.u32;
	[bflag:$0x2] =	sbarrier.arrive $0xFFFF  }
0xa3: {  	p0 =	sne.s32 s0, $0x0;
	s0 =	rddreg [dreg:$0x3]  }
0xa4: {  	s0 =	sadd.s32 @!p0 $0x100000, s0  }
0xa5: {  	[sflag:s0] =	ssyncadd.tile.s32 @!p0 $0x1;
	_ =	shalt  }
.Lfunc_end2:
_tile_overlayer_lowered:
.L_overlay_start_2:
0xa6: {  	(tag) =	ssettag $0x2  }
0xa7: {  	s0 =	rddreg [dreg:$0x0];
	s2 =	stileid.u32  }
0xa8: {  	s1 =	rddreg [dreg:$0x1];
	p0 =	sne.s32 s2, $0x0  }
0xa9: {  	s3 =	rddreg [dreg:$0x2];
	[bflag:$0x3] =	sbarrier.arrive $0xFFFF;
	s2 =	simm.s32 @!p0 $0x1C01  }
0xaa: {  	[timem:s3], [sflag:s2] =	dma.local @!p0 [hbm:s0], s1  }
0xab: {  	s0 =	simm.s32 @!p0 $0x1  }
0xac: {  	_ =	swait.ge @!p0 [sflag:s0], s1  }
0xad: {  	s1 =	ssub.s32 @!p0 $0x0, s1;
	[sflag:s0] =	ssyncset.done @!p0 $0x0  }
0xae: {  	[sflag:s0] =	ssyncadd.s32 @!p0 s1  }
0xaf: {  	[bflag:$0x3] =	sbarrier.arrive $0xFFFF  }
0xb0: {  	_ =	shalt  }

</sc_bundles>
